<compile_context>
chip_gen: v7x
topology: tpu7x:2x2x1
jax: 0.10.2.dev20260603
libtpu: 0.0.44.dev20260713+nightly
codegen_flags: <defaults>
</compile_context>

<pallas_src>
import dataclasses

import jax
import jax.numpy as jnp
from jax import lax
from jax.experimental import pallas as pl
from jax.experimental.pallas import tpu as pltpu
from jax.experimental.pallas import tpu_sc as plsc

N = 10000
E = 320000
D = 128
NC = 2
NS = 16
NW = NC * NS
PER_W = E // NW
CH = 40
NCH = PER_W // CH
ROWS_A = 624
TAIL0 = NS * ROWS_A
TAIL = N - TAIL0


def _sc_segsum(with_counts=False):
    NB = 4 if with_counts else 6
    mesh = plsc.VectorSubcoreMesh(core_axis_name="c", subcore_axis_name="s")
    out_type = [jax.ShapeDtypeStruct((NC, N, D), jnp.float32)]
    scratch = (
        [pltpu.VMEM_SHARED((N, D), jnp.float32)]
        + [pltpu.VMEM((PER_W,), jnp.int32)] * 2
        + [pltpu.VMEM((CH, D), jnp.float32)] * NB
        + [pltpu.SemaphoreType.DMA] * (2 * NB)
    )
    cp = None
    if with_counts:
        out_type.append(jax.ShapeDtypeStruct((NW, N), jnp.float32))
        scratch.append(pltpu.VMEM((N,), jnp.float32))
        cp = pltpu.CompilerParams()
        if "needs_layout_passes" in pltpu.CompilerParams.__dataclass_fields__:
            cp = dataclasses.replace(cp, needs_layout_passes=False)

    def body(x_hbm, src_hbm, dst_hbm, zacc_hbm, *rest):
        if with_counts:
            acc_out, cnt_out, acc_sh, src_v, dst_v = rest[:5]
            bufs_and_sems = rest[5:]
            cnt_v = bufs_and_sems[3 * NB]
        else:
            acc_out, acc_sh, src_v, dst_v = rest[:4]
            bufs_and_sems = rest[4:]
        rows = bufs_and_sems[:NB]
        gsem = bufs_and_sems[NB:2 * NB]
        ssem = bufs_and_sems[2 * NB:3 * NB]
        cid = lax.axis_index("c")
        sid = lax.axis_index("s")
        wid = cid * NS + sid
        row0 = sid * ROWS_A

        pltpu.sync_copy(src_hbm.at[wid], src_v)

        def counts(c):
            if with_counts:
                ones16 = jnp.ones((16,), jnp.float32)
                for j in range(CH // 16):
                    plsc.addupdate_scatter(
                        cnt_v, [dst_v[pl.ds(c * CH + j * 16, 16)]], ones16)
                rem = CH % 16
                if rem:
                    mask = lax.iota(jnp.int32, 16) >= (16 - rem)
                    plsc.addupdate_scatter(
                        cnt_v, [dst_v[pl.ds(c * CH + CH - 16, 16)]], ones16,
                        mask=mask)

        def start_gather(c, b):
            pltpu.async_copy(
                x_hbm.at[src_v.at[pl.ds(c * CH, CH)]], rows[b], gsem[b])

        def wait_gather(c, b):
            pltpu.make_async_copy(
                x_hbm.at[src_v.at[pl.ds(c * CH, CH)]], rows[b],
                gsem[b]).wait()

        def start_scatter(c, b):
            pltpu.async_copy(
                rows[b], acc_sh.at[dst_v.at[pl.ds(c * CH, CH)]], ssem[b],
                add=True)

        def wait_scatter(c, b):
            pltpu.make_async_copy(
                rows[b], acc_sh.at[dst_v.at[pl.ds(c * CH, CH)]],
                ssem[b]).wait()

        for c in range(NB - 1):
            start_gather(c, c)

        pltpu.sync_copy(dst_hbm.at[wid], dst_v)
        pltpu.sync_copy(zacc_hbm.at[pl.ds(row0, ROWS_A)],
                        acc_sh.at[pl.ds(row0, ROWS_A)])

        @pl.when(sid == NS - 1)
        def _():
            pltpu.sync_copy(zacc_hbm.at[pl.ds(TAIL0, TAIL)],
                            acc_sh.at[pl.ds(TAIL0, TAIL)])

        if with_counts:
            @pl.loop(0, N, step=16)
            def _(j):
                cnt_v[pl.ds(j, 16)] = jnp.zeros((16,), jnp.float32)

        plsc.subcore_barrier()

        MAIN = NCH - NCH % NB

        @pl.loop(0, MAIN // NB)
        def _(k):
            for j in range(NB):
                b = j
                c = NB * k + j
                wait_gather(c, b)
                start_scatter(c, b)
                if j == 0:
                    @pl.when(k > 0)
                    def _():
                        wait_scatter(c - 1, (b - 1) % NB)
                else:
                    wait_scatter(c - 1, (b - 1) % NB)

                @pl.when(c + NB - 1 < NCH)
                def _():
                    start_gather(c + NB - 1, (j + NB - 1) % NB)

                counts(c)

        for c in range(MAIN, NCH):
            b = c % NB
            wait_gather(c, b)
            start_scatter(c, b)
            wait_scatter(c - 1, (b - 1) % NB)
            counts(c)
        wait_scatter(NCH - 1, (NCH - 1) % NB)

        plsc.subcore_barrier()

        pltpu.sync_copy(acc_sh.at[pl.ds(row0, ROWS_A)],
                        acc_out.at[cid].at[pl.ds(row0, ROWS_A)])

        @pl.when(sid == NS - 1)
        def _():
            pltpu.sync_copy(acc_sh.at[pl.ds(TAIL0, TAIL)],
                            acc_out.at[cid].at[pl.ds(TAIL0, TAIL)])

        if with_counts:
            pltpu.sync_copy(cnt_v, cnt_out.at[wid])

    return pl.kernel(body, out_type=tuple(out_type), mesh=mesh,
                     scratch_types=scratch, compiler_params=cp)


def _sc_hist():
    mesh = plsc.VectorSubcoreMesh(core_axis_name="c", subcore_axis_name="s")
    out_type = jax.ShapeDtypeStruct((NW, N), jnp.float32)
    scratch = [
        pltpu.VMEM((PER_W,), jnp.int32),
        pltpu.VMEM((N,), jnp.float32),
    ]
    cp = pltpu.CompilerParams()
    if "needs_layout_passes" in pltpu.CompilerParams.__dataclass_fields__:
        cp = dataclasses.replace(cp, needs_layout_passes=False)

    def body(dst_hbm, cnt_out, dst_v, cnt_v):
        cid = lax.axis_index("c")
        sid = lax.axis_index("s")
        wid = cid * NS + sid

        pltpu.sync_copy(dst_hbm.at[wid], dst_v)

        @pl.loop(0, N, step=16)
        def _(j):
            cnt_v[pl.ds(j, 16)] = jnp.zeros((16,), jnp.float32)

        ones16 = jnp.ones((16,), jnp.float32)

        @pl.loop(0, PER_W, step=16)
        def _(j):
            plsc.addupdate_scatter(cnt_v, [dst_v[pl.ds(j, 16)]], ones16)

        pltpu.sync_copy(cnt_v, cnt_out.at[wid])

    return pl.kernel(body, out_type=out_type, mesh=mesh,
                     scratch_types=scratch, compiler_params=cp)


B = 1000


def _tc_right():

    def body(x_ref, wr_ref, b_ref, o_ref):
        dn = (((1,), (1,)), ((), ()))
        o_ref[...] = lax.dot_general(
            x_ref[...], wr_ref[...], dn,
            preferred_element_type=jnp.float32) + b_ref[...]

    return pl.pallas_call(
        body,
        grid=(N // B,),
        in_specs=[
            pl.BlockSpec((B, D), lambda i: (i, 0)),
            pl.BlockSpec((D, D), lambda i: (0, 0)),
            pl.BlockSpec((1, D), lambda i: (0, 0)),
        ],
        out_specs=pl.BlockSpec((B, D), lambda i: (i, 0)),
        out_shape=jax.ShapeDtypeStruct((N, D), jnp.float32),
    )


def _tc_left(relu):

    def body(acc_ref, cnt_ref, xr_ref, wl_ref, o_ref):
        s = acc_ref[0] + acc_ref[1]
        cnt = jnp.sum(cnt_ref[...], axis=1)
        mean = s * (1.0 / jnp.maximum(cnt, 1.0))[:, None]
        dn = (((1,), (1,)), ((), ()))
        r = lax.dot_general(mean, wl_ref[...], dn,
                            preferred_element_type=jnp.float32) + xr_ref[...]
        o_ref[...] = jnp.maximum(r, 0.0) if relu else r

    return pl.pallas_call(
        body,
        grid=(N // B,),
        in_specs=[
            pl.BlockSpec((NC, B, D), lambda i: (0, i, 0)),
            pl.BlockSpec((B, NW), lambda i: (i, 0)),
            pl.BlockSpec((B, D), lambda i: (i, 0)),
            pl.BlockSpec((D, D), lambda i: (0, 0)),
        ],
        out_specs=pl.BlockSpec((B, D), lambda i: (i, 0)),
        out_shape=jax.ShapeDtypeStruct((N, D), jnp.float32),
    )


@jax.jit
def kernel(x, edge_index, W1_l, b1_l, W1_r, W2_l, b2_l, W2_r):
    ei = edge_index.astype(jnp.int32)
    src = ei[0].reshape(NW, PER_W)
    dst2 = ei[1].reshape(NW, PER_W)
    zacc = jnp.zeros((N, D), jnp.float32)
    b1 = b1_l.reshape(1, D)
    b2 = b2_l.reshape(1, D)

    cntp = _sc_hist()(dst2).T
    (acc1,) = _sc_segsum(False)(x, src, dst2, zacc)
    xr1 = _tc_right()(x, W1_r, b1)
    h = _tc_left(True)(acc1, cntp, xr1, W1_l)
    (acc2,) = _sc_segsum(False)(h, src, dst2, zacc)
    xr2 = _tc_right()(h, W2_r, b2)
    out = _tc_left(False)(acc2, cntp, xr2, W2_l)
    return out

# --- scband reference (transcript-rebuilt; emitter-appended) ---
"""Pipeline reference for scband-gnnencoder-18279380812528 (READ-ONLY COPY).

The authoritative reference and input builder live on the scoring server;
editing this copy changes nothing except your own understanding.
"""

import jax, jax.numpy as jnp
import numpy as np

N_NODES = 10000
N_EDGES = 320000
D = 128

def setup_inputs(seed: int = 0) -> dict:
    key = jax.random.key(seed)
    ks = jax.random.split(key, 9)
    x = jax.random.normal(ks[0], (N_NODES, D), dtype=jnp.float32)
    edge_index = jax.random.randint(ks[1], (2, N_EDGES), 0, N_NODES, dtype=jnp.int64)
    s = 1.0 / np.sqrt(D)
    W1_l = jax.random.uniform(ks[2], (D, D), jnp.float32, -s, s)
    b1_l = jax.random.uniform(ks[3], (D,), jnp.float32, -s, s)
    W1_r = jax.random.uniform(ks[4], (D, D), jnp.float32, -s, s)
    W2_l = jax.random.uniform(ks[5], (D, D), jnp.float32, -s, s)
    b2_l = jax.random.uniform(ks[6], (D,), jnp.float32, -s, s)
    W2_r = jax.random.uniform(ks[7], (D, D), jnp.float32, -s, s)
    return {"x": x, "edge_index": edge_index,
            "W1_l": W1_l, "b1_l": b1_l, "W1_r": W1_r,
            "W2_l": W2_l, "b2_l": b2_l, "W2_r": W2_r}

def _sage_conv(x, edge_index, W_l, b_l, W_r):
    # PyG SAGEConv with mean aggregation:
    # out = lin_l(mean_{j in N(i)} x_j) + lin_r(x_i)
    src = edge_index[0]
    dst = edge_index[1]
    msgs = jnp.take(x, src, axis=0)                          # gather [E, D]
    summed = jax.ops.segment_sum(msgs, dst, num_segments=N_NODES)
    cnt = jax.ops.segment_sum(jnp.ones((msgs.shape[0],), jnp.float32), dst, num_segments=N_NODES)
    mean = summed / jnp.clip(cnt, 1.0)[:, None]
    return mean @ W_l.T + b_l + x @ W_r.T

def reference(x, edge_index, W1_l, b1_l, W1_r, W2_l, b2_l, W2_r):
    h = _sage_conv(x, edge_index, W1_l, b1_l, W1_r)
    h = jax.nn.relu(h)
    # Dropout(p=0.3) is identity at inference
    out = _sage_conv(h, edge_index, W2_l, b2_l, W2_r)
    return out

if __name__ == "__main__":
    import jax
    _d = setup_inputs()
    print(jax.jit(kernel)(*tuple(_d.values())))

</pallas_src>

<mosaic_0001>
#map = affine_map<(d0, d1) -> (0, 0)>
module attributes {stable_mosaic.version = 14 : i64} {
  func.func @body(%arg0: i32, %arg1: i32, %arg2: memref<32x10000xi32, #tpu.memory_space<hbm>>, %arg3: memref<32x10000xf32, #tpu.memory_space<hbm>>, %arg4: memref<10000xi32, #tpu.memory_space<vmem>>, %arg5: memref<10000xf32, #tpu.memory_space<vmem>>) attributes {dimension_semantics = [#tpu.dimension_semantics<core_parallel>, #tpu.dimension_semantics<subcore_parallel>], iteration_bounds = array<i64: 2, 16>, scalar_prefetch = 0 : i64, scratch_operands = 2 : i64, tpu.core_type = #tpu.core_type<sc_vector_subcore>, window_params = [{transform_indices = #map}, {transform_indices = #map}]} {
    %mul3A = arith.constant 16 : i32
    %mul3A_0 = arith.muli %arg0, %mul3A : i32
    %add3A = arith.addi %mul3A_0, %arg1 : i32
    "tpu.region"() ({
      %run_scoped3A = tpu.sem_alloc : memref<!tpu.dma_semaphore, #tpu.memory_space<semaphore_mem>>
      %dma_start3A = arith.constant 0 : i32
      %dma_start3A_11 = tpu.memref_slice %arg2[%add3A, %dma_start3A] : memref<32x10000xi32, #tpu.memory_space<hbm>> -> memref<1x10000xi32, #tpu.memory_space<hbm>>
      %dma_start3A_12 = tpu.memref_squeeze %dma_start3A_11 : memref<1x10000xi32, #tpu.memory_space<hbm>> -> memref<10000xi32, #tpu.memory_space<hbm>>
      %dma_start3A_13 = arith.constant 0 : i32
      %dma_start3A_14 = tpu.memref_slice %arg2[%add3A, %dma_start3A_13] : memref<32x10000xi32, #tpu.memory_space<hbm>> -> memref<1x10000xi32, #tpu.memory_space<hbm>>
      %dma_start3A_15 = tpu.memref_squeeze %dma_start3A_14 : memref<1x10000xi32, #tpu.memory_space<hbm>> -> memref<10000xi32, #tpu.memory_space<hbm>>
      tpu.enqueue_dma source(%dma_start3A_15 : memref<10000xi32, #tpu.memory_space<hbm>>) target(%arg4 : memref<10000xi32, #tpu.memory_space<vmem>>) target_semaphore(%run_scoped3A : memref<!tpu.dma_semaphore, #tpu.memory_space<semaphore_mem>>)
      %dma_wait3A = arith.constant 0 : i32
      %dma_wait3A_16 = tpu.memref_slice %arg2[%add3A, %dma_wait3A] : memref<32x10000xi32, #tpu.memory_space<hbm>> -> memref<1x10000xi32, #tpu.memory_space<hbm>>
      %dma_wait3A_17 = tpu.memref_squeeze %dma_wait3A_16 : memref<1x10000xi32, #tpu.memory_space<hbm>> -> memref<10000xi32, #tpu.memory_space<hbm>>
      %dma_wait3A_18 = arith.constant 0 : i32
      %dma_wait3A_19 = tpu.memref_slice %arg2[%add3A, %dma_wait3A_18] : memref<32x10000xi32, #tpu.memory_space<hbm>> -> memref<1x10000xi32, #tpu.memory_space<hbm>>
      %dma_wait3A_20 = tpu.memref_squeeze %dma_wait3A_19 : memref<1x10000xi32, #tpu.memory_space<hbm>> -> memref<10000xi32, #tpu.memory_space<hbm>>
      tpu.wait_dma2 semaphore(%run_scoped3A : memref<!tpu.dma_semaphore, #tpu.memory_space<semaphore_mem>>) src(%dma_wait3A_20 : memref<10000xi32, #tpu.memory_space<hbm>>) dst(%arg4 : memref<10000xi32, #tpu.memory_space<vmem>>)
      tpu.yield
    }) : () -> ()
    %scan3A = arith.constant 0 : i32
    %scan3A_1 = arith.constant 625 : i32
    %scan3A_2 = arith.addi %scan3A, %scan3A_1 : i32
    %scan3A_3 = arith.constant 1 : i32
    scf.for %scan3A_11 = %scan3A to %scan3A_2 step %scan3A_3  : i32 {
      %mul3A_12 = arith.constant 16 : i32
      %mul3A_13 = arith.muli %scan3A_11, %mul3A_12 : i32
      %add3A_14 = arith.constant 0 : i32
      %add3A_15 = arith.addi %add3A_14, %mul3A_13 : i32
      %broadcast_in_dim3A_16 = arith.constant 0.000000e+00 : f32
      %broadcast_in_dim3A_17 = vector.broadcast %broadcast_in_dim3A_16 : f32 to vector<16xf32>
      %swap3A = arith.index_cast %add3A_15 : i32 to index
      %swap3A_18 = tpu.vector_load %arg5[%swap3A] {strides = array<i32>} : memref<10000xf32, #tpu.memory_space<vmem>>, vector<16xf32>,
      tpu.vector_store %arg5[%swap3A], %broadcast_in_dim3A_17 {strides = array<i32>} : memref<10000xf32, #tpu.memory_space<vmem>>, vector<16xf32>,
    }
    %scan3A_4 = arith.constant 625 : i32
    %broadcast_in_dim3A = arith.constant 1.000000e+00 : f32
    %broadcast_in_dim3A_5 = vector.broadcast %broadcast_in_dim3A : f32 to vector<16xf32>
    %scan3A_6 = arith.constant 0 : i32
    %scan3A_7 = arith.constant 625 : i32
    %scan3A_8 = arith.addi %scan3A_6, %scan3A_7 : i32
    %scan3A_9 = arith.constant 1 : i32
    scf.for %scan3A_11 = %scan3A_6 to %scan3A_8 step %scan3A_9  : i32 {
      %mul3A_12 = arith.constant 16 : i32
      %mul3A_13 = arith.muli %scan3A_11, %mul3A_12 : i32
      %add3A_14 = arith.constant 0 : i32
      %add3A_15 = arith.addi %add3A_14, %mul3A_13 : i32
      %get3A = arith.index_cast %add3A_15 : i32 to index
      %get3A_16 = tpu.vector_load %arg4[%get3A] {strides = array<i32>} : memref<10000xi32, #tpu.memory_space<vmem>>, vector<16xi32>,
      tpu.vector_store_idx %arg5[%get3A_16], %broadcast_in_dim3A_5 {add = true} : memref<10000xf32, #tpu.memory_space<vmem>>[vector<16xi32>], vector<16xf32>,
    }
    %scan3A_10 = arith.constant 625 : i32
    "tpu.region"() ({
      %run_scoped3A = tpu.sem_alloc : memref<!tpu.dma_semaphore, #tpu.memory_space<semaphore_mem>>
      %dma_start3A = arith.constant 0 : i32
      %dma_start3A_11 = tpu.memref_slice %arg3[%add3A, %dma_start3A] : memref<32x10000xf32, #tpu.memory_space<hbm>> -> memref<1x10000xf32, #tpu.memory_space<hbm>>
      %dma_start3A_12 = tpu.memref_squeeze %dma_start3A_11 : memref<1x10000xf32, #tpu.memory_space<hbm>> -> memref<10000xf32, #tpu.memory_space<hbm>>
      %dma_start3A_13 = arith.constant 0 : i32
      %dma_start3A_14 = tpu.memref_slice %arg3[%add3A, %dma_start3A_13] : memref<32x10000xf32, #tpu.memory_space<hbm>> -> memref<1x10000xf32, #tpu.memory_space<hbm>>
      %dma_start3A_15 = tpu.memref_squeeze %dma_start3A_14 : memref<1x10000xf32, #tpu.memory_space<hbm>> -> memref<10000xf32, #tpu.memory_space<hbm>>
      tpu.enqueue_dma source(%arg5 : memref<10000xf32, #tpu.memory_space<vmem>>) target(%dma_start3A_15 : memref<10000xf32, #tpu.memory_space<hbm>>) target_semaphore(%run_scoped3A : memref<!tpu.dma_semaphore, #tpu.memory_space<semaphore_mem>>)
      %dma_wait3A = arith.constant 0 : i32
      %dma_wait3A_16 = tpu.memref_slice %arg3[%add3A, %dma_wait3A] : memref<32x10000xf32, #tpu.memory_space<hbm>> -> memref<1x10000xf32, #tpu.memory_space<hbm>>
      %dma_wait3A_17 = tpu.memref_squeeze %dma_wait3A_16 : memref<1x10000xf32, #tpu.memory_space<hbm>> -> memref<10000xf32, #tpu.memory_space<hbm>>
      %dma_wait3A_18 = arith.constant 0 : i32
      %dma_wait3A_19 = tpu.memref_slice %arg3[%add3A, %dma_wait3A_18] : memref<32x10000xf32, #tpu.memory_space<hbm>> -> memref<1x10000xf32, #tpu.memory_space<hbm>>
      %dma_wait3A_20 = tpu.memref_squeeze %dma_wait3A_19 : memref<1x10000xf32, #tpu.memory_space<hbm>> -> memref<10000xf32, #tpu.memory_space<hbm>>
      tpu.wait_dma2 semaphore(%run_scoped3A : memref<!tpu.dma_semaphore, #tpu.memory_space<semaphore_mem>>) src(%arg5 : memref<10000xf32, #tpu.memory_space<vmem>>) dst(%dma_wait3A_20 : memref<10000xf32, #tpu.memory_space<hbm>>)
      tpu.yield
    }) : () -> ()
    return
  }
}

#map = affine_map<(d0, d1) -> (0, 0)>
#map1 = affine_map<(d0, d1) -> (0, 0, 0)>
module attributes {stable_mosaic.version = 14 : i64} {
  func.func @body(%arg0: i32, %arg1: i32, %arg2: memref<10000x128xf32, #tpu.memory_space<hbm>>, %arg3: memref<32x10000xi32, #tpu.memory_space<hbm>>, %arg4: memref<32x10000xi32, #tpu.memory_space<hbm>>, %arg5: memref<10000x128xf32, #tpu.memory_space<hbm>>, %arg6: memref<2x10000x128xf32, #tpu.memory_space<hbm>>, %arg7: memref<10000x128xf32, #tpu.memory_space<vmem_shared>>, %arg8: memref<10000xi32, #tpu.memory_space<vmem>>, %arg9: memref<10000xi32, #tpu.memory_space<vmem>>, %arg10: memref<40x128xf32, #tpu.memory_space<vmem>>, %arg11: memref<40x128xf32, #tpu.memory_space<vmem>>, %arg12: memref<40x128xf32, #tpu.memory_space<vmem>>, %arg13: memref<40x128xf32, #tpu.memory_space<vmem>>, %arg14: memref<40x128xf32, #tpu.memory_space<vmem>>, %arg15: memref<40x128xf32, #tpu.memory_space<vmem>>, %arg16: memref<!tpu.dma_semaphore, #tpu.memory_space<semaphore_mem>>, %arg17: memref<!tpu.dma_semaphore, #tpu.memory_space<semaphore_mem>>, %arg18: memref<!tpu.dma_semaphore, #tpu.memory_space<semaphore_mem>>, %arg19: memref<!tpu.dma_semaphore, #tpu.memory_space<semaphore_mem>>, %arg20: memref<!tpu.dma_semaphore, #tpu.memory_space<semaphore_mem>>, %arg21: memref<!tpu.dma_semaphore, #tpu.memory_space<semaphore_mem>>, %arg22: memref<!tpu.dma_semaphore, #tpu.memory_space<semaphore_mem>>, %arg23: memref<!tpu.dma_semaphore, #tpu.memory_space<semaphore_mem>>, %arg24: memref<!tpu.dma_semaphore, #tpu.memory_space<semaphore_mem>>, %arg25: memref<!tpu.dma_semaphore, #tpu.memory_space<semaphore_mem>>, %arg26: memref<!tpu.dma_semaphore, #tpu.memory_space<semaphore_mem>>, %arg27: memref<!tpu.dma_semaphore, #tpu.memory_space<semaphore_mem>>) attributes {dimension_semantics = [#tpu.dimension_semantics<core_parallel>, #tpu.dimension_semantics<subcore_parallel>], iteration_bounds = array<i64: 2, 16>, scalar_prefetch = 0 : i64, scratch_operands = 21 : i64, tpu.core_type = #tpu.core_type<sc_vector_subcore>, window_params = [{transform_indices = #map}, {transform_indices = #map}, {transform_indices = #map}, {transform_indices = #map}, {transform_indices = #map1}]} {
    %mul3A = arith.constant 16 : i32
    %mul3A_0 = arith.muli %arg0, %mul3A : i32
    %add3A = arith.addi %mul3A_0, %arg1 : i32
    %mul3A_1 = arith.constant 624 : i32
    %mul3A_2 = arith.muli %arg1, %mul3A_1 : i32
    "tpu.region"() ({
      %run_scoped3A = tpu.sem_alloc : memref<!tpu.dma_semaphore, #tpu.memory_space<semaphore_mem>>
      %dma_start3A_103 = arith.constant 0 : i32
      %dma_start3A_104 = tpu.memref_slice %arg3[%add3A, %dma_start3A_103] : memref<32x10000xi32, #tpu.memory_space<hbm>> -> memref<1x10000xi32, #tpu.memory_space<hbm>>
      %dma_start3A_105 = tpu.memref_squeeze %dma_start3A_104 : memref<1x10000xi32, #tpu.memory_space<hbm>> -> memref<10000xi32, #tpu.memory_space<hbm>>
      %dma_start3A_106 = arith.constant 0 : i32
      %dma_start3A_107 = tpu.memref_slice %arg3[%add3A, %dma_start3A_106] : memref<32x10000xi32, #tpu.memory_space<hbm>> -> memref<1x10000xi32, #tpu.memory_space<hbm>>
      %dma_start3A_108 = tpu.memref_squeeze %dma_start3A_107 : memref<1x10000xi32, #tpu.memory_space<hbm>> -> memref<10000xi32, #tpu.memory_space<hbm>>
      tpu.enqueue_dma source(%dma_start3A_108 : memref<10000xi32, #tpu.memory_space<hbm>>) target(%arg8 : memref<10000xi32, #tpu.memory_space<vmem>>) target_semaphore(%run_scoped3A : memref<!tpu.dma_semaphore, #tpu.memory_space<semaphore_mem>>)
      %dma_wait3A_109 = arith.constant 0 : i32
      %dma_wait3A_110 = tpu.memref_slice %arg3[%add3A, %dma_wait3A_109] : memref<32x10000xi32, #tpu.memory_space<hbm>> -> memref<1x10000xi32, #tpu.memory_space<hbm>>
      %dma_wait3A_111 = tpu.memref_squeeze %dma_wait3A_110 : memref<1x10000xi32, #tpu.memory_space<hbm>> -> memref<10000xi32, #tpu.memory_space<hbm>>
      %dma_wait3A_112 = arith.constant 0 : i32
      %dma_wait3A_113 = tpu.memref_slice %arg3[%add3A, %dma_wait3A_112] : memref<32x10000xi32, #tpu.memory_space<hbm>> -> memref<1x10000xi32, #tpu.memory_space<hbm>>
      %dma_wait3A_114 = tpu.memref_squeeze %dma_wait3A_113 : memref<1x10000xi32, #tpu.memory_space<hbm>> -> memref<10000xi32, #tpu.memory_space<hbm>>
      tpu.wait_dma2 semaphore(%run_scoped3A : memref<!tpu.dma_semaphore, #tpu.memory_space<semaphore_mem>>) src(%dma_wait3A_114 : memref<10000xi32, #tpu.memory_space<hbm>>) dst(%arg8 : memref<10000xi32, #tpu.memory_space<vmem>>)
      tpu.yield
    }) : () -> ()
    %dma_start3A = arith.constant 0 : i32
    %dma_start3A_3 = tpu.memref_slice %arg8[%dma_start3A] : memref<10000xi32, #tpu.memory_space<vmem>> -> memref<40xi32, #tpu.memory_space<vmem>>
    %dma_start3A_4 = arith.constant 0 : i32
    %dma_start3A_5 = arith.constant 0 : i32
    %dma_start3A_6 = tpu.memref_slice %arg2[%dma_start3A_4, %dma_start3A_5] : memref<10000x128xf32, #tpu.memory_space<hbm>> -> memref<10000x128xf32, #tpu.memory_space<hbm>>
    tpu.enqueue_indirect_dma source(%dma_start3A_6 : memref<10000x128xf32, #tpu.memory_space<hbm>>) target(%arg10 : memref<40x128xf32, #tpu.memory_space<vmem>>) offsets(%dma_start3A_3 : memref<40xi32, #tpu.memory_space<vmem>>) semaphore(%arg16 : memref<!tpu.dma_semaphore, #tpu.memory_space<semaphore_mem>>)
    %dma_start3A_7 = arith.constant 40 : i32
    %dma_start3A_8 = tpu.memref_slice %arg8[%dma_start3A_7] : memref<10000xi32, #tpu.memory_space<vmem>> -> memref<40xi32, #tpu.memory_space<vmem>>
    %dma_start3A_9 = arith.constant 0 : i32
    %dma_start3A_10 = arith.constant 0 : i32
    %dma_start3A_11 = tpu.memref_slice %arg2[%dma_start3A_9, %dma_start3A_10] : memref<10000x128xf32, #tpu.memory_space<hbm>> -> memref<10000x128xf32, #tpu.memory_space<hbm>>
    tpu.enqueue_indirect_dma source(%dma_start3A_11 : memref<10000x128xf32, #tpu.memory_space<hbm>>) target(%arg11 : memref<40x128xf32, #tpu.memory_space<vmem>>) offsets(%dma_start3A_8 : memref<40xi32, #tpu.memory_space<vmem>>) semaphore(%arg17 : memref<!tpu.dma_semaphore, #tpu.memory_space<semaphore_mem>>)
    %dma_start3A_12 = arith.constant 80 : i32
    %dma_start3A_13 = tpu.memref_slice %arg8[%dma_start3A_12] : memref<10000xi32, #tpu.memory_space<vmem>> -> memref<40xi32, #tpu.memory_space<vmem>>
    %dma_start3A_14 = arith.constant 0 : i32
    %dma_start3A_15 = arith.constant 0 : i32
    %dma_start3A_16 = tpu.memref_slice %arg2[%dma_start3A_14, %dma_start3A_15] : memref<10000x128xf32, #tpu.memory_space<hbm>> -> memref<10000x128xf32, #tpu.memory_space<hbm>>
    tpu.enqueue_indirect_dma source(%dma_start3A_16 : memref<10000x128xf32, #tpu.memory_space<hbm>>) target(%arg12 : memref<40x128xf32, #tpu.memory_space<vmem>>) offsets(%dma_start3A_13 : memref<40xi32, #tpu.memory_space<vmem>>) semaphore(%arg18 : memref<!tpu.dma_semaphore, #tpu.memory_space<semaphore_mem>>)
    %dma_start3A_17 = arith.constant 120 : i32
    %dma_start3A_18 = tpu.memref_slice %arg8[%dma_start3A_17] : memref<10000xi32, #tpu.memory_space<vmem>> -> memref<40xi32, #tpu.memory_space<vmem>>
    %dma_start3A_19 = arith.constant 0 : i32
    %dma_start3A_20 = arith.constant 0 : i32
    %dma_start3A_21 = tpu.memref_slice %arg2[%dma_start3A_19, %dma_start3A_20] : memref<10000x128xf32, #tpu.memory_space<hbm>> -> memref<10000x128xf32, #tpu.memory_space<hbm>>
    tpu.enqueue_indirect_dma source(%dma_start3A_21 : memref<10000x128xf32, #tpu.memory_space<hbm>>) target(%arg13 : memref<40x128xf32, #tpu.memory_space<vmem>>) offsets(%dma_start3A_18 : memref<40xi32, #tpu.memory_space<vmem>>) semaphore(%arg19 : memref<!tpu.dma_semaphore, #tpu.memory_space<semaphore_mem>>)
    %dma_start3A_22 = arith.constant 160 : i32
    %dma_start3A_23 = tpu.memref_slice %arg8[%dma_start3A_22] : memref<10000xi32, #tpu.memory_space<vmem>> -> memref<40xi32, #tpu.memory_space<vmem>>
    %dma_start3A_24 = arith.constant 0 : i32
    %dma_start3A_25 = arith.constant 0 : i32
    %dma_start3A_26 = tpu.memref_slice %arg2[%dma_start3A_24, %dma_start3A_25] : memref<10000x128xf32, #tpu.memory_space<hbm>> -> memref<10000x128xf32, #tpu.memory_space<hbm>>
    tpu.enqueue_indirect_dma source(%dma_start3A_26 : memref<10000x128xf32, #tpu.memory_space<hbm>>) target(%arg14 : memref<40x128xf32, #tpu.memory_space<vmem>>) offsets(%dma_start3A_23 : memref<40xi32, #tpu.memory_space<vmem>>) semaphore(%arg20 : memref<!tpu.dma_semaphore, #tpu.memory_space<semaphore_mem>>)
    "tpu.region"() ({
      %run_scoped3A = tpu.sem_alloc : memref<!tpu.dma_semaphore, #tpu.memory_space<semaphore_mem>>
      %dma_start3A_103 = arith.constant 0 : i32
      %dma_start3A_104 = tpu.memref_slice %arg4[%add3A, %dma_start3A_103] : memref<32x10000xi32, #tpu.memory_space<hbm>> -> memref<1x10000xi32, #tpu.memory_space<hbm>>
      %dma_start3A_105 = tpu.memref_squeeze %dma_start3A_104 : memref<1x10000xi32, #tpu.memory_space<hbm>> -> memref<10000xi32, #tpu.memory_space<hbm>>
      %dma_start3A_106 = arith.constant 0 : i32
      %dma_start3A_107 = tpu.memref_slice %arg4[%add3A, %dma_start3A_106] : memref<32x10000xi32, #tpu.memory_space<hbm>> -> memref<1x10000xi32, #tpu.memory_space<hbm>>
      %dma_start3A_108 = tpu.memref_squeeze %dma_start3A_107 : memref<1x10000xi32, #tpu.memory_space<hbm>> -> memref<10000xi32, #tpu.memory_space<hbm>>
      tpu.enqueue_dma source(%dma_start3A_108 : memref<10000xi32, #tpu.memory_space<hbm>>) target(%arg9 : memref<10000xi32, #tpu.memory_space<vmem>>) target_semaphore(%run_scoped3A : memref<!tpu.dma_semaphore, #tpu.memory_space<semaphore_mem>>)
      %dma_wait3A_109 = arith.constant 0 : i32
      %dma_wait3A_110 = tpu.memref_slice %arg4[%add3A, %dma_wait3A_109] : memref<32x10000xi32, #tpu.memory_space<hbm>> -> memref<1x10000xi32, #tpu.memory_space<hbm>>
      %dma_wait3A_111 = tpu.memref_squeeze %dma_wait3A_110 : memref<1x10000xi32, #tpu.memory_space<hbm>> -> memref<10000xi32, #tpu.memory_space<hbm>>
      %dma_wait3A_112 = arith.constant 0 : i32
      %dma_wait3A_113 = tpu.memref_slice %arg4[%add3A, %dma_wait3A_112] : memref<32x10000xi32, #tpu.memory_space<hbm>> -> memref<1x10000xi32, #tpu.memory_space<hbm>>
      %dma_wait3A_114 = tpu.memref_squeeze %dma_wait3A_113 : memref<1x10000xi32, #tpu.memory_space<hbm>> -> memref<10000xi32, #tpu.memory_space<hbm>>
      tpu.wait_dma2 semaphore(%run_scoped3A : memref<!tpu.dma_semaphore, #tpu.memory_space<semaphore_mem>>) src(%dma_wait3A_114 : memref<10000xi32, #tpu.memory_space<hbm>>) dst(%arg9 : memref<10000xi32, #tpu.memory_space<vmem>>)
      tpu.yield
    }) : () -> ()
    "tpu.region"() ({
      %run_scoped3A = tpu.sem_alloc : memref<!tpu.dma_semaphore, #tpu.memory_space<semaphore_mem>>
      %dma_start3A_103 = arith.constant 0 : i32
      %dma_start3A_104 = tpu.memref_slice %arg7[%mul3A_2, %dma_start3A_103] : memref<10000x128xf32, #tpu.memory_space<vmem_shared>> -> memref<624x128xf32, #tpu.memory_space<vmem_shared>>
      %dma_start3A_105 = arith.constant 0 : i32
      %dma_start3A_106 = tpu.memref_slice %arg5[%mul3A_2, %dma_start3A_105] : memref<10000x128xf32, #tpu.memory_space<hbm>> -> memref<624x128xf32, #tpu.memory_space<hbm>>
      tpu.enqueue_dma source(%dma_start3A_106 : memref<624x128xf32, #tpu.memory_space<hbm>>) target(%dma_start3A_104 : memref<624x128xf32, #tpu.memory_space<vmem_shared>>) target_semaphore(%run_scoped3A : memref<!tpu.dma_semaphore, #tpu.memory_space<semaphore_mem>>)
      %dma_wait3A_107 = arith.constant 0 : i32
      %dma_wait3A_108 = tpu.memref_slice %arg7[%mul3A_2, %dma_wait3A_107] : memref<10000x128xf32, #tpu.memory_space<vmem_shared>> -> memref<624x128xf32, #tpu.memory_space<vmem_shared>>
      %dma_wait3A_109 = arith.constant 0 : i32
      %dma_wait3A_110 = tpu.memref_slice %arg5[%mul3A_2, %dma_wait3A_109] : memref<10000x128xf32, #tpu.memory_space<hbm>> -> memref<624x128xf32, #tpu.memory_space<hbm>>
      tpu.wait_dma2 semaphore(%run_scoped3A : memref<!tpu.dma_semaphore, #tpu.memory_space<semaphore_mem>>) src(%dma_wait3A_110 : memref<624x128xf32, #tpu.memory_space<hbm>>) dst(%dma_wait3A_108 : memref<624x128xf32, #tpu.memory_space<vmem_shared>>)
      tpu.yield
    }) : () -> ()
    %eq3A = arith.constant 15 : i32
    %eq3A_27 = arith.cmpi eq, %arg1, %eq3A : i32
    %convert_element_type3A = arith.extui %eq3A_27 : i1 to i32
    %cond3A = arith.constant 0 : i32
    %cond3A_28 = arith.cmpi ne, %convert_element_type3A, %cond3A : i32
    scf.if %cond3A_28 {
      "tpu.region"() ({
        %run_scoped3A = tpu.sem_alloc : memref<!tpu.dma_semaphore, #tpu.memory_space<semaphore_mem>>
        %dma_start3A_103 = arith.constant 9984 : i32
        %dma_start3A_104 = arith.constant 0 : i32
        %dma_start3A_105 = tpu.memref_slice %arg7[%dma_start3A_103, %dma_start3A_104] : memref<10000x128xf32, #tpu.memory_space<vmem_shared>> -> memref<16x128xf32, #tpu.memory_space<vmem_shared>>
        %dma_start3A_106 = arith.constant 9984 : i32
        %dma_start3A_107 = arith.constant 0 : i32
        %dma_start3A_108 = tpu.memref_slice %arg5[%dma_start3A_106, %dma_start3A_107] : memref<10000x128xf32, #tpu.memory_space<hbm>> -> memref<16x128xf32, #tpu.memory_space<hbm>>
        tpu.enqueue_dma source(%dma_start3A_108 : memref<16x128xf32, #tpu.memory_space<hbm>>) target(%dma_start3A_105 : memref<16x128xf32, #tpu.memory_space<vmem_shared>>) target_semaphore(%run_scoped3A : memref<!tpu.dma_semaphore, #tpu.memory_space<semaphore_mem>>)
        %dma_wait3A_109 = arith.constant 9984 : i32
        %dma_wait3A_110 = arith.constant 0 : i32
        %dma_wait3A_111 = tpu.memref_slice %arg7[%dma_wait3A_109, %dma_wait3A_110] : memref<10000x128xf32, #tpu.memory_space<vmem_shared>> -> memref<16x128xf32, #tpu.memory_space<vmem_shared>>
        %dma_wait3A_112 = arith.constant 9984 : i32
        %dma_wait3A_113 = arith.constant 0 : i32
        %dma_wait3A_114 = tpu.memref_slice %arg5[%dma_wait3A_112, %dma_wait3A_113] : memref<10000x128xf32, #tpu.memory_space<hbm>> -> memref<16x128xf32, #tpu.memory_space<hbm>>
        tpu.wait_dma2 semaphore(%run_scoped3A : memref<!tpu.dma_semaphore, #tpu.memory_space<semaphore_mem>>) src(%dma_wait3A_114 : memref<16x128xf32, #tpu.memory_space<hbm>>) dst(%dma_wait3A_111 : memref<16x128xf32, #tpu.memory_space<vmem_shared>>)
        tpu.yield
      }) : () -> ()
    } else {
    }
    %barrier3A = arith.constant 0 : index
    tpu.barrier barrier_id(%barrier3A)
    %scan3A = arith.constant 0 : i32
    %scan3A_29 = arith.constant 41 : i32
    %scan3A_30 = arith.addi %scan3A, %scan3A_29 : i32
    %scan3A_31 = arith.constant 1 : i32
    scf.for %scan3A_103 = %scan3A to %scan3A_30 step %scan3A_31  : i32 {
      %mul3A_104 = arith.constant 1 : i32
      %mul3A_105 = arith.muli %scan3A_103, %mul3A_104 : i32
      %add3A_106 = arith.constant 0 : i32
      %add3A_107 = arith.addi %add3A_106, %mul3A_105 : i32
      %mul3A_108 = arith.constant 6 : i32
      %mul3A_109 = arith.muli %mul3A_108, %add3A_107 : i32
      %add3A_110 = arith.constant 0 : i32
      %add3A_111 = arith.addi %mul3A_109, %add3A_110 : i32
      %mul3A_112 = arith.constant 40 : i32
      %mul3A_113 = arith.muli %add3A_111, %mul3A_112 : i32
      %dma_wait3A_114 = tpu.memref_slice %arg8[%mul3A_113] : memref<10000xi32, #tpu.memory_space<vmem>> -> memref<40xi32, #tpu.memory_space<vmem>>
      %dma_wait3A_115 = arith.constant 0 : i32
      %dma_wait3A_116 = arith.constant 0 : i32
      %dma_wait3A_117 = tpu.memref_slice %arg2[%dma_wait3A_115, %dma_wait3A_116] : memref<10000x128xf32, #tpu.memory_space<hbm>> -> memref<10000x128xf32, #tpu.memory_space<hbm>>
      tpu.wait_indirect_dma semaphore(%arg16 : memref<!tpu.dma_semaphore, #tpu.memory_space<semaphore_mem>>) src(%dma_wait3A_117 : memref<10000x128xf32, #tpu.memory_space<hbm>>) dst(%arg10 : memref<40x128xf32, #tpu.memory_space<vmem>>)
      %mul3A_118 = arith.constant 40 : i32
      %mul3A_119 = arith.muli %add3A_111, %mul3A_118 : i32
      %dma_start3A_120 = tpu.memref_slice %arg9[%mul3A_119] : memref<10000xi32, #tpu.memory_space<vmem>> -> memref<40xi32, #tpu.memory_space<vmem>>
      %dma_start3A_121 = arith.constant 0 : i32
      %dma_start3A_122 = arith.constant 0 : i32
      %dma_start3A_123 = tpu.memref_slice %arg7[%dma_start3A_121, %dma_start3A_122] : memref<10000x128xf32, #tpu.memory_space<vmem_shared>> -> memref<10000x128xf32, #tpu.memory_space<vmem_shared>>
      tpu.enqueue_indirect_dma source(%arg10 : memref<40x128xf32, #tpu.memory_space<vmem>>) target(%dma_start3A_123 : memref<10000x128xf32, #tpu.memory_space<vmem_shared>>) offsets(%dma_start3A_120 : memref<40xi32, #tpu.memory_space<vmem>>) semaphore(%arg22 : memref<!tpu.dma_semaphore, #tpu.memory_space<semaphore_mem>>) {add = true}
      %gt3A = arith.constant 0 : i32
      %gt3A_124 = arith.cmpi sgt, %add3A_107, %gt3A : i32
      %convert_element_type3A_125 = arith.extui %gt3A_124 : i1 to i32
      %cond3A_126 = arith.constant 0 : i32
      %cond3A_127 = arith.cmpi ne, %convert_element_type3A_125, %cond3A_126 : i32
      scf.if %cond3A_127 {
        %sub3A_300 = arith.constant 1 : i32
        %sub3A_301 = arith.subi %add3A_111, %sub3A_300 : i32
        %mul3A_302 = arith.constant 40 : i32
        %mul3A_303 = arith.muli %sub3A_301, %mul3A_302 : i32
        %dma_wait3A_304 = tpu.memref_slice %arg9[%mul3A_303] : memref<10000xi32, #tpu.memory_space<vmem>> -> memref<40xi32, #tpu.memory_space<vmem>>
        %dma_wait3A_305 = arith.constant 0 : i32
        %dma_wait3A_306 = arith.constant 0 : i32
        %dma_wait3A_307 = tpu.memref_slice %arg7[%dma_wait3A_305, %dma_wait3A_306] : memref<10000x128xf32, #tpu.memory_space<vmem_shared>> -> memref<10000x128xf32, #tpu.memory_space<vmem_shared>>
        tpu.wait_indirect_dma semaphore(%arg27 : memref<!tpu.dma_semaphore, #tpu.memory_space<semaphore_mem>>) src(%arg15 : memref<40x128xf32, #tpu.memory_space<vmem>>) dst(%dma_wait3A_307 : memref<10000x128xf32, #tpu.memory_space<vmem_shared>>)
      } else {
      }
      %add3A_128 = arith.constant 6 : i32
      %add3A_129 = arith.addi %add3A_111, %add3A_128 : i32
      %sub3A = arith.constant 1 : i32
      %sub3A_130 = arith.subi %add3A_129, %sub3A : i32
      %lt3A = arith.constant 250 : i32
      %lt3A_131 = arith.cmpi slt, %sub3A_130, %lt3A : i32
      %convert_element_type3A_132 = arith.extui %lt3A_131 : i1 to i32
      %cond3A_133 = arith.constant 0 : i32
      %cond3A_134 = arith.cmpi ne, %convert_element_type3A_132, %cond3A_133 : i32
      scf.if %cond3A_134 {
        %add3A_300 = arith.constant 6 : i32
        %add3A_301 = arith.addi %add3A_111, %add3A_300 : i32
        %sub3A_302 = arith.constant 1 : i32
        %sub3A_303 = arith.subi %add3A_301, %sub3A_302 : i32
        %mul3A_304 = arith.constant 40 : i32
        %mul3A_305 = arith.muli %sub3A_303, %mul3A_304 : i32
        %dma_start3A_306 = tpu.memref_slice %arg8[%mul3A_305] : memref<10000xi32, #tpu.memory_space<vmem>> -> memref<40xi32, #tpu.memory_space<vmem>>
        %dma_start3A_307 = arith.constant 0 : i32
        %dma_start3A_308 = arith.constant 0 : i32
        %dma_start3A_309 = tpu.memref_slice %arg2[%dma_start3A_307, %dma_start3A_308] : memref<10000x128xf32, #tpu.memory_space<hbm>> -> memref<10000x128xf32, #tpu.memory_space<hbm>>
        tpu.enqueue_indirect_dma source(%dma_start3A_309 : memref<10000x128xf32, #tpu.memory_space<hbm>>) target(%arg15 : memref<40x128xf32, #tpu.memory_space<vmem>>) offsets(%dma_start3A_306 : memref<40xi32, #tpu.memory_space<vmem>>) semaphore(%arg21 : memref<!tpu.dma_semaphore, #tpu.memory_space<semaphore_mem>>)
      } else {
      }
      %mul3A_135 = arith.constant 6 : i32
      %mul3A_136 = arith.muli %mul3A_135, %add3A_107 : i32
      %add3A_137 = arith.constant 1 : i32
      %add3A_138 = arith.addi %mul3A_136, %add3A_137 : i32
      %mul3A_139 = arith.constant 40 : i32
      %mul3A_140 = arith.muli %add3A_138, %mul3A_139 : i32
      %dma_wait3A_141 = tpu.memref_slice %arg8[%mul3A_140] : memref<10000xi32, #tpu.memory_space<vmem>> -> memref<40xi32, #tpu.memory_space<vmem>>
      %dma_wait3A_142 = arith.constant 0 : i32
      %dma_wait3A_143 = arith.constant 0 : i32
      %dma_wait3A_144 = tpu.memref_slice %arg2[%dma_wait3A_142, %dma_wait3A_143] : memref<10000x128xf32, #tpu.memory_space<hbm>> -> memref<10000x128xf32, #tpu.memory_space<hbm>>
      tpu.wait_indirect_dma semaphore(%arg17 : memref<!tpu.dma_semaphore, #tpu.memory_space<semaphore_mem>>) src(%dma_wait3A_144 : memref<10000x128xf32, #tpu.memory_space<hbm>>) dst(%arg11 : memref<40x128xf32, #tpu.memory_space<vmem>>)
      %mul3A_145 = arith.constant 40 : i32
      %mul3A_146 = arith.muli %add3A_138, %mul3A_145 : i32
      %dma_start3A_147 = tpu.memref_slice %arg9[%mul3A_146] : memref<10000xi32, #tpu.memory_space<vmem>> -> memref<40xi32, #tpu.memory_space<vmem>>
      %dma_start3A_148 = arith.constant 0 : i32
      %dma_start3A_149 = arith.constant 0 : i32
      %dma_start3A_150 = tpu.memref_slice %arg7[%dma_start3A_148, %dma_start3A_149] : memref<10000x128xf32, #tpu.memory_space<vmem_shared>> -> memref<10000x128xf32, #tpu.memory_space<vmem_shared>>
      tpu.enqueue_indirect_dma source(%arg11 : memref<40x128xf32, #tpu.memory_space<vmem>>) target(%dma_start3A_150 : memref<10000x128xf32, #tpu.memory_space<vmem_shared>>) offsets(%dma_start3A_147 : memref<40xi32, #tpu.memory_space<vmem>>) semaphore(%arg23 : memref<!tpu.dma_semaphore, #tpu.memory_space<semaphore_mem>>) {add = true}
      %sub3A_151 = arith.constant 1 : i32
      %sub3A_152 = arith.subi %add3A_138, %sub3A_151 : i32
      %mul3A_153 = arith.constant 40 : i32
      %mul3A_154 = arith.muli %sub3A_152, %mul3A_153 : i32
      %dma_wait3A_155 = tpu.memref_slice %arg9[%mul3A_154] : memref<10000xi32, #tpu.memory_space<vmem>> -> memref<40xi32, #tpu.memory_space<vmem>>
      %dma_wait3A_156 = arith.constant 0 : i32
      %dma_wait3A_157 = arith.constant 0 : i32
      %dma_wait3A_158 = tpu.memref_slice %arg7[%dma_wait3A_156, %dma_wait3A_157] : memref<10000x128xf32, #tpu.memory_space<vmem_shared>> -> memref<10000x128xf32, #tpu.memory_space<vmem_shared>>
      tpu.wait_indirect_dma semaphore(%arg22 : memref<!tpu.dma_semaphore, #tpu.memory_space<semaphore_mem>>) src(%arg10 : memref<40x128xf32, #tpu.memory_space<vmem>>) dst(%dma_wait3A_158 : memref<10000x128xf32, #tpu.memory_space<vmem_shared>>)
      %add3A_159 = arith.constant 6 : i32
      %add3A_160 = arith.addi %add3A_138, %add3A_159 : i32
      %sub3A_161 = arith.constant 1 : i32
      %sub3A_162 = arith.subi %add3A_160, %sub3A_161 : i32
      %lt3A_163 = arith.constant 250 : i32
      %lt3A_164 = arith.cmpi slt, %sub3A_162, %lt3A_163 : i32
      %convert_element_type3A_165 = arith.extui %lt3A_164 : i1 to i32
      %cond3A_166 = arith.constant 0 : i32
      %cond3A_167 = arith.cmpi ne, %convert_element_type3A_165, %cond3A_166 : i32
      scf.if %cond3A_167 {
        %add3A_300 = arith.constant 6 : i32
        %add3A_301 = arith.addi %add3A_138, %add3A_300 : i32
        %sub3A_302 = arith.constant 1 : i32
        %sub3A_303 = arith.subi %add3A_301, %sub3A_302 : i32
        %mul3A_304 = arith.constant 40 : i32
        %mul3A_305 = arith.muli %sub3A_303, %mul3A_304 : i32
        %dma_start3A_306 = tpu.memref_slice %arg8[%mul3A_305] : memref<10000xi32, #tpu.memory_space<vmem>> -> memref<40xi32, #tpu.memory_space<vmem>>
        %dma_start3A_307 = arith.constant 0 : i32
        %dma_start3A_308 = arith.constant 0 : i32
        %dma_start3A_309 = tpu.memref_slice %arg2[%dma_start3A_307, %dma_start3A_308] : memref<10000x128xf32, #tpu.memory_space<hbm>> -> memref<10000x128xf32, #tpu.memory_space<hbm>>
        tpu.enqueue_indirect_dma source(%dma_start3A_309 : memref<10000x128xf32, #tpu.memory_space<hbm>>) target(%arg10 : memref<40x128xf32, #tpu.memory_space<vmem>>) offsets(%dma_start3A_306 : memref<40xi32, #tpu.memory_space<vmem>>) semaphore(%arg16 : memref<!tpu.dma_semaphore, #tpu.memory_space<semaphore_mem>>)
      } else {
      }
      %mul3A_168 = arith.constant 6 : i32
      %mul3A_169 = arith.muli %mul3A_168, %add3A_107 : i32
      %add3A_170 = arith.constant 2 : i32
      %add3A_171 = arith.addi %mul3A_169, %add3A_170 : i32
      %mul3A_172 = arith.constant 40 : i32
      %mul3A_173 = arith.muli %add3A_171, %mul3A_172 : i32
      %dma_wait3A_174 = tpu.memref_slice %arg8[%mul3A_173] : memref<10000xi32, #tpu.memory_space<vmem>> -> memref<40xi32, #tpu.memory_space<vmem>>
      %dma_wait3A_175 = arith.constant 0 : i32
      %dma_wait3A_176 = arith.constant 0 : i32
      %dma_wait3A_177 = tpu.memref_slice %arg2[%dma_wait3A_175, %dma_wait3A_176] : memref<10000x128xf32, #tpu.memory_space<hbm>> -> memref<10000x128xf32, #tpu.memory_space<hbm>>
      tpu.wait_indirect_dma semaphore(%arg18 : memref<!tpu.dma_semaphore, #tpu.memory_space<semaphore_mem>>) src(%dma_wait3A_177 : memref<10000x128xf32, #tpu.memory_space<hbm>>) dst(%arg12 : memref<40x128xf32, #tpu.memory_space<vmem>>)
      %mul3A_178 = arith.constant 40 : i32
      %mul3A_179 = arith.muli %add3A_171, %mul3A_178 : i32
      %dma_start3A_180 = tpu.memref_slice %arg9[%mul3A_179] : memref<10000xi32, #tpu.memory_space<vmem>> -> memref<40xi32, #tpu.memory_space<vmem>>
      %dma_start3A_181 = arith.constant 0 : i32
      %dma_start3A_182 = arith.constant 0 : i32
      %dma_start3A_183 = tpu.memref_slice %arg7[%dma_start3A_181, %dma_start3A_182] : memref<10000x128xf32, #tpu.memory_space<vmem_shared>> -> memref<10000x128xf32, #tpu.memory_space<vmem_shared>>
      tpu.enqueue_indirect_dma source(%arg12 : memref<40x128xf32, #tpu.memory_space<vmem>>) target(%dma_start3A_183 : memref<10000x128xf32, #tpu.memory_space<vmem_shared>>) offsets(%dma_start3A_180 : memref<40xi32, #tpu.memory_space<vmem>>) semaphore(%arg24 : memref<!tpu.dma_semaphore, #tpu.memory_space<semaphore_mem>>) {add = true}
      %sub3A_184 = arith.constant 1 : i32
      %sub3A_185 = arith.subi %add3A_171, %sub3A_184 : i32
      %mul3A_186 = arith.constant 40 : i32
      %mul3A_187 = arith.muli %sub3A_185, %mul3A_186 : i32
      %dma_wait3A_188 = tpu.memref_slice %arg9[%mul3A_187] : memref<10000xi32, #tpu.memory_space<vmem>> -> memref<40xi32, #tpu.memory_space<vmem>>
      %dma_wait3A_189 = arith.constant 0 : i32
      %dma_wait3A_190 = arith.constant 0 : i32
      %dma_wait3A_191 = tpu.memref_slice %arg7[%dma_wait3A_189, %dma_wait3A_190] : memref<10000x128xf32, #tpu.memory_space<vmem_shared>> -> memref<10000x128xf32, #tpu.memory_space<vmem_shared>>
      tpu.wait_indirect_dma semaphore(%arg23 : memref<!tpu.dma_semaphore, #tpu.memory_space<semaphore_mem>>) src(%arg11 : memref<40x128xf32, #tpu.memory_space<vmem>>) dst(%dma_wait3A_191 : memref<10000x128xf32, #tpu.memory_space<vmem_shared>>)
      %add3A_192 = arith.constant 6 : i32
      %add3A_193 = arith.addi %add3A_171, %add3A_192 : i32
      %sub3A_194 = arith.constant 1 : i32
      %sub3A_195 = arith.subi %add3A_193, %sub3A_194 : i32
      %lt3A_196 = arith.constant 250 : i32
      %lt3A_197 = arith.cmpi slt, %sub3A_195, %lt3A_196 : i32
      %convert_element_type3A_198 = arith.extui %lt3A_197 : i1 to i32
      %cond3A_199 = arith.constant 0 : i32
      %cond3A_200 = arith.cmpi ne, %convert_element_type3A_198, %cond3A_199 : i32
      scf.if %cond3A_200 {
        %add3A_300 = arith.constant 6 : i32
        %add3A_301 = arith.addi %add3A_171, %add3A_300 : i32
        %sub3A_302 = arith.constant 1 : i32
        %sub3A_303 = arith.subi %add3A_301, %sub3A_302 : i32
        %mul3A_304 = arith.constant 40 : i32
        %mul3A_305 = arith.muli %sub3A_303, %mul3A_304 : i32
        %dma_start3A_306 = tpu.memref_slice %arg8[%mul3A_305] : memref<10000xi32, #tpu.memory_space<vmem>> -> memref<40xi32, #tpu.memory_space<vmem>>
        %dma_start3A_307 = arith.constant 0 : i32
        %dma_start3A_308 = arith.constant 0 : i32
        %dma_start3A_309 = tpu.memref_slice %arg2[%dma_start3A_307, %dma_start3A_308] : memref<10000x128xf32, #tpu.memory_space<hbm>> -> memref<10000x128xf32, #tpu.memory_space<hbm>>
        tpu.enqueue_indirect_dma source(%dma_start3A_309 : memref<10000x128xf32, #tpu.memory_space<hbm>>) target(%arg11 : memref<40x128xf32, #tpu.memory_space<vmem>>) offsets(%dma_start3A_306 : memref<40xi32, #tpu.memory_space<vmem>>) semaphore(%arg17 : memref<!tpu.dma_semaphore, #tpu.memory_space<semaphore_mem>>)
      } else {
      }
      %mul3A_201 = arith.constant 6 : i32
      %mul3A_202 = arith.muli %mul3A_201, %add3A_107 : i32
      %add3A_203 = arith.constant 3 : i32
      %add3A_204 = arith.addi %mul3A_202, %add3A_203 : i32
      %mul3A_205 = arith.constant 40 : i32
      %mul3A_206 = arith.muli %add3A_204, %mul3A_205 : i32
      %dma_wait3A_207 = tpu.memref_slice %arg8[%mul3A_206] : memref<10000xi32, #tpu.memory_space<vmem>> -> memref<40xi32, #tpu.memory_space<vmem>>
      %dma_wait3A_208 = arith.constant 0 : i32
      %dma_wait3A_209 = arith.constant 0 : i32
      %dma_wait3A_210 = tpu.memref_slice %arg2[%dma_wait3A_208, %dma_wait3A_209] : memref<10000x128xf32, #tpu.memory_space<hbm>> -> memref<10000x128xf32, #tpu.memory_space<hbm>>
      tpu.wait_indirect_dma semaphore(%arg19 : memref<!tpu.dma_semaphore, #tpu.memory_space<semaphore_mem>>) src(%dma_wait3A_210 : memref<10000x128xf32, #tpu.memory_space<hbm>>) dst(%arg13 : memref<40x128xf32, #tpu.memory_space<vmem>>)
      %mul3A_211 = arith.constant 40 : i32
      %mul3A_212 = arith.muli %add3A_204, %mul3A_211 : i32
      %dma_start3A_213 = tpu.memref_slice %arg9[%mul3A_212] : memref<10000xi32, #tpu.memory_space<vmem>> -> memref<40xi32, #tpu.memory_space<vmem>>
      %dma_start3A_214 = arith.constant 0 : i32
      %dma_start3A_215 = arith.constant 0 : i32
      %dma_start3A_216 = tpu.memref_slice %arg7[%dma_start3A_214, %dma_start3A_215] : memref<10000x128xf32, #tpu.memory_space<vmem_shared>> -> memref<10000x128xf32, #tpu.memory_space<vmem_shared>>
      tpu.enqueue_indirect_dma source(%arg13 : memref<40x128xf32, #tpu.memory_space<vmem>>) target(%dma_start3A_216 : memref<10000x128xf32, #tpu.memory_space<vmem_shared>>) offsets(%dma_start3A_213 : memref<40xi32, #tpu.memory_space<vmem>>) semaphore(%arg25 : memref<!tpu.dma_semaphore, #tpu.memory_space<semaphore_mem>>) {add = true}
      %sub3A_217 = arith.constant 1 : i32
      %sub3A_218 = arith.subi %add3A_204, %sub3A_217 : i32
      %mul3A_219 = arith.constant 40 : i32
      %mul3A_220 = arith.muli %sub3A_218, %mul3A_219 : i32
      %dma_wait3A_221 = tpu.memref_slice %arg9[%mul3A_220] : memref<10000xi32, #tpu.memory_space<vmem>> -> memref<40xi32, #tpu.memory_space<vmem>>
      %dma_wait3A_222 = arith.constant 0 : i32
      %dma_wait3A_223 = arith.constant 0 : i32
      %dma_wait3A_224 = tpu.memref_slice %arg7[%dma_wait3A_222, %dma_wait3A_223] : memref<10000x128xf32, #tpu.memory_space<vmem_shared>> -> memref<10000x128xf32, #tpu.memory_space<vmem_shared>>
      tpu.wait_indirect_dma semaphore(%arg24 : memref<!tpu.dma_semaphore, #tpu.memory_space<semaphore_mem>>) src(%arg12 : memref<40x128xf32, #tpu.memory_space<vmem>>) dst(%dma_wait3A_224 : memref<10000x128xf32, #tpu.memory_space<vmem_shared>>)
      %add3A_225 = arith.constant 6 : i32
      %add3A_226 = arith.addi %add3A_204, %add3A_225 : i32
      %sub3A_227 = arith.constant 1 : i32
      %sub3A_228 = arith.subi %add3A_226, %sub3A_227 : i32
      %lt3A_229 = arith.constant 250 : i32
      %lt3A_230 = arith.cmpi slt, %sub3A_228, %lt3A_229 : i32
      %convert_element_type3A_231 = arith.extui %lt3A_230 : i1 to i32
      %cond3A_232 = arith.constant 0 : i32
      %cond3A_233 = arith.cmpi ne, %convert_element_type3A_231, %cond3A_232 : i32
      scf.if %cond3A_233 {
        %add3A_300 = arith.constant 6 : i32
        %add3A_301 = arith.addi %add3A_204, %add3A_300 : i32
        %sub3A_302 = arith.constant 1 : i32
        %sub3A_303 = arith.subi %add3A_301, %sub3A_302 : i32
        %mul3A_304 = arith.constant 40 : i32
        %mul3A_305 = arith.muli %sub3A_303, %mul3A_304 : i32
        %dma_start3A_306 = tpu.memref_slice %arg8[%mul3A_305] : memref<10000xi32, #tpu.memory_space<vmem>> -> memref<40xi32, #tpu.memory_space<vmem>>
        %dma_start3A_307 = arith.constant 0 : i32
        %dma_start3A_308 = arith.constant 0 : i32
        %dma_start3A_309 = tpu.memref_slice %arg2[%dma_start3A_307, %dma_start3A_308] : memref<10000x128xf32, #tpu.memory_space<hbm>> -> memref<10000x128xf32, #tpu.memory_space<hbm>>
        tpu.enqueue_indirect_dma source(%dma_start3A_309 : memref<10000x128xf32, #tpu.memory_space<hbm>>) target(%arg12 : memref<40x128xf32, #tpu.memory_space<vmem>>) offsets(%dma_start3A_306 : memref<40xi32, #tpu.memory_space<vmem>>) semaphore(%arg18 : memref<!tpu.dma_semaphore, #tpu.memory_space<semaphore_mem>>)
      } else {
      }
      %mul3A_234 = arith.constant 6 : i32
      %mul3A_235 = arith.muli %mul3A_234, %add3A_107 : i32
      %add3A_236 = arith.constant 4 : i32
      %add3A_237 = arith.addi %mul3A_235, %add3A_236 : i32
      %mul3A_238 = arith.constant 40 : i32
      %mul3A_239 = arith.muli %add3A_237, %mul3A_238 : i32
      %dma_wait3A_240 = tpu.memref_slice %arg8[%mul3A_239] : memref<10000xi32, #tpu.memory_space<vmem>> -> memref<40xi32, #tpu.memory_space<vmem>>
      %dma_wait3A_241 = arith.constant 0 : i32
      %dma_wait3A_242 = arith.constant 0 : i32
      %dma_wait3A_243 = tpu.memref_slice %arg2[%dma_wait3A_241, %dma_wait3A_242] : memref<10000x128xf32, #tpu.memory_space<hbm>> -> memref<10000x128xf32, #tpu.memory_space<hbm>>
      tpu.wait_indirect_dma semaphore(%arg20 : memref<!tpu.dma_semaphore, #tpu.memory_space<semaphore_mem>>) src(%dma_wait3A_243 : memref<10000x128xf32, #tpu.memory_space<hbm>>) dst(%arg14 : memref<40x128xf32, #tpu.memory_space<vmem>>)
      %mul3A_244 = arith.constant 40 : i32
      %mul3A_245 = arith.muli %add3A_237, %mul3A_244 : i32
      %dma_start3A_246 = tpu.memref_slice %arg9[%mul3A_245] : memref<10000xi32, #tpu.memory_space<vmem>> -> memref<40xi32, #tpu.memory_space<vmem>>
      %dma_start3A_247 = arith.constant 0 : i32
      %dma_start3A_248 = arith.constant 0 : i32
      %dma_start3A_249 = tpu.memref_slice %arg7[%dma_start3A_247, %dma_start3A_248] : memref<10000x128xf32, #tpu.memory_space<vmem_shared>> -> memref<10000x128xf32, #tpu.memory_space<vmem_shared>>
      tpu.enqueue_indirect_dma source(%arg14 : memref<40x128xf32, #tpu.memory_space<vmem>>) target(%dma_start3A_249 : memref<10000x128xf32, #tpu.memory_space<vmem_shared>>) offsets(%dma_start3A_246 : memref<40xi32, #tpu.memory_space<vmem>>) semaphore(%arg26 : memref<!tpu.dma_semaphore, #tpu.memory_space<semaphore_mem>>) {add = true}
      %sub3A_250 = arith.constant 1 : i32
      %sub3A_251 = arith.subi %add3A_237, %sub3A_250 : i32
      %mul3A_252 = arith.constant 40 : i32
      %mul3A_253 = arith.muli %sub3A_251, %mul3A_252 : i32
      %dma_wait3A_254 = tpu.memref_slice %arg9[%mul3A_253] : memref<10000xi32, #tpu.memory_space<vmem>> -> memref<40xi32, #tpu.memory_space<vmem>>
      %dma_wait3A_255 = arith.constant 0 : i32
      %dma_wait3A_256 = arith.constant 0 : i32
      %dma_wait3A_257 = tpu.memref_slice %arg7[%dma_wait3A_255, %dma_wait3A_256] : memref<10000x128xf32, #tpu.memory_space<vmem_shared>> -> memref<10000x128xf32, #tpu.memory_space<vmem_shared>>
      tpu.wait_indirect_dma semaphore(%arg25 : memref<!tpu.dma_semaphore, #tpu.memory_space<semaphore_mem>>) src(%arg13 : memref<40x128xf32, #tpu.memory_space<vmem>>) dst(%dma_wait3A_257 : memref<10000x128xf32, #tpu.memory_space<vmem_shared>>)
      %add3A_258 = arith.constant 6 : i32
      %add3A_259 = arith.addi %add3A_237, %add3A_258 : i32
      %sub3A_260 = arith.constant 1 : i32
      %sub3A_261 = arith.subi %add3A_259, %sub3A_260 : i32
      %lt3A_262 = arith.constant 250 : i32
      %lt3A_263 = arith.cmpi slt, %sub3A_261, %lt3A_262 : i32
      %convert_element_type3A_264 = arith.extui %lt3A_263 : i1 to i32
      %cond3A_265 = arith.constant 0 : i32
      %cond3A_266 = arith.cmpi ne, %convert_element_type3A_264, %cond3A_265 : i32
      scf.if %cond3A_266 {
        %add3A_300 = arith.constant 6 : i32
        %add3A_301 = arith.addi %add3A_237, %add3A_300 : i32
        %sub3A_302 = arith.constant 1 : i32
        %sub3A_303 = arith.subi %add3A_301, %sub3A_302 : i32
        %mul3A_304 = arith.constant 40 : i32
        %mul3A_305 = arith.muli %sub3A_303, %mul3A_304 : i32
        %dma_start3A_306 = tpu.memref_slice %arg8[%mul3A_305] : memref<10000xi32, #tpu.memory_space<vmem>> -> memref<40xi32, #tpu.memory_space<vmem>>
        %dma_start3A_307 = arith.constant 0 : i32
        %dma_start3A_308 = arith.constant 0 : i32
        %dma_start3A_309 = tpu.memref_slice %arg2[%dma_start3A_307, %dma_start3A_308] : memref<10000x128xf32, #tpu.memory_space<hbm>> -> memref<10000x128xf32, #tpu.memory_space<hbm>>
        tpu.enqueue_indirect_dma source(%dma_start3A_309 : memref<10000x128xf32, #tpu.memory_space<hbm>>) target(%arg13 : memref<40x128xf32, #tpu.memory_space<vmem>>) offsets(%dma_start3A_306 : memref<40xi32, #tpu.memory_space<vmem>>) semaphore(%arg19 : memref<!tpu.dma_semaphore, #tpu.memory_space<semaphore_mem>>)
      } else {
      }
      %mul3A_267 = arith.constant 6 : i32
      %mul3A_268 = arith.muli %mul3A_267, %add3A_107 : i32
      %add3A_269 = arith.constant 5 : i32
      %add3A_270 = arith.addi %mul3A_268, %add3A_269 : i32
      %mul3A_271 = arith.constant 40 : i32
      %mul3A_272 = arith.muli %add3A_270, %mul3A_271 : i32
      %dma_wait3A_273 = tpu.memref_slice %arg8[%mul3A_272] : memref<10000xi32, #tpu.memory_space<vmem>> -> memref<40xi32, #tpu.memory_space<vmem>>
      %dma_wait3A_274 = arith.constant 0 : i32
      %dma_wait3A_275 = arith.constant 0 : i32
      %dma_wait3A_276 = tpu.memref_slice %arg2[%dma_wait3A_274, %dma_wait3A_275] : memref<10000x128xf32, #tpu.memory_space<hbm>> -> memref<10000x128xf32, #tpu.memory_space<hbm>>
      tpu.wait_indirect_dma semaphore(%arg21 : memref<!tpu.dma_semaphore, #tpu.memory_space<semaphore_mem>>) src(%dma_wait3A_276 : memref<10000x128xf32, #tpu.memory_space<hbm>>) dst(%arg15 : memref<40x128xf32, #tpu.memory_space<vmem>>)
      %mul3A_277 = arith.constant 40 : i32
      %mul3A_278 = arith.muli %add3A_270, %mul3A_277 : i32
      %dma_start3A_279 = tpu.memref_slice %arg9[%mul3A_278] : memref<10000xi32, #tpu.memory_space<vmem>> -> memref<40xi32, #tpu.memory_space<vmem>>
      %dma_start3A_280 = arith.constant 0 : i32
      %dma_start3A_281 = arith.constant 0 : i32
      %dma_start3A_282 = tpu.memref_slice %arg7[%dma_start3A_280, %dma_start3A_281] : memref<10000x128xf32, #tpu.memory_space<vmem_shared>> -> memref<10000x128xf32, #tpu.memory_space<vmem_shared>>
      tpu.enqueue_indirect_dma source(%arg15 : memref<40x128xf32, #tpu.memory_space<vmem>>) target(%dma_start3A_282 : memref<10000x128xf32, #tpu.memory_space<vmem_shared>>) offsets(%dma_start3A_279 : memref<40xi32, #tpu.memory_space<vmem>>) semaphore(%arg27 : memref<!tpu.dma_semaphore, #tpu.memory_space<semaphore_mem>>) {add = true}
      %sub3A_283 = arith.constant 1 : i32
      %sub3A_284 = arith.subi %add3A_270, %sub3A_283 : i32
      %mul3A_285 = arith.constant 40 : i32
      %mul3A_286 = arith.muli %sub3A_284, %mul3A_285 : i32
      %dma_wait3A_287 = tpu.memref_slice %arg9[%mul3A_286] : memref<10000xi32, #tpu.memory_space<vmem>> -> memref<40xi32, #tpu.memory_space<vmem>>
      %dma_wait3A_288 = arith.constant 0 : i32
      %dma_wait3A_289 = arith.constant 0 : i32
      %dma_wait3A_290 = tpu.memref_slice %arg7[%dma_wait3A_288, %dma_wait3A_289] : memref<10000x128xf32, #tpu.memory_space<vmem_shared>> -> memref<10000x128xf32, #tpu.memory_space<vmem_shared>>
      tpu.wait_indirect_dma semaphore(%arg26 : memref<!tpu.dma_semaphore, #tpu.memory_space<semaphore_mem>>) src(%arg14 : memref<40x128xf32, #tpu.memory_space<vmem>>) dst(%dma_wait3A_290 : memref<10000x128xf32, #tpu.memory_space<vmem_shared>>)
      %add3A_291 = arith.constant 6 : i32
      %add3A_292 = arith.addi %add3A_270, %add3A_291 : i32
      %sub3A_293 = arith.constant 1 : i32
      %sub3A_294 = arith.subi %add3A_292, %sub3A_293 : i32
      %lt3A_295 = arith.constant 250 : i32
      %lt3A_296 = arith.cmpi slt, %sub3A_294, %lt3A_295 : i32
      %convert_element_type3A_297 = arith.extui %lt3A_296 : i1 to i32
      %cond3A_298 = arith.constant 0 : i32
      %cond3A_299 = arith.cmpi ne, %convert_element_type3A_297, %cond3A_298 : i32
      scf.if %cond3A_299 {
        %add3A_300 = arith.constant 6 : i32
        %add3A_301 = arith.addi %add3A_270, %add3A_300 : i32
        %sub3A_302 = arith.constant 1 : i32
        %sub3A_303 = arith.subi %add3A_301, %sub3A_302 : i32
        %mul3A_304 = arith.constant 40 : i32
        %mul3A_305 = arith.muli %sub3A_303, %mul3A_304 : i32
        %dma_start3A_306 = tpu.memref_slice %arg8[%mul3A_305] : memref<10000xi32, #tpu.memory_space<vmem>> -> memref<40xi32, #tpu.memory_space<vmem>>
        %dma_start3A_307 = arith.constant 0 : i32
        %dma_start3A_308 = arith.constant 0 : i32
        %dma_start3A_309 = tpu.memref_slice %arg2[%dma_start3A_307, %dma_start3A_308] : memref<10000x128xf32, #tpu.memory_space<hbm>> -> memref<10000x128xf32, #tpu.memory_space<hbm>>
        tpu.enqueue_indirect_dma source(%dma_start3A_309 : memref<10000x128xf32, #tpu.memory_space<hbm>>) target(%arg14 : memref<40x128xf32, #tpu.memory_space<vmem>>) offsets(%dma_start3A_306 : memref<40xi32, #tpu.memory_space<vmem>>) semaphore(%arg20 : memref<!tpu.dma_semaphore, #tpu.memory_space<semaphore_mem>>)
      } else {
      }
    }
    %scan3A_32 = arith.constant 41 : i32
    %dma_wait3A = arith.constant 9840 : i32
    %dma_wait3A_33 = tpu.memref_slice %arg8[%dma_wait3A] : memref<10000xi32, #tpu.memory_space<vmem>> -> memref<40xi32, #tpu.memory_space<vmem>>
    %dma_wait3A_34 = arith.constant 0 : i32
    %dma_wait3A_35 = arith.constant 0 : i32
    %dma_wait3A_36 = tpu.memref_slice %arg2[%dma_wait3A_34, %dma_wait3A_35] : memref<10000x128xf32, #tpu.memory_space<hbm>> -> memref<10000x128xf32, #tpu.memory_space<hbm>>
    tpu.wait_indirect_dma semaphore(%arg16 : memref<!tpu.dma_semaphore, #tpu.memory_space<semaphore_mem>>) src(%dma_wait3A_36 : memref<10000x128xf32, #tpu.memory_space<hbm>>) dst(%arg10 : memref<40x128xf32, #tpu.memory_space<vmem>>)
    %dma_start3A_37 = arith.constant 9840 : i32
    %dma_start3A_38 = tpu.memref_slice %arg9[%dma_start3A_37] : memref<10000xi32, #tpu.memory_space<vmem>> -> memref<40xi32, #tpu.memory_space<vmem>>
    %dma_start3A_39 = arith.constant 0 : i32
    %dma_start3A_40 = arith.constant 0 : i32
    %dma_start3A_41 = tpu.memref_slice %arg7[%dma_start3A_39, %dma_start3A_40] : memref<10000x128xf32, #tpu.memory_space<vmem_shared>> -> memref<10000x128xf32, #tpu.memory_space<vmem_shared>>
    tpu.enqueue_indirect_dma source(%arg10 : memref<40x128xf32, #tpu.memory_space<vmem>>) target(%dma_start3A_41 : memref<10000x128xf32, #tpu.memory_space<vmem_shared>>) offsets(%dma_start3A_38 : memref<40xi32, #tpu.memory_space<vmem>>) semaphore(%arg22 : memref<!tpu.dma_semaphore, #tpu.memory_space<semaphore_mem>>) {add = true}
    %dma_wait3A_42 = arith.constant 9800 : i32
    %dma_wait3A_43 = tpu.memref_slice %arg9[%dma_wait3A_42] : memref<10000xi32, #tpu.memory_space<vmem>> -> memref<40xi32, #tpu.memory_space<vmem>>
    %dma_wait3A_44 = arith.constant 0 : i32
    %dma_wait3A_45 = arith.constant 0 : i32
    %dma_wait3A_46 = tpu.memref_slice %arg7[%dma_wait3A_44, %dma_wait3A_45] : memref<10000x128xf32, #tpu.memory_space<vmem_shared>> -> memref<10000x128xf32, #tpu.memory_space<vmem_shared>>
    tpu.wait_indirect_dma semaphore(%arg27 : memref<!tpu.dma_semaphore, #tpu.memory_space<semaphore_mem>>) src(%arg15 : memref<40x128xf32, #tpu.memory_space<vmem>>) dst(%dma_wait3A_46 : memref<10000x128xf32, #tpu.memory_space<vmem_shared>>)
    %dma_wait3A_47 = arith.constant 9880 : i32
    %dma_wait3A_48 = tpu.memref_slice %arg8[%dma_wait3A_47] : memref<10000xi32, #tpu.memory_space<vmem>> -> memref<40xi32, #tpu.memory_space<vmem>>
    %dma_wait3A_49 = arith.constant 0 : i32
    %dma_wait3A_50 = arith.constant 0 : i32
    %dma_wait3A_51 = tpu.memref_slice %arg2[%dma_wait3A_49, %dma_wait3A_50] : memref<10000x128xf32, #tpu.memory_space<hbm>> -> memref<10000x128xf32, #tpu.memory_space<hbm>>
    tpu.wait_indirect_dma semaphore(%arg17 : memref<!tpu.dma_semaphore, #tpu.memory_space<semaphore_mem>>) src(%dma_wait3A_51 : memref<10000x128xf32, #tpu.memory_space<hbm>>) dst(%arg11 : memref<40x128xf32, #tpu.memory_space<vmem>>)
    %dma_start3A_52 = arith.constant 9880 : i32
    %dma_start3A_53 = tpu.memref_slice %arg9[%dma_start3A_52] : memref<10000xi32, #tpu.memory_space<vmem>> -> memref<40xi32, #tpu.memory_space<vmem>>
    %dma_start3A_54 = arith.constant 0 : i32
    %dma_start3A_55 = arith.constant 0 : i32
    %dma_start3A_56 = tpu.memref_slice %arg7[%dma_start3A_54, %dma_start3A_55] : memref<10000x128xf32, #tpu.memory_space<vmem_shared>> -> memref<10000x128xf32, #tpu.memory_space<vmem_shared>>
    tpu.enqueue_indirect_dma source(%arg11 : memref<40x128xf32, #tpu.memory_space<vmem>>) target(%dma_start3A_56 : memref<10000x128xf32, #tpu.memory_space<vmem_shared>>) offsets(%dma_start3A_53 : memref<40xi32, #tpu.memory_space<vmem>>) semaphore(%arg23 : memref<!tpu.dma_semaphore, #tpu.memory_space<semaphore_mem>>) {add = true}
    %dma_wait3A_57 = arith.constant 9840 : i32
    %dma_wait3A_58 = tpu.memref_slice %arg9[%dma_wait3A_57] : memref<10000xi32, #tpu.memory_space<vmem>> -> memref<40xi32, #tpu.memory_space<vmem>>
    %dma_wait3A_59 = arith.constant 0 : i32
    %dma_wait3A_60 = arith.constant 0 : i32
    %dma_wait3A_61 = tpu.memref_slice %arg7[%dma_wait3A_59, %dma_wait3A_60] : memref<10000x128xf32, #tpu.memory_space<vmem_shared>> -> memref<10000x128xf32, #tpu.memory_space<vmem_shared>>
    tpu.wait_indirect_dma semaphore(%arg22 : memref<!tpu.dma_semaphore, #tpu.memory_space<semaphore_mem>>) src(%arg10 : memref<40x128xf32, #tpu.memory_space<vmem>>) dst(%dma_wait3A_61 : memref<10000x128xf32, #tpu.memory_space<vmem_shared>>)
    %dma_wait3A_62 = arith.constant 9920 : i32
    %dma_wait3A_63 = tpu.memref_slice %arg8[%dma_wait3A_62] : memref<10000xi32, #tpu.memory_space<vmem>> -> memref<40xi32, #tpu.memory_space<vmem>>
    %dma_wait3A_64 = arith.constant 0 : i32
    %dma_wait3A_65 = arith.constant 0 : i32
    %dma_wait3A_66 = tpu.memref_slice %arg2[%dma_wait3A_64, %dma_wait3A_65] : memref<10000x128xf32, #tpu.memory_space<hbm>> -> memref<10000x128xf32, #tpu.memory_space<hbm>>
    tpu.wait_indirect_dma semaphore(%arg18 : memref<!tpu.dma_semaphore, #tpu.memory_space<semaphore_mem>>) src(%dma_wait3A_66 : memref<10000x128xf32, #tpu.memory_space<hbm>>) dst(%arg12 : memref<40x128xf32, #tpu.memory_space<vmem>>)
    %dma_start3A_67 = arith.constant 9920 : i32
    %dma_start3A_68 = tpu.memref_slice %arg9[%dma_start3A_67] : memref<10000xi32, #tpu.memory_space<vmem>> -> memref<40xi32, #tpu.memory_space<vmem>>
    %dma_start3A_69 = arith.constant 0 : i32
    %dma_start3A_70 = arith.constant 0 : i32
    %dma_start3A_71 = tpu.memref_slice %arg7[%dma_start3A_69, %dma_start3A_70] : memref<10000x128xf32, #tpu.memory_space<vmem_shared>> -> memref<10000x128xf32, #tpu.memory_space<vmem_shared>>
    tpu.enqueue_indirect_dma source(%arg12 : memref<40x128xf32, #tpu.memory_space<vmem>>) target(%dma_start3A_71 : memref<10000x128xf32, #tpu.memory_space<vmem_shared>>) offsets(%dma_start3A_68 : memref<40xi32, #tpu.memory_space<vmem>>) semaphore(%arg24 : memref<!tpu.dma_semaphore, #tpu.memory_space<semaphore_mem>>) {add = true}
    %dma_wait3A_72 = arith.constant 9880 : i32
    %dma_wait3A_73 = tpu.memref_slice %arg9[%dma_wait3A_72] : memref<10000xi32, #tpu.memory_space<vmem>> -> memref<40xi32, #tpu.memory_space<vmem>>
    %dma_wait3A_74 = arith.constant 0 : i32
    %dma_wait3A_75 = arith.constant 0 : i32
    %dma_wait3A_76 = tpu.memref_slice %arg7[%dma_wait3A_74, %dma_wait3A_75] : memref<10000x128xf32, #tpu.memory_space<vmem_shared>> -> memref<10000x128xf32, #tpu.memory_space<vmem_shared>>
    tpu.wait_indirect_dma semaphore(%arg23 : memref<!tpu.dma_semaphore, #tpu.memory_space<semaphore_mem>>) src(%arg11 : memref<40x128xf32, #tpu.memory_space<vmem>>) dst(%dma_wait3A_76 : memref<10000x128xf32, #tpu.memory_space<vmem_shared>>)
    %dma_wait3A_77 = arith.constant 9960 : i32
    %dma_wait3A_78 = tpu.memref_slice %arg8[%dma_wait3A_77] : memref<10000xi32, #tpu.memory_space<vmem>> -> memref<40xi32, #tpu.memory_space<vmem>>
    %dma_wait3A_79 = arith.constant 0 : i32
    %dma_wait3A_80 = arith.constant 0 : i32
    %dma_wait3A_81 = tpu.memref_slice %arg2[%dma_wait3A_79, %dma_wait3A_80] : memref<10000x128xf32, #tpu.memory_space<hbm>> -> memref<10000x128xf32, #tpu.memory_space<hbm>>
    tpu.wait_indirect_dma semaphore(%arg19 : memref<!tpu.dma_semaphore, #tpu.memory_space<semaphore_mem>>) src(%dma_wait3A_81 : memref<10000x128xf32, #tpu.memory_space<hbm>>) dst(%arg13 : memref<40x128xf32, #tpu.memory_space<vmem>>)
    %dma_start3A_82 = arith.constant 9960 : i32
    %dma_start3A_83 = tpu.memref_slice %arg9[%dma_start3A_82] : memref<10000xi32, #tpu.memory_space<vmem>> -> memref<40xi32, #tpu.memory_space<vmem>>
    %dma_start3A_84 = arith.constant 0 : i32
    %dma_start3A_85 = arith.constant 0 : i32
    %dma_start3A_86 = tpu.memref_slice %arg7[%dma_start3A_84, %dma_start3A_85] : memref<10000x128xf32, #tpu.memory_space<vmem_shared>> -> memref<10000x128xf32, #tpu.memory_space<vmem_shared>>
    tpu.enqueue_indirect_dma source(%arg13 : memref<40x128xf32, #tpu.memory_space<vmem>>) target(%dma_start3A_86 : memref<10000x128xf32, #tpu.memory_space<vmem_shared>>) offsets(%dma_start3A_83 : memref<40xi32, #tpu.memory_space<vmem>>) semaphore(%arg25 : memref<!tpu.dma_semaphore, #tpu.memory_space<semaphore_mem>>) {add = true}
    %dma_wait3A_87 = arith.constant 9920 : i32
    %dma_wait3A_88 = tpu.memref_slice %arg9[%dma_wait3A_87] : memref<10000xi32, #tpu.memory_space<vmem>> -> memref<40xi32, #tpu.memory_space<vmem>>
    %dma_wait3A_89 = arith.constant 0 : i32
    %dma_wait3A_90 = arith.constant 0 : i32
    %dma_wait3A_91 = tpu.memref_slice %arg7[%dma_wait3A_89, %dma_wait3A_90] : memref<10000x128xf32, #tpu.memory_space<vmem_shared>> -> memref<10000x128xf32, #tpu.memory_space<vmem_shared>>
    tpu.wait_indirect_dma semaphore(%arg24 : memref<!tpu.dma_semaphore, #tpu.memory_space<semaphore_mem>>) src(%arg12 : memref<40x128xf32, #tpu.memory_space<vmem>>) dst(%dma_wait3A_91 : memref<10000x128xf32, #tpu.memory_space<vmem_shared>>)
    %dma_wait3A_92 = arith.constant 9960 : i32
    %dma_wait3A_93 = tpu.memref_slice %arg9[%dma_wait3A_92] : memref<10000xi32, #tpu.memory_space<vmem>> -> memref<40xi32, #tpu.memory_space<vmem>>
    %dma_wait3A_94 = arith.constant 0 : i32
    %dma_wait3A_95 = arith.constant 0 : i32
    %dma_wait3A_96 = tpu.memref_slice %arg7[%dma_wait3A_94, %dma_wait3A_95] : memref<10000x128xf32, #tpu.memory_space<vmem_shared>> -> memref<10000x128xf32, #tpu.memory_space<vmem_shared>>
    tpu.wait_indirect_dma semaphore(%arg25 : memref<!tpu.dma_semaphore, #tpu.memory_space<semaphore_mem>>) src(%arg13 : memref<40x128xf32, #tpu.memory_space<vmem>>) dst(%dma_wait3A_96 : memref<10000x128xf32, #tpu.memory_space<vmem_shared>>)
    %barrier3A_97 = arith.constant 0 : index
    tpu.barrier barrier_id(%barrier3A_97)
    "tpu.region"() ({
      %run_scoped3A = tpu.sem_alloc : memref<!tpu.dma_semaphore, #tpu.memory_space<semaphore_mem>>
      %dma_start3A_103 = arith.constant 0 : i32
      %dma_start3A_104 = arith.constant 0 : i32
      %dma_start3A_105 = tpu.memref_slice %arg6[%arg0, %dma_start3A_103, %dma_start3A_104] : memref<2x10000x128xf32, #tpu.memory_space<hbm>> -> memref<1x10000x128xf32, #tpu.memory_space<hbm>>
      %dma_start3A_106 = tpu.memref_squeeze %dma_start3A_105 : memref<1x10000x128xf32, #tpu.memory_space<hbm>> -> memref<10000x128xf32, #tpu.memory_space<hbm>>
      %dma_start3A_107 = arith.constant 0 : i32
      %dma_start3A_108 = tpu.memref_slice %dma_start3A_106[%mul3A_2, %dma_start3A_107] : memref<10000x128xf32, #tpu.memory_space<hbm>> -> memref<624x128xf32, #tpu.memory_space<hbm>>
      %dma_start3A_109 = arith.constant 0 : i32
      %dma_start3A_110 = tpu.memref_slice %arg7[%mul3A_2, %dma_start3A_109] : memref<10000x128xf32, #tpu.memory_space<vmem_shared>> -> memref<624x128xf32, #tpu.memory_space<vmem_shared>>
      tpu.enqueue_dma source(%dma_start3A_110 : memref<624x128xf32, #tpu.memory_space<vmem_shared>>) target(%dma_start3A_108 : memref<624x128xf32, #tpu.memory_space<hbm>>) target_semaphore(%run_scoped3A : memref<!tpu.dma_semaphore, #tpu.memory_space<semaphore_mem>>)
      %dma_wait3A_111 = arith.constant 0 : i32
      %dma_wait3A_112 = arith.constant 0 : i32
      %dma_wait3A_113 = tpu.memref_slice %arg6[%arg0, %dma_wait3A_111, %dma_wait3A_112] : memref<2x10000x128xf32, #tpu.memory_space<hbm>> -> memref<1x10000x128xf32, #tpu.memory_space<hbm>>
      %dma_wait3A_114 = tpu.memref_squeeze %dma_wait3A_113 : memref<1x10000x128xf32, #tpu.memory_space<hbm>> -> memref<10000x128xf32, #tpu.memory_space<hbm>>
      %dma_wait3A_115 = arith.constant 0 : i32
      %dma_wait3A_116 = tpu.memref_slice %dma_wait3A_114[%mul3A_2, %dma_wait3A_115] : memref<10000x128xf32, #tpu.memory_space<hbm>> -> memref<624x128xf32, #tpu.memory_space<hbm>>
      %dma_wait3A_117 = arith.constant 0 : i32
      %dma_wait3A_118 = tpu.memref_slice %arg7[%mul3A_2, %dma_wait3A_117] : memref<10000x128xf32, #tpu.memory_space<vmem_shared>> -> memref<624x128xf32, #tpu.memory_space<vmem_shared>>
      tpu.wait_dma2 semaphore(%run_scoped3A : memref<!tpu.dma_semaphore, #tpu.memory_space<semaphore_mem>>) src(%dma_wait3A_118 : memref<624x128xf32, #tpu.memory_space<vmem_shared>>) dst(%dma_wait3A_116 : memref<624x128xf32, #tpu.memory_space<hbm>>)
      tpu.yield
    }) : () -> ()
    %eq3A_98 = arith.constant 15 : i32
    %eq3A_99 = arith.cmpi eq, %arg1, %eq3A_98 : i32
    %convert_element_type3A_100 = arith.extui %eq3A_99 : i1 to i32
    %cond3A_101 = arith.constant 0 : i32
    %cond3A_102 = arith.cmpi ne, %convert_element_type3A_100, %cond3A_101 : i32
    scf.if %cond3A_102 {
      "tpu.region"() ({
        %run_scoped3A = tpu.sem_alloc : memref<!tpu.dma_semaphore, #tpu.memory_space<semaphore_mem>>
        %dma_start3A_103 = arith.constant 0 : i32
        %dma_start3A_104 = arith.constant 0 : i32
        %dma_start3A_105 = tpu.memref_slice %arg6[%arg0, %dma_start3A_103, %dma_start3A_104] : memref<2x10000x128xf32, #tpu.memory_space<hbm>> -> memref<1x10000x128xf32, #tpu.memory_space<hbm>>
        %dma_start3A_106 = tpu.memref_squeeze %dma_start3A_105 : memref<1x10000x128xf32, #tpu.memory_space<hbm>> -> memref<10000x128xf32, #tpu.memory_space<hbm>>
        %dma_start3A_107 = arith.constant 9984 : i32
        %dma_start3A_108 = arith.constant 0 : i32
        %dma_start3A_109 = tpu.memref_slice %dma_start3A_106[%dma_start3A_107, %dma_start3A_108] : memref<10000x128xf32, #tpu.memory_space<hbm>> -> memref<16x128xf32, #tpu.memory_space<hbm>>
        %dma_start3A_110 = arith.constant 9984 : i32
        %dma_start3A_111 = arith.constant 0 : i32
        %dma_start3A_112 = tpu.memref_slice %arg7[%dma_start3A_110, %dma_start3A_111] : memref<10000x128xf32, #tpu.memory_space<vmem_shared>> -> memref<16x128xf32, #tpu.memory_space<vmem_shared>>
        tpu.enqueue_dma source(%dma_start3A_112 : memref<16x128xf32, #tpu.memory_space<vmem_shared>>) target(%dma_start3A_109 : memref<16x128xf32, #tpu.memory_space<hbm>>) target_semaphore(%run_scoped3A : memref<!tpu.dma_semaphore, #tpu.memory_space<semaphore_mem>>)
        %dma_wait3A_113 = arith.constant 0 : i32
        %dma_wait3A_114 = arith.constant 0 : i32
        %dma_wait3A_115 = tpu.memref_slice %arg6[%arg0, %dma_wait3A_113, %dma_wait3A_114] : memref<2x10000x128xf32, #tpu.memory_space<hbm>> -> memref<1x10000x128xf32, #tpu.memory_space<hbm>>
        %dma_wait3A_116 = tpu.memref_squeeze %dma_wait3A_115 : memref<1x10000x128xf32, #tpu.memory_space<hbm>> -> memref<10000x128xf32, #tpu.memory_space<hbm>>
        %dma_wait3A_117 = arith.constant 9984 : i32
        %dma_wait3A_118 = arith.constant 0 : i32
        %dma_wait3A_119 = tpu.memref_slice %dma_wait3A_116[%dma_wait3A_117, %dma_wait3A_118] : memref<10000x128xf32, #tpu.memory_space<hbm>> -> memref<16x128xf32, #tpu.memory_space<hbm>>
        %dma_wait3A_120 = arith.constant 9984 : i32
        %dma_wait3A_121 = arith.constant 0 : i32
        %dma_wait3A_122 = tpu.memref_slice %arg7[%dma_wait3A_120, %dma_wait3A_121] : memref<10000x128xf32, #tpu.memory_space<vmem_shared>> -> memref<16x128xf32, #tpu.memory_space<vmem_shared>>
        tpu.wait_dma2 semaphore(%run_scoped3A : memref<!tpu.dma_semaphore, #tpu.memory_space<semaphore_mem>>) src(%dma_wait3A_122 : memref<16x128xf32, #tpu.memory_space<vmem_shared>>) dst(%dma_wait3A_119 : memref<16x128xf32, #tpu.memory_space<hbm>>)
        tpu.yield
      }) : () -> ()
    } else {
    }
    return
  }
}

#map = affine_map<(d0, d1) -> (0, 0)>
#map1 = affine_map<(d0, d1) -> (0, 0, 0)>
module attributes {stable_mosaic.version = 14 : i64} {
  func.func @body(%arg0: i32, %arg1: i32, %arg2: memref<10000x128xf32, #tpu.memory_space<hbm>>, %arg3: memref<32x10000xi32, #tpu.memory_space<hbm>>, %arg4: memref<32x10000xi32, #tpu.memory_space<hbm>>, %arg5: memref<10000x128xf32, #tpu.memory_space<hbm>>, %arg6: memref<2x10000x128xf32, #tpu.memory_space<hbm>>, %arg7: memref<10000x128xf32, #tpu.memory_space<vmem_shared>>, %arg8: memref<10000xi32, #tpu.memory_space<vmem>>, %arg9: memref<10000xi32, #tpu.memory_space<vmem>>, %arg10: memref<40x128xf32, #tpu.memory_space<vmem>>, %arg11: memref<40x128xf32, #tpu.memory_space<vmem>>, %arg12: memref<40x128xf32, #tpu.memory_space<vmem>>, %arg13: memref<40x128xf32, #tpu.memory_space<vmem>>, %arg14: memref<40x128xf32, #tpu.memory_space<vmem>>, %arg15: memref<40x128xf32, #tpu.memory_space<vmem>>, %arg16: memref<!tpu.dma_semaphore, #tpu.memory_space<semaphore_mem>>, %arg17: memref<!tpu.dma_semaphore, #tpu.memory_space<semaphore_mem>>, %arg18: memref<!tpu.dma_semaphore, #tpu.memory_space<semaphore_mem>>, %arg19: memref<!tpu.dma_semaphore, #tpu.memory_space<semaphore_mem>>, %arg20: memref<!tpu.dma_semaphore, #tpu.memory_space<semaphore_mem>>, %arg21: memref<!tpu.dma_semaphore, #tpu.memory_space<semaphore_mem>>, %arg22: memref<!tpu.dma_semaphore, #tpu.memory_space<semaphore_mem>>, %arg23: memref<!tpu.dma_semaphore, #tpu.memory_space<semaphore_mem>>, %arg24: memref<!tpu.dma_semaphore, #tpu.memory_space<semaphore_mem>>, %arg25: memref<!tpu.dma_semaphore, #tpu.memory_space<semaphore_mem>>, %arg26: memref<!tpu.dma_semaphore, #tpu.memory_space<semaphore_mem>>, %arg27: memref<!tpu.dma_semaphore, #tpu.memory_space<semaphore_mem>>) attributes {dimension_semantics = [#tpu.dimension_semantics<core_parallel>, #tpu.dimension_semantics<subcore_parallel>], iteration_bounds = array<i64: 2, 16>, scalar_prefetch = 0 : i64, scratch_operands = 21 : i64, tpu.core_type = #tpu.core_type<sc_vector_subcore>, window_params = [{transform_indices = #map}, {transform_indices = #map}, {transform_indices = #map}, {transform_indices = #map}, {transform_indices = #map1}]} {
    %mul3A = arith.constant 16 : i32
    %mul3A_0 = arith.muli %arg0, %mul3A : i32
    %add3A = arith.addi %mul3A_0, %arg1 : i32
    %mul3A_1 = arith.constant 624 : i32
    %mul3A_2 = arith.muli %arg1, %mul3A_1 : i32
    "tpu.region"() ({
      %run_scoped3A = tpu.sem_alloc : memref<!tpu.dma_semaphore, #tpu.memory_space<semaphore_mem>>
      %dma_start3A_103 = arith.constant 0 : i32
      %dma_start3A_104 = tpu.memref_slice %arg3[%add3A, %dma_start3A_103] : memref<32x10000xi32, #tpu.memory_space<hbm>> -> memref<1x10000xi32, #tpu.memory_space<hbm>>
      %dma_start3A_105 = tpu.memref_squeeze %dma_start3A_104 : memref<1x10000xi32, #tpu.memory_space<hbm>> -> memref<10000xi32, #tpu.memory_space<hbm>>
      %dma_start3A_106 = arith.constant 0 : i32
      %dma_start3A_107 = tpu.memref_slice %arg3[%add3A, %dma_start3A_106] : memref<32x10000xi32, #tpu.memory_space<hbm>> -> memref<1x10000xi32, #tpu.memory_space<hbm>>
      %dma_start3A_108 = tpu.memref_squeeze %dma_start3A_107 : memref<1x10000xi32, #tpu.memory_space<hbm>> -> memref<10000xi32, #tpu.memory_space<hbm>>
      tpu.enqueue_dma source(%dma_start3A_108 : memref<10000xi32, #tpu.memory_space<hbm>>) target(%arg8 : memref<10000xi32, #tpu.memory_space<vmem>>) target_semaphore(%run_scoped3A : memref<!tpu.dma_semaphore, #tpu.memory_space<semaphore_mem>>)
      %dma_wait3A_109 = arith.constant 0 : i32
      %dma_wait3A_110 = tpu.memref_slice %arg3[%add3A, %dma_wait3A_109] : memref<32x10000xi32, #tpu.memory_space<hbm>> -> memref<1x10000xi32, #tpu.memory_space<hbm>>
      %dma_wait3A_111 = tpu.memref_squeeze %dma_wait3A_110 : memref<1x10000xi32, #tpu.memory_space<hbm>> -> memref<10000xi32, #tpu.memory_space<hbm>>
      %dma_wait3A_112 = arith.constant 0 : i32
      %dma_wait3A_113 = tpu.memref_slice %arg3[%add3A, %dma_wait3A_112] : memref<32x10000xi32, #tpu.memory_space<hbm>> -> memref<1x10000xi32, #tpu.memory_space<hbm>>
      %dma_wait3A_114 = tpu.memref_squeeze %dma_wait3A_113 : memref<1x10000xi32, #tpu.memory_space<hbm>> -> memref<10000xi32, #tpu.memory_space<hbm>>
      tpu.wait_dma2 semaphore(%run_scoped3A : memref<!tpu.dma_semaphore, #tpu.memory_space<semaphore_mem>>) src(%dma_wait3A_114 : memref<10000xi32, #tpu.memory_space<hbm>>) dst(%arg8 : memref<10000xi32, #tpu.memory_space<vmem>>)
      tpu.yield
    }) : () -> ()
    %dma_start3A = arith.constant 0 : i32
    %dma_start3A_3 = tpu.memref_slice %arg8[%dma_start3A] : memref<10000xi32, #tpu.memory_space<vmem>> -> memref<40xi32, #tpu.memory_space<vmem>>
    %dma_start3A_4 = arith.constant 0 : i32
    %dma_start3A_5 = arith.constant 0 : i32
    %dma_start3A_6 = tpu.memref_slice %arg2[%dma_start3A_4, %dma_start3A_5] : memref<10000x128xf32, #tpu.memory_space<hbm>> -> memref<10000x128xf32, #tpu.memory_space<hbm>>
    tpu.enqueue_indirect_dma source(%dma_start3A_6 : memref<10000x128xf32, #tpu.memory_space<hbm>>) target(%arg10 : memref<40x128xf32, #tpu.memory_space<vmem>>) offsets(%dma_start3A_3 : memref<40xi32, #tpu.memory_space<vmem>>) semaphore(%arg16 : memref<!tpu.dma_semaphore, #tpu.memory_space<semaphore_mem>>)
    %dma_start3A_7 = arith.constant 40 : i32
    %dma_start3A_8 = tpu.memref_slice %arg8[%dma_start3A_7] : memref<10000xi32, #tpu.memory_space<vmem>> -> memref<40xi32, #tpu.memory_space<vmem>>
    %dma_start3A_9 = arith.constant 0 : i32
    %dma_start3A_10 = arith.constant 0 : i32
    %dma_start3A_11 = tpu.memref_slice %arg2[%dma_start3A_9, %dma_start3A_10] : memref<10000x128xf32, #tpu.memory_space<hbm>> -> memref<10000x128xf32, #tpu.memory_space<hbm>>
    tpu.enqueue_indirect_dma source(%dma_start3A_11 : memref<10000x128xf32, #tpu.memory_space<hbm>>) target(%arg11 : memref<40x128xf32, #tpu.memory_space<vmem>>) offsets(%dma_start3A_8 : memref<40xi32, #tpu.memory_space<vmem>>) semaphore(%arg17 : memref<!tpu.dma_semaphore, #tpu.memory_space<semaphore_mem>>)
    %dma_start3A_12 = arith.constant 80 : i32
    %dma_start3A_13 = tpu.memref_slice %arg8[%dma_start3A_12] : memref<10000xi32, #tpu.memory_space<vmem>> -> memref<40xi32, #tpu.memory_space<vmem>>
    %dma_start3A_14 = arith.constant 0 : i32
    %dma_start3A_15 = arith.constant 0 : i32
    %dma_start3A_16 = tpu.memref_slice %arg2[%dma_start3A_14, %dma_start3A_15] : memref<10000x128xf32, #tpu.memory_space<hbm>> -> memref<10000x128xf32, #tpu.memory_space<hbm>>
    tpu.enqueue_indirect_dma source(%dma_start3A_16 : memref<10000x128xf32, #tpu.memory_space<hbm>>) target(%arg12 : memref<40x128xf32, #tpu.memory_space<vmem>>) offsets(%dma_start3A_13 : memref<40xi32, #tpu.memory_space<vmem>>) semaphore(%arg18 : memref<!tpu.dma_semaphore, #tpu.memory_space<semaphore_mem>>)
    %dma_start3A_17 = arith.constant 120 : i32
    %dma_start3A_18 = tpu.memref_slice %arg8[%dma_start3A_17] : memref<10000xi32, #tpu.memory_space<vmem>> -> memref<40xi32, #tpu.memory_space<vmem>>
    %dma_start3A_19 = arith.constant 0 : i32
    %dma_start3A_20 = arith.constant 0 : i32
    %dma_start3A_21 = tpu.memref_slice %arg2[%dma_start3A_19, %dma_start3A_20] : memref<10000x128xf32, #tpu.memory_space<hbm>> -> memref<10000x128xf32, #tpu.memory_space<hbm>>
    tpu.enqueue_indirect_dma source(%dma_start3A_21 : memref<10000x128xf32, #tpu.memory_space<hbm>>) target(%arg13 : memref<40x128xf32, #tpu.memory_space<vmem>>) offsets(%dma_start3A_18 : memref<40xi32, #tpu.memory_space<vmem>>) semaphore(%arg19 : memref<!tpu.dma_semaphore, #tpu.memory_space<semaphore_mem>>)
    %dma_start3A_22 = arith.constant 160 : i32
    %dma_start3A_23 = tpu.memref_slice %arg8[%dma_start3A_22] : memref<10000xi32, #tpu.memory_space<vmem>> -> memref<40xi32, #tpu.memory_space<vmem>>
    %dma_start3A_24 = arith.constant 0 : i32
    %dma_start3A_25 = arith.constant 0 : i32
    %dma_start3A_26 = tpu.memref_slice %arg2[%dma_start3A_24, %dma_start3A_25] : memref<10000x128xf32, #tpu.memory_space<hbm>> -> memref<10000x128xf32, #tpu.memory_space<hbm>>
    tpu.enqueue_indirect_dma source(%dma_start3A_26 : memref<10000x128xf32, #tpu.memory_space<hbm>>) target(%arg14 : memref<40x128xf32, #tpu.memory_space<vmem>>) offsets(%dma_start3A_23 : memref<40xi32, #tpu.memory_space<vmem>>) semaphore(%arg20 : memref<!tpu.dma_semaphore, #tpu.memory_space<semaphore_mem>>)
    "tpu.region"() ({
      %run_scoped3A = tpu.sem_alloc : memref<!tpu.dma_semaphore, #tpu.memory_space<semaphore_mem>>
      %dma_start3A_103 = arith.constant 0 : i32
      %dma_start3A_104 = tpu.memref_slice %arg4[%add3A, %dma_start3A_103] : memref<32x10000xi32, #tpu.memory_space<hbm>> -> memref<1x10000xi32, #tpu.memory_space<hbm>>
      %dma_start3A_105 = tpu.memref_squeeze %dma_start3A_104 : memref<1x10000xi32, #tpu.memory_space<hbm>> -> memref<10000xi32, #tpu.memory_space<hbm>>
      %dma_start3A_106 = arith.constant 0 : i32
      %dma_start3A_107 = tpu.memref_slice %arg4[%add3A, %dma_start3A_106] : memref<32x10000xi32, #tpu.memory_space<hbm>> -> memref<1x10000xi32, #tpu.memory_space<hbm>>
      %dma_start3A_108 = tpu.memref_squeeze %dma_start3A_107 : memref<1x10000xi32, #tpu.memory_space<hbm>> -> memref<10000xi32, #tpu.memory_space<hbm>>
      tpu.enqueue_dma source(%dma_start3A_108 : memref<10000xi32, #tpu.memory_space<hbm>>) target(%arg9 : memref<10000xi32, #tpu.memory_space<vmem>>) target_semaphore(%run_scoped3A : memref<!tpu.dma_semaphore, #tpu.memory_space<semaphore_mem>>)
      %dma_wait3A_109 = arith.constant 0 : i32
      %dma_wait3A_110 = tpu.memref_slice %arg4[%add3A, %dma_wait3A_109] : memref<32x10000xi32, #tpu.memory_space<hbm>> -> memref<1x10000xi32, #tpu.memory_space<hbm>>
      %dma_wait3A_111 = tpu.memref_squeeze %dma_wait3A_110 : memref<1x10000xi32, #tpu.memory_space<hbm>> -> memref<10000xi32, #tpu.memory_space<hbm>>
      %dma_wait3A_112 = arith.constant 0 : i32
      %dma_wait3A_113 = tpu.memref_slice %arg4[%add3A, %dma_wait3A_112] : memref<32x10000xi32, #tpu.memory_space<hbm>> -> memref<1x10000xi32, #tpu.memory_space<hbm>>
      %dma_wait3A_114 = tpu.memref_squeeze %dma_wait3A_113 : memref<1x10000xi32, #tpu.memory_space<hbm>> -> memref<10000xi32, #tpu.memory_space<hbm>>
      tpu.wait_dma2 semaphore(%run_scoped3A : memref<!tpu.dma_semaphore, #tpu.memory_space<semaphore_mem>>) src(%dma_wait3A_114 : memref<10000xi32, #tpu.memory_space<hbm>>) dst(%arg9 : memref<10000xi32, #tpu.memory_space<vmem>>)
      tpu.yield
    }) : () -> ()
    "tpu.region"() ({
      %run_scoped3A = tpu.sem_alloc : memref<!tpu.dma_semaphore, #tpu.memory_space<semaphore_mem>>
      %dma_start3A_103 = arith.constant 0 : i32
      %dma_start3A_104 = tpu.memref_slice %arg7[%mul3A_2, %dma_start3A_103] : memref<10000x128xf32, #tpu.memory_space<vmem_shared>> -> memref<624x128xf32, #tpu.memory_space<vmem_shared>>
      %dma_start3A_105 = arith.constant 0 : i32
      %dma_start3A_106 = tpu.memref_slice %arg5[%mul3A_2, %dma_start3A_105] : memref<10000x128xf32, #tpu.memory_space<hbm>> -> memref<624x128xf32, #tpu.memory_space<hbm>>
      tpu.enqueue_dma source(%dma_start3A_106 : memref<624x128xf32, #tpu.memory_space<hbm>>) target(%dma_start3A_104 : memref<624x128xf32, #tpu.memory_space<vmem_shared>>) target_semaphore(%run_scoped3A : memref<!tpu.dma_semaphore, #tpu.memory_space<semaphore_mem>>)
      %dma_wait3A_107 = arith.constant 0 : i32
      %dma_wait3A_108 = tpu.memref_slice %arg7[%mul3A_2, %dma_wait3A_107] : memref<10000x128xf32, #tpu.memory_space<vmem_shared>> -> memref<624x128xf32, #tpu.memory_space<vmem_shared>>
      %dma_wait3A_109 = arith.constant 0 : i32
      %dma_wait3A_110 = tpu.memref_slice %arg5[%mul3A_2, %dma_wait3A_109] : memref<10000x128xf32, #tpu.memory_space<hbm>> -> memref<624x128xf32, #tpu.memory_space<hbm>>
      tpu.wait_dma2 semaphore(%run_scoped3A : memref<!tpu.dma_semaphore, #tpu.memory_space<semaphore_mem>>) src(%dma_wait3A_110 : memref<624x128xf32, #tpu.memory_space<hbm>>) dst(%dma_wait3A_108 : memref<624x128xf32, #tpu.memory_space<vmem_shared>>)
      tpu.yield
    }) : () -> ()
    %eq3A = arith.constant 15 : i32
    %eq3A_27 = arith.cmpi eq, %arg1, %eq3A : i32
    %convert_element_type3A = arith.extui %eq3A_27 : i1 to i32
    %cond3A = arith.constant 0 : i32
    %cond3A_28 = arith.cmpi ne, %convert_element_type3A, %cond3A : i32
    scf.if %cond3A_28 {
      "tpu.region"() ({
        %run_scoped3A = tpu.sem_alloc : memref<!tpu.dma_semaphore, #tpu.memory_space<semaphore_mem>>
        %dma_start3A_103 = arith.constant 9984 : i32
        %dma_start3A_104 = arith.constant 0 : i32
        %dma_start3A_105 = tpu.memref_slice %arg7[%dma_start3A_103, %dma_start3A_104] : memref<10000x128xf32, #tpu.memory_space<vmem_shared>> -> memref<16x128xf32, #tpu.memory_space<vmem_shared>>
        %dma_start3A_106 = arith.constant 9984 : i32
        %dma_start3A_107 = arith.constant 0 : i32
        %dma_start3A_108 = tpu.memref_slice %arg5[%dma_start3A_106, %dma_start3A_107] : memref<10000x128xf32, #tpu.memory_space<hbm>> -> memref<16x128xf32, #tpu.memory_space<hbm>>
        tpu.enqueue_dma source(%dma_start3A_108 : memref<16x128xf32, #tpu.memory_space<hbm>>) target(%dma_start3A_105 : memref<16x128xf32, #tpu.memory_space<vmem_shared>>) target_semaphore(%run_scoped3A : memref<!tpu.dma_semaphore, #tpu.memory_space<semaphore_mem>>)
        %dma_wait3A_109 = arith.constant 9984 : i32
        %dma_wait3A_110 = arith.constant 0 : i32
        %dma_wait3A_111 = tpu.memref_slice %arg7[%dma_wait3A_109, %dma_wait3A_110] : memref<10000x128xf32, #tpu.memory_space<vmem_shared>> -> memref<16x128xf32, #tpu.memory_space<vmem_shared>>
        %dma_wait3A_112 = arith.constant 9984 : i32
        %dma_wait3A_113 = arith.constant 0 : i32
        %dma_wait3A_114 = tpu.memref_slice %arg5[%dma_wait3A_112, %dma_wait3A_113] : memref<10000x128xf32, #tpu.memory_space<hbm>> -> memref<16x128xf32, #tpu.memory_space<hbm>>
        tpu.wait_dma2 semaphore(%run_scoped3A : memref<!tpu.dma_semaphore, #tpu.memory_space<semaphore_mem>>) src(%dma_wait3A_114 : memref<16x128xf32, #tpu.memory_space<hbm>>) dst(%dma_wait3A_111 : memref<16x128xf32, #tpu.memory_space<vmem_shared>>)
        tpu.yield
      }) : () -> ()
    } else {
    }
    %barrier3A = arith.constant 0 : index
    tpu.barrier barrier_id(%barrier3A)
    %scan3A = arith.constant 0 : i32
    %scan3A_29 = arith.constant 41 : i32
    %scan3A_30 = arith.addi %scan3A, %scan3A_29 : i32
    %scan3A_31 = arith.constant 1 : i32
    scf.for %scan3A_103 = %scan3A to %scan3A_30 step %scan3A_31  : i32 {
      %mul3A_104 = arith.constant 1 : i32
      %mul3A_105 = arith.muli %scan3A_103, %mul3A_104 : i32
      %add3A_106 = arith.constant 0 : i32
      %add3A_107 = arith.addi %add3A_106, %mul3A_105 : i32
      %mul3A_108 = arith.constant 6 : i32
      %mul3A_109 = arith.muli %mul3A_108, %add3A_107 : i32
      %add3A_110 = arith.constant 0 : i32
      %add3A_111 = arith.addi %mul3A_109, %add3A_110 : i32
      %mul3A_112 = arith.constant 40 : i32
      %mul3A_113 = arith.muli %add3A_111, %mul3A_112 : i32
      %dma_wait3A_114 = tpu.memref_slice %arg8[%mul3A_113] : memref<10000xi32, #tpu.memory_space<vmem>> -> memref<40xi32, #tpu.memory_space<vmem>>
      %dma_wait3A_115 = arith.constant 0 : i32
      %dma_wait3A_116 = arith.constant 0 : i32
      %dma_wait3A_117 = tpu.memref_slice %arg2[%dma_wait3A_115, %dma_wait3A_116] : memref<10000x128xf32, #tpu.memory_space<hbm>> -> memref<10000x128xf32, #tpu.memory_space<hbm>>
      tpu.wait_indirect_dma semaphore(%arg16 : memref<!tpu.dma_semaphore, #tpu.memory_space<semaphore_mem>>) src(%dma_wait3A_117 : memref<10000x128xf32, #tpu.memory_space<hbm>>) dst(%arg10 : memref<40x128xf32, #tpu.memory_space<vmem>>)
      %mul3A_118 = arith.constant 40 : i32
      %mul3A_119 = arith.muli %add3A_111, %mul3A_118 : i32
      %dma_start3A_120 = tpu.memref_slice %arg9[%mul3A_119] : memref<10000xi32, #tpu.memory_space<vmem>> -> memref<40xi32, #tpu.memory_space<vmem>>
      %dma_start3A_121 = arith.constant 0 : i32
      %dma_start3A_122 = arith.constant 0 : i32
      %dma_start3A_123 = tpu.memref_slice %arg7[%dma_start3A_121, %dma_start3A_122] : memref<10000x128xf32, #tpu.memory_space<vmem_shared>> -> memref<10000x128xf32, #tpu.memory_space<vmem_shared>>
      tpu.enqueue_indirect_dma source(%arg10 : memref<40x128xf32, #tpu.memory_space<vmem>>) target(%dma_start3A_123 : memref<10000x128xf32, #tpu.memory_space<vmem_shared>>) offsets(%dma_start3A_120 : memref<40xi32, #tpu.memory_space<vmem>>) semaphore(%arg22 : memref<!tpu.dma_semaphore, #tpu.memory_space<semaphore_mem>>) {add = true}
      %gt3A = arith.constant 0 : i32
      %gt3A_124 = arith.cmpi sgt, %add3A_107, %gt3A : i32
      %convert_element_type3A_125 = arith.extui %gt3A_124 : i1 to i32
      %cond3A_126 = arith.constant 0 : i32
      %cond3A_127 = arith.cmpi ne, %convert_element_type3A_125, %cond3A_126 : i32
      scf.if %cond3A_127 {
        %sub3A_300 = arith.constant 1 : i32
        %sub3A_301 = arith.subi %add3A_111, %sub3A_300 : i32
        %mul3A_302 = arith.constant 40 : i32
        %mul3A_303 = arith.muli %sub3A_301, %mul3A_302 : i32
        %dma_wait3A_304 = tpu.memref_slice %arg9[%mul3A_303] : memref<10000xi32, #tpu.memory_space<vmem>> -> memref<40xi32, #tpu.memory_space<vmem>>
        %dma_wait3A_305 = arith.constant 0 : i32
        %dma_wait3A_306 = arith.constant 0 : i32
        %dma_wait3A_307 = tpu.memref_slice %arg7[%dma_wait3A_305, %dma_wait3A_306] : memref<10000x128xf32, #tpu.memory_space<vmem_shared>> -> memref<10000x128xf32, #tpu.memory_space<vmem_shared>>
        tpu.wait_indirect_dma semaphore(%arg27 : memref<!tpu.dma_semaphore, #tpu.memory_space<semaphore_mem>>) src(%arg15 : memref<40x128xf32, #tpu.memory_space<vmem>>) dst(%dma_wait3A_307 : memref<10000x128xf32, #tpu.memory_space<vmem_shared>>)
      } else {
      }
      %add3A_128 = arith.constant 6 : i32
      %add3A_129 = arith.addi %add3A_111, %add3A_128 : i32
      %sub3A = arith.constant 1 : i32
      %sub3A_130 = arith.subi %add3A_129, %sub3A : i32
      %lt3A = arith.constant 250 : i32
      %lt3A_131 = arith.cmpi slt, %sub3A_130, %lt3A : i32
      %convert_element_type3A_132 = arith.extui %lt3A_131 : i1 to i32
      %cond3A_133 = arith.constant 0 : i32
      %cond3A_134 = arith.cmpi ne, %convert_element_type3A_132, %cond3A_133 : i32
      scf.if %cond3A_134 {
        %add3A_300 = arith.constant 6 : i32
        %add3A_301 = arith.addi %add3A_111, %add3A_300 : i32
        %sub3A_302 = arith.constant 1 : i32
        %sub3A_303 = arith.subi %add3A_301, %sub3A_302 : i32
        %mul3A_304 = arith.constant 40 : i32
        %mul3A_305 = arith.muli %sub3A_303, %mul3A_304 : i32
        %dma_start3A_306 = tpu.memref_slice %arg8[%mul3A_305] : memref<10000xi32, #tpu.memory_space<vmem>> -> memref<40xi32, #tpu.memory_space<vmem>>
        %dma_start3A_307 = arith.constant 0 : i32
        %dma_start3A_308 = arith.constant 0 : i32
        %dma_start3A_309 = tpu.memref_slice %arg2[%dma_start3A_307, %dma_start3A_308] : memref<10000x128xf32, #tpu.memory_space<hbm>> -> memref<10000x128xf32, #tpu.memory_space<hbm>>
        tpu.enqueue_indirect_dma source(%dma_start3A_309 : memref<10000x128xf32, #tpu.memory_space<hbm>>) target(%arg15 : memref<40x128xf32, #tpu.memory_space<vmem>>) offsets(%dma_start3A_306 : memref<40xi32, #tpu.memory_space<vmem>>) semaphore(%arg21 : memref<!tpu.dma_semaphore, #tpu.memory_space<semaphore_mem>>)
      } else {
      }
      %mul3A_135 = arith.constant 6 : i32
      %mul3A_136 = arith.muli %mul3A_135, %add3A_107 : i32
      %add3A_137 = arith.constant 1 : i32
      %add3A_138 = arith.addi %mul3A_136, %add3A_137 : i32
      %mul3A_139 = arith.constant 40 : i32
      %mul3A_140 = arith.muli %add3A_138, %mul3A_139 : i32
      %dma_wait3A_141 = tpu.memref_slice %arg8[%mul3A_140] : memref<10000xi32, #tpu.memory_space<vmem>> -> memref<40xi32, #tpu.memory_space<vmem>>
      %dma_wait3A_142 = arith.constant 0 : i32
      %dma_wait3A_143 = arith.constant 0 : i32
      %dma_wait3A_144 = tpu.memref_slice %arg2[%dma_wait3A_142, %dma_wait3A_143] : memref<10000x128xf32, #tpu.memory_space<hbm>> -> memref<10000x128xf32, #tpu.memory_space<hbm>>
      tpu.wait_indirect_dma semaphore(%arg17 : memref<!tpu.dma_semaphore, #tpu.memory_space<semaphore_mem>>) src(%dma_wait3A_144 : memref<10000x128xf32, #tpu.memory_space<hbm>>) dst(%arg11 : memref<40x128xf32, #tpu.memory_space<vmem>>)
      %mul3A_145 = arith.constant 40 : i32
      %mul3A_146 = arith.muli %add3A_138, %mul3A_145 : i32
      %dma_start3A_147 = tpu.memref_slice %arg9[%mul3A_146] : memref<10000xi32, #tpu.memory_space<vmem>> -> memref<40xi32, #tpu.memory_space<vmem>>
      %dma_start3A_148 = arith.constant 0 : i32
      %dma_start3A_149 = arith.constant 0 : i32
      %dma_start3A_150 = tpu.memref_slice %arg7[%dma_start3A_148, %dma_start3A_149] : memref<10000x128xf32, #tpu.memory_space<vmem_shared>> -> memref<10000x128xf32, #tpu.memory_space<vmem_shared>>
      tpu.enqueue_indirect_dma source(%arg11 : memref<40x128xf32, #tpu.memory_space<vmem>>) target(%dma_start3A_150 : memref<10000x128xf32, #tpu.memory_space<vmem_shared>>) offsets(%dma_start3A_147 : memref<40xi32, #tpu.memory_space<vmem>>) semaphore(%arg23 : memref<!tpu.dma_semaphore, #tpu.memory_space<semaphore_mem>>) {add = true}
      %sub3A_151 = arith.constant 1 : i32
      %sub3A_152 = arith.subi %add3A_138, %sub3A_151 : i32
      %mul3A_153 = arith.constant 40 : i32
      %mul3A_154 = arith.muli %sub3A_152, %mul3A_153 : i32
      %dma_wait3A_155 = tpu.memref_slice %arg9[%mul3A_154] : memref<10000xi32, #tpu.memory_space<vmem>> -> memref<40xi32, #tpu.memory_space<vmem>>
      %dma_wait3A_156 = arith.constant 0 : i32
      %dma_wait3A_157 = arith.constant 0 : i32
      %dma_wait3A_158 = tpu.memref_slice %arg7[%dma_wait3A_156, %dma_wait3A_157] : memref<10000x128xf32, #tpu.memory_space<vmem_shared>> -> memref<10000x128xf32, #tpu.memory_space<vmem_shared>>
      tpu.wait_indirect_dma semaphore(%arg22 : memref<!tpu.dma_semaphore, #tpu.memory_space<semaphore_mem>>) src(%arg10 : memref<40x128xf32, #tpu.memory_space<vmem>>) dst(%dma_wait3A_158 : memref<10000x128xf32, #tpu.memory_space<vmem_shared>>)
      %add3A_159 = arith.constant 6 : i32
      %add3A_160 = arith.addi %add3A_138, %add3A_159 : i32
      %sub3A_161 = arith.constant 1 : i32
      %sub3A_162 = arith.subi %add3A_160, %sub3A_161 : i32
      %lt3A_163 = arith.constant 250 : i32
      %lt3A_164 = arith.cmpi slt, %sub3A_162, %lt3A_163 : i32
      %convert_element_type3A_165 = arith.extui %lt3A_164 : i1 to i32
      %cond3A_166 = arith.constant 0 : i32
      %cond3A_167 = arith.cmpi ne, %convert_element_type3A_165, %cond3A_166 : i32
      scf.if %cond3A_167 {
        %add3A_300 = arith.constant 6 : i32
        %add3A_301 = arith.addi %add3A_138, %add3A_300 : i32
        %sub3A_302 = arith.constant 1 : i32
        %sub3A_303 = arith.subi %add3A_301, %sub3A_302 : i32
        %mul3A_304 = arith.constant 40 : i32
        %mul3A_305 = arith.muli %sub3A_303, %mul3A_304 : i32
        %dma_start3A_306 = tpu.memref_slice %arg8[%mul3A_305] : memref<10000xi32, #tpu.memory_space<vmem>> -> memref<40xi32, #tpu.memory_space<vmem>>
        %dma_start3A_307 = arith.constant 0 : i32
        %dma_start3A_308 = arith.constant 0 : i32
        %dma_start3A_309 = tpu.memref_slice %arg2[%dma_start3A_307, %dma_start3A_308] : memref<10000x128xf32, #tpu.memory_space<hbm>> -> memref<10000x128xf32, #tpu.memory_space<hbm>>
        tpu.enqueue_indirect_dma source(%dma_start3A_309 : memref<10000x128xf32, #tpu.memory_space<hbm>>) target(%arg10 : memref<40x128xf32, #tpu.memory_space<vmem>>) offsets(%dma_start3A_306 : memref<40xi32, #tpu.memory_space<vmem>>) semaphore(%arg16 : memref<!tpu.dma_semaphore, #tpu.memory_space<semaphore_mem>>)
      } else {
      }
      %mul3A_168 = arith.constant 6 : i32
      %mul3A_169 = arith.muli %mul3A_168, %add3A_107 : i32
      %add3A_170 = arith.constant 2 : i32
      %add3A_171 = arith.addi %mul3A_169, %add3A_170 : i32
      %mul3A_172 = arith.constant 40 : i32
      %mul3A_173 = arith.muli %add3A_171, %mul3A_172 : i32
      %dma_wait3A_174 = tpu.memref_slice %arg8[%mul3A_173] : memref<10000xi32, #tpu.memory_space<vmem>> -> memref<40xi32, #tpu.memory_space<vmem>>
      %dma_wait3A_175 = arith.constant 0 : i32
      %dma_wait3A_176 = arith.constant 0 : i32
      %dma_wait3A_177 = tpu.memref_slice %arg2[%dma_wait3A_175, %dma_wait3A_176] : memref<10000x128xf32, #tpu.memory_space<hbm>> -> memref<10000x128xf32, #tpu.memory_space<hbm>>
      tpu.wait_indirect_dma semaphore(%arg18 : memref<!tpu.dma_semaphore, #tpu.memory_space<semaphore_mem>>) src(%dma_wait3A_177 : memref<10000x128xf32, #tpu.memory_space<hbm>>) dst(%arg12 : memref<40x128xf32, #tpu.memory_space<vmem>>)
      %mul3A_178 = arith.constant 40 : i32
      %mul3A_179 = arith.muli %add3A_171, %mul3A_178 : i32
      %dma_start3A_180 = tpu.memref_slice %arg9[%mul3A_179] : memref<10000xi32, #tpu.memory_space<vmem>> -> memref<40xi32, #tpu.memory_space<vmem>>
      %dma_start3A_181 = arith.constant 0 : i32
      %dma_start3A_182 = arith.constant 0 : i32
      %dma_start3A_183 = tpu.memref_slice %arg7[%dma_start3A_181, %dma_start3A_182] : memref<10000x128xf32, #tpu.memory_space<vmem_shared>> -> memref<10000x128xf32, #tpu.memory_space<vmem_shared>>
      tpu.enqueue_indirect_dma source(%arg12 : memref<40x128xf32, #tpu.memory_space<vmem>>) target(%dma_start3A_183 : memref<10000x128xf32, #tpu.memory_space<vmem_shared>>) offsets(%dma_start3A_180 : memref<40xi32, #tpu.memory_space<vmem>>) semaphore(%arg24 : memref<!tpu.dma_semaphore, #tpu.memory_space<semaphore_mem>>) {add = true}
      %sub3A_184 = arith.constant 1 : i32
      %sub3A_185 = arith.subi %add3A_171, %sub3A_184 : i32
      %mul3A_186 = arith.constant 40 : i32
      %mul3A_187 = arith.muli %sub3A_185, %mul3A_186 : i32
      %dma_wait3A_188 = tpu.memref_slice %arg9[%mul3A_187] : memref<10000xi32, #tpu.memory_space<vmem>> -> memref<40xi32, #tpu.memory_space<vmem>>
      %dma_wait3A_189 = arith.constant 0 : i32
      %dma_wait3A_190 = arith.constant 0 : i32
      %dma_wait3A_191 = tpu.memref_slice %arg7[%dma_wait3A_189, %dma_wait3A_190] : memref<10000x128xf32, #tpu.memory_space<vmem_shared>> -> memref<10000x128xf32, #tpu.memory_space<vmem_shared>>
      tpu.wait_indirect_dma semaphore(%arg23 : memref<!tpu.dma_semaphore, #tpu.memory_space<semaphore_mem>>) src(%arg11 : memref<40x128xf32, #tpu.memory_space<vmem>>) dst(%dma_wait3A_191 : memref<10000x128xf32, #tpu.memory_space<vmem_shared>>)
      %add3A_192 = arith.constant 6 : i32
      %add3A_193 = arith.addi %add3A_171, %add3A_192 : i32
      %sub3A_194 = arith.constant 1 : i32
      %sub3A_195 = arith.subi %add3A_193, %sub3A_194 : i32
      %lt3A_196 = arith.constant 250 : i32
      %lt3A_197 = arith.cmpi slt, %sub3A_195, %lt3A_196 : i32
      %convert_element_type3A_198 = arith.extui %lt3A_197 : i1 to i32
      %cond3A_199 = arith.constant 0 : i32
      %cond3A_200 = arith.cmpi ne, %convert_element_type3A_198, %cond3A_199 : i32
      scf.if %cond3A_200 {
        %add3A_300 = arith.constant 6 : i32
        %add3A_301 = arith.addi %add3A_171, %add3A_300 : i32
        %sub3A_302 = arith.constant 1 : i32
        %sub3A_303 = arith.subi %add3A_301, %sub3A_302 : i32
        %mul3A_304 = arith.constant 40 : i32
        %mul3A_305 = arith.muli %sub3A_303, %mul3A_304 : i32
        %dma_start3A_306 = tpu.memref_slice %arg8[%mul3A_305] : memref<10000xi32, #tpu.memory_space<vmem>> -> memref<40xi32, #tpu.memory_space<vmem>>
        %dma_start3A_307 = arith.constant 0 : i32
        %dma_start3A_308 = arith.constant 0 : i32
        %dma_start3A_309 = tpu.memref_slice %arg2[%dma_start3A_307, %dma_start3A_308] : memref<10000x128xf32, #tpu.memory_space<hbm>> -> memref<10000x128xf32, #tpu.memory_space<hbm>>
        tpu.enqueue_indirect_dma source(%dma_start3A_309 : memref<10000x128xf32, #tpu.memory_space<hbm>>) target(%arg11 : memref<40x128xf32, #tpu.memory_space<vmem>>) offsets(%dma_start3A_306 : memref<40xi32, #tpu.memory_space<vmem>>) semaphore(%arg17 : memref<!tpu.dma_semaphore, #tpu.memory_space<semaphore_mem>>)
      } else {
      }
      %mul3A_201 = arith.constant 6 : i32
      %mul3A_202 = arith.muli %mul3A_201, %add3A_107 : i32
      %add3A_203 = arith.constant 3 : i32
      %add3A_204 = arith.addi %mul3A_202, %add3A_203 : i32
      %mul3A_205 = arith.constant 40 : i32
      %mul3A_206 = arith.muli %add3A_204, %mul3A_205 : i32
      %dma_wait3A_207 = tpu.memref_slice %arg8[%mul3A_206] : memref<10000xi32, #tpu.memory_space<vmem>> -> memref<40xi32, #tpu.memory_space<vmem>>
      %dma_wait3A_208 = arith.constant 0 : i32
      %dma_wait3A_209 = arith.constant 0 : i32
      %dma_wait3A_210 = tpu.memref_slice %arg2[%dma_wait3A_208, %dma_wait3A_209] : memref<10000x128xf32, #tpu.memory_space<hbm>> -> memref<10000x128xf32, #tpu.memory_space<hbm>>
      tpu.wait_indirect_dma semaphore(%arg19 : memref<!tpu.dma_semaphore, #tpu.memory_space<semaphore_mem>>) src(%dma_wait3A_210 : memref<10000x128xf32, #tpu.memory_space<hbm>>) dst(%arg13 : memref<40x128xf32, #tpu.memory_space<vmem>>)
      %mul3A_211 = arith.constant 40 : i32
      %mul3A_212 = arith.muli %add3A_204, %mul3A_211 : i32
      %dma_start3A_213 = tpu.memref_slice %arg9[%mul3A_212] : memref<10000xi32, #tpu.memory_space<vmem>> -> memref<40xi32, #tpu.memory_space<vmem>>
      %dma_start3A_214 = arith.constant 0 : i32
      %dma_start3A_215 = arith.constant 0 : i32
      %dma_start3A_216 = tpu.memref_slice %arg7[%dma_start3A_214, %dma_start3A_215] : memref<10000x128xf32, #tpu.memory_space<vmem_shared>> -> memref<10000x128xf32, #tpu.memory_space<vmem_shared>>
      tpu.enqueue_indirect_dma source(%arg13 : memref<40x128xf32, #tpu.memory_space<vmem>>) target(%dma_start3A_216 : memref<10000x128xf32, #tpu.memory_space<vmem_shared>>) offsets(%dma_start3A_213 : memref<40xi32, #tpu.memory_space<vmem>>) semaphore(%arg25 : memref<!tpu.dma_semaphore, #tpu.memory_space<semaphore_mem>>) {add = true}
      %sub3A_217 = arith.constant 1 : i32
      %sub3A_218 = arith.subi %add3A_204, %sub3A_217 : i32
      %mul3A_219 = arith.constant 40 : i32
      %mul3A_220 = arith.muli %sub3A_218, %mul3A_219 : i32
      %dma_wait3A_221 = tpu.memref_slice %arg9[%mul3A_220] : memref<10000xi32, #tpu.memory_space<vmem>> -> memref<40xi32, #tpu.memory_space<vmem>>
      %dma_wait3A_222 = arith.constant 0 : i32
      %dma_wait3A_223 = arith.constant 0 : i32
      %dma_wait3A_224 = tpu.memref_slice %arg7[%dma_wait3A_222, %dma_wait3A_223] : memref<10000x128xf32, #tpu.memory_space<vmem_shared>> -> memref<10000x128xf32, #tpu.memory_space<vmem_shared>>
      tpu.wait_indirect_dma semaphore(%arg24 : memref<!tpu.dma_semaphore, #tpu.memory_space<semaphore_mem>>) src(%arg12 : memref<40x128xf32, #tpu.memory_space<vmem>>) dst(%dma_wait3A_224 : memref<10000x128xf32, #tpu.memory_space<vmem_shared>>)
      %add3A_225 = arith.constant 6 : i32
      %add3A_226 = arith.addi %add3A_204, %add3A_225 : i32
      %sub3A_227 = arith.constant 1 : i32
      %sub3A_228 = arith.subi %add3A_226, %sub3A_227 : i32
      %lt3A_229 = arith.constant 250 : i32
      %lt3A_230 = arith.cmpi slt, %sub3A_228, %lt3A_229 : i32
      %convert_element_type3A_231 = arith.extui %lt3A_230 : i1 to i32
      %cond3A_232 = arith.constant 0 : i32
      %cond3A_233 = arith.cmpi ne, %convert_element_type3A_231, %cond3A_232 : i32
      scf.if %cond3A_233 {
        %add3A_300 = arith.constant 6 : i32
        %add3A_301 = arith.addi %add3A_204, %add3A_300 : i32
        %sub3A_302 = arith.constant 1 : i32
        %sub3A_303 = arith.subi %add3A_301, %sub3A_302 : i32
        %mul3A_304 = arith.constant 40 : i32
        %mul3A_305 = arith.muli %sub3A_303, %mul3A_304 : i32
        %dma_start3A_306 = tpu.memref_slice %arg8[%mul3A_305] : memref<10000xi32, #tpu.memory_space<vmem>> -> memref<40xi32, #tpu.memory_space<vmem>>
        %dma_start3A_307 = arith.constant 0 : i32
        %dma_start3A_308 = arith.constant 0 : i32
        %dma_start3A_309 = tpu.memref_slice %arg2[%dma_start3A_307, %dma_start3A_308] : memref<10000x128xf32, #tpu.memory_space<hbm>> -> memref<10000x128xf32, #tpu.memory_space<hbm>>
        tpu.enqueue_indirect_dma source(%dma_start3A_309 : memref<10000x128xf32, #tpu.memory_space<hbm>>) target(%arg12 : memref<40x128xf32, #tpu.memory_space<vmem>>) offsets(%dma_start3A_306 : memref<40xi32, #tpu.memory_space<vmem>>) semaphore(%arg18 : memref<!tpu.dma_semaphore, #tpu.memory_space<semaphore_mem>>)
      } else {
      }
      %mul3A_234 = arith.constant 6 : i32
      %mul3A_235 = arith.muli %mul3A_234, %add3A_107 : i32
      %add3A_236 = arith.constant 4 : i32
      %add3A_237 = arith.addi %mul3A_235, %add3A_236 : i32
      %mul3A_238 = arith.constant 40 : i32
      %mul3A_239 = arith.muli %add3A_237, %mul3A_238 : i32
      %dma_wait3A_240 = tpu.memref_slice %arg8[%mul3A_239] : memref<10000xi32, #tpu.memory_space<vmem>> -> memref<40xi32, #tpu.memory_space<vmem>>
      %dma_wait3A_241 = arith.constant 0 : i32
      %dma_wait3A_242 = arith.constant 0 : i32
      %dma_wait3A_243 = tpu.memref_slice %arg2[%dma_wait3A_241, %dma_wait3A_242] : memref<10000x128xf32, #tpu.memory_space<hbm>> -> memref<10000x128xf32, #tpu.memory_space<hbm>>
      tpu.wait_indirect_dma semaphore(%arg20 : memref<!tpu.dma_semaphore, #tpu.memory_space<semaphore_mem>>) src(%dma_wait3A_243 : memref<10000x128xf32, #tpu.memory_space<hbm>>) dst(%arg14 : memref<40x128xf32, #tpu.memory_space<vmem>>)
      %mul3A_244 = arith.constant 40 : i32
      %mul3A_245 = arith.muli %add3A_237, %mul3A_244 : i32
      %dma_start3A_246 = tpu.memref_slice %arg9[%mul3A_245] : memref<10000xi32, #tpu.memory_space<vmem>> -> memref<40xi32, #tpu.memory_space<vmem>>
      %dma_start3A_247 = arith.constant 0 : i32
      %dma_start3A_248 = arith.constant 0 : i32
      %dma_start3A_249 = tpu.memref_slice %arg7[%dma_start3A_247, %dma_start3A_248] : memref<10000x128xf32, #tpu.memory_space<vmem_shared>> -> memref<10000x128xf32, #tpu.memory_space<vmem_shared>>
      tpu.enqueue_indirect_dma source(%arg14 : memref<40x128xf32, #tpu.memory_space<vmem>>) target(%dma_start3A_249 : memref<10000x128xf32, #tpu.memory_space<vmem_shared>>) offsets(%dma_start3A_246 : memref<40xi32, #tpu.memory_space<vmem>>) semaphore(%arg26 : memref<!tpu.dma_semaphore, #tpu.memory_space<semaphore_mem>>) {add = true}
      %sub3A_250 = arith.constant 1 : i32
      %sub3A_251 = arith.subi %add3A_237, %sub3A_250 : i32
      %mul3A_252 = arith.constant 40 : i32
      %mul3A_253 = arith.muli %sub3A_251, %mul3A_252 : i32
      %dma_wait3A_254 = tpu.memref_slice %arg9[%mul3A_253] : memref<10000xi32, #tpu.memory_space<vmem>> -> memref<40xi32, #tpu.memory_space<vmem>>
      %dma_wait3A_255 = arith.constant 0 : i32
      %dma_wait3A_256 = arith.constant 0 : i32
      %dma_wait3A_257 = tpu.memref_slice %arg7[%dma_wait3A_255, %dma_wait3A_256] : memref<10000x128xf32, #tpu.memory_space<vmem_shared>> -> memref<10000x128xf32, #tpu.memory_space<vmem_shared>>
      tpu.wait_indirect_dma semaphore(%arg25 : memref<!tpu.dma_semaphore, #tpu.memory_space<semaphore_mem>>) src(%arg13 : memref<40x128xf32, #tpu.memory_space<vmem>>) dst(%dma_wait3A_257 : memref<10000x128xf32, #tpu.memory_space<vmem_shared>>)
      %add3A_258 = arith.constant 6 : i32
      %add3A_259 = arith.addi %add3A_237, %add3A_258 : i32
      %sub3A_260 = arith.constant 1 : i32
      %sub3A_261 = arith.subi %add3A_259, %sub3A_260 : i32
      %lt3A_262 = arith.constant 250 : i32
      %lt3A_263 = arith.cmpi slt, %sub3A_261, %lt3A_262 : i32
      %convert_element_type3A_264 = arith.extui %lt3A_263 : i1 to i32
      %cond3A_265 = arith.constant 0 : i32
      %cond3A_266 = arith.cmpi ne, %convert_element_type3A_264, %cond3A_265 : i32
      scf.if %cond3A_266 {
        %add3A_300 = arith.constant 6 : i32
        %add3A_301 = arith.addi %add3A_237, %add3A_300 : i32
        %sub3A_302 = arith.constant 1 : i32
        %sub3A_303 = arith.subi %add3A_301, %sub3A_302 : i32
        %mul3A_304 = arith.constant 40 : i32
        %mul3A_305 = arith.muli %sub3A_303, %mul3A_304 : i32
        %dma_start3A_306 = tpu.memref_slice %arg8[%mul3A_305] : memref<10000xi32, #tpu.memory_space<vmem>> -> memref<40xi32, #tpu.memory_space<vmem>>
        %dma_start3A_307 = arith.constant 0 : i32
        %dma_start3A_308 = arith.constant 0 : i32
        %dma_start3A_309 = tpu.memref_slice %arg2[%dma_start3A_307, %dma_start3A_308] : memref<10000x128xf32, #tpu.memory_space<hbm>> -> memref<10000x128xf32, #tpu.memory_space<hbm>>
        tpu.enqueue_indirect_dma source(%dma_start3A_309 : memref<10000x128xf32, #tpu.memory_space<hbm>>) target(%arg13 : memref<40x128xf32, #tpu.memory_space<vmem>>) offsets(%dma_start3A_306 : memref<40xi32, #tpu.memory_space<vmem>>) semaphore(%arg19 : memref<!tpu.dma_semaphore, #tpu.memory_space<semaphore_mem>>)
      } else {
      }
      %mul3A_267 = arith.constant 6 : i32
      %mul3A_268 = arith.muli %mul3A_267, %add3A_107 : i32
      %add3A_269 = arith.constant 5 : i32
      %add3A_270 = arith.addi %mul3A_268, %add3A_269 : i32
      %mul3A_271 = arith.constant 40 : i32
      %mul3A_272 = arith.muli %add3A_270, %mul3A_271 : i32
      %dma_wait3A_273 = tpu.memref_slice %arg8[%mul3A_272] : memref<10000xi32, #tpu.memory_space<vmem>> -> memref<40xi32, #tpu.memory_space<vmem>>
      %dma_wait3A_274 = arith.constant 0 : i32
      %dma_wait3A_275 = arith.constant 0 : i32
      %dma_wait3A_276 = tpu.memref_slice %arg2[%dma_wait3A_274, %dma_wait3A_275] : memref<10000x128xf32, #tpu.memory_space<hbm>> -> memref<10000x128xf32, #tpu.memory_space<hbm>>
      tpu.wait_indirect_dma semaphore(%arg21 : memref<!tpu.dma_semaphore, #tpu.memory_space<semaphore_mem>>) src(%dma_wait3A_276 : memref<10000x128xf32, #tpu.memory_space<hbm>>) dst(%arg15 : memref<40x128xf32, #tpu.memory_space<vmem>>)
      %mul3A_277 = arith.constant 40 : i32
      %mul3A_278 = arith.muli %add3A_270, %mul3A_277 : i32
      %dma_start3A_279 = tpu.memref_slice %arg9[%mul3A_278] : memref<10000xi32, #tpu.memory_space<vmem>> -> memref<40xi32, #tpu.memory_space<vmem>>
      %dma_start3A_280 = arith.constant 0 : i32
      %dma_start3A_281 = arith.constant 0 : i32
      %dma_start3A_282 = tpu.memref_slice %arg7[%dma_start3A_280, %dma_start3A_281] : memref<10000x128xf32, #tpu.memory_space<vmem_shared>> -> memref<10000x128xf32, #tpu.memory_space<vmem_shared>>
      tpu.enqueue_indirect_dma source(%arg15 : memref<40x128xf32, #tpu.memory_space<vmem>>) target(%dma_start3A_282 : memref<10000x128xf32, #tpu.memory_space<vmem_shared>>) offsets(%dma_start3A_279 : memref<40xi32, #tpu.memory_space<vmem>>) semaphore(%arg27 : memref<!tpu.dma_semaphore, #tpu.memory_space<semaphore_mem>>) {add = true}
      %sub3A_283 = arith.constant 1 : i32
      %sub3A_284 = arith.subi %add3A_270, %sub3A_283 : i32
      %mul3A_285 = arith.constant 40 : i32
      %mul3A_286 = arith.muli %sub3A_284, %mul3A_285 : i32
      %dma_wait3A_287 = tpu.memref_slice %arg9[%mul3A_286] : memref<10000xi32, #tpu.memory_space<vmem>> -> memref<40xi32, #tpu.memory_space<vmem>>
      %dma_wait3A_288 = arith.constant 0 : i32
      %dma_wait3A_289 = arith.constant 0 : i32
      %dma_wait3A_290 = tpu.memref_slice %arg7[%dma_wait3A_288, %dma_wait3A_289] : memref<10000x128xf32, #tpu.memory_space<vmem_shared>> -> memref<10000x128xf32, #tpu.memory_space<vmem_shared>>
      tpu.wait_indirect_dma semaphore(%arg26 : memref<!tpu.dma_semaphore, #tpu.memory_space<semaphore_mem>>) src(%arg14 : memref<40x128xf32, #tpu.memory_space<vmem>>) dst(%dma_wait3A_290 : memref<10000x128xf32, #tpu.memory_space<vmem_shared>>)
      %add3A_291 = arith.constant 6 : i32
      %add3A_292 = arith.addi %add3A_270, %add3A_291 : i32
      %sub3A_293 = arith.constant 1 : i32
      %sub3A_294 = arith.subi %add3A_292, %sub3A_293 : i32
      %lt3A_295 = arith.constant 250 : i32
      %lt3A_296 = arith.cmpi slt, %sub3A_294, %lt3A_295 : i32
      %convert_element_type3A_297 = arith.extui %lt3A_296 : i1 to i32
      %cond3A_298 = arith.constant 0 : i32
      %cond3A_299 = arith.cmpi ne, %convert_element_type3A_297, %cond3A_298 : i32
      scf.if %cond3A_299 {
        %add3A_300 = arith.constant 6 : i32
        %add3A_301 = arith.addi %add3A_270, %add3A_300 : i32
        %sub3A_302 = arith.constant 1 : i32
        %sub3A_303 = arith.subi %add3A_301, %sub3A_302 : i32
        %mul3A_304 = arith.constant 40 : i32
        %mul3A_305 = arith.muli %sub3A_303, %mul3A_304 : i32
        %dma_start3A_306 = tpu.memref_slice %arg8[%mul3A_305] : memref<10000xi32, #tpu.memory_space<vmem>> -> memref<40xi32, #tpu.memory_space<vmem>>
        %dma_start3A_307 = arith.constant 0 : i32
        %dma_start3A_308 = arith.constant 0 : i32
        %dma_start3A_309 = tpu.memref_slice %arg2[%dma_start3A_307, %dma_start3A_308] : memref<10000x128xf32, #tpu.memory_space<hbm>> -> memref<10000x128xf32, #tpu.memory_space<hbm>>
        tpu.enqueue_indirect_dma source(%dma_start3A_309 : memref<10000x128xf32, #tpu.memory_space<hbm>>) target(%arg14 : memref<40x128xf32, #tpu.memory_space<vmem>>) offsets(%dma_start3A_306 : memref<40xi32, #tpu.memory_space<vmem>>) semaphore(%arg20 : memref<!tpu.dma_semaphore, #tpu.memory_space<semaphore_mem>>)
      } else {
      }
    }
    %scan3A_32 = arith.constant 41 : i32
    %dma_wait3A = arith.constant 9840 : i32
    %dma_wait3A_33 = tpu.memref_slice %arg8[%dma_wait3A] : memref<10000xi32, #tpu.memory_space<vmem>> -> memref<40xi32, #tpu.memory_space<vmem>>
    %dma_wait3A_34 = arith.constant 0 : i32
    %dma_wait3A_35 = arith.constant 0 : i32
    %dma_wait3A_36 = tpu.memref_slice %arg2[%dma_wait3A_34, %dma_wait3A_35] : memref<10000x128xf32, #tpu.memory_space<hbm>> -> memref<10000x128xf32, #tpu.memory_space<hbm>>
    tpu.wait_indirect_dma semaphore(%arg16 : memref<!tpu.dma_semaphore, #tpu.memory_space<semaphore_mem>>) src(%dma_wait3A_36 : memref<10000x128xf32, #tpu.memory_space<hbm>>) dst(%arg10 : memref<40x128xf32, #tpu.memory_space<vmem>>)
    %dma_start3A_37 = arith.constant 9840 : i32
    %dma_start3A_38 = tpu.memref_slice %arg9[%dma_start3A_37] : memref<10000xi32, #tpu.memory_space<vmem>> -> memref<40xi32, #tpu.memory_space<vmem>>
    %dma_start3A_39 = arith.constant 0 : i32
    %dma_start3A_40 = arith.constant 0 : i32
    %dma_start3A_41 = tpu.memref_slice %arg7[%dma_start3A_39, %dma_start3A_40] : memref<10000x128xf32, #tpu.memory_space<vmem_shared>> -> memref<10000x128xf32, #tpu.memory_space<vmem_shared>>
    tpu.enqueue_indirect_dma source(%arg10 : memref<40x128xf32, #tpu.memory_space<vmem>>) target(%dma_start3A_41 : memref<10000x128xf32, #tpu.memory_space<vmem_shared>>) offsets(%dma_start3A_38 : memref<40xi32, #tpu.memory_space<vmem>>) semaphore(%arg22 : memref<!tpu.dma_semaphore, #tpu.memory_space<semaphore_mem>>) {add = true}
    %dma_wait3A_42 = arith.constant 9800 : i32
    %dma_wait3A_43 = tpu.memref_slice %arg9[%dma_wait3A_42] : memref<10000xi32, #tpu.memory_space<vmem>> -> memref<40xi32, #tpu.memory_space<vmem>>
    %dma_wait3A_44 = arith.constant 0 : i32
    %dma_wait3A_45 = arith.constant 0 : i32
    %dma_wait3A_46 = tpu.memref_slice %arg7[%dma_wait3A_44, %dma_wait3A_45] : memref<10000x128xf32, #tpu.memory_space<vmem_shared>> -> memref<10000x128xf32, #tpu.memory_space<vmem_shared>>
    tpu.wait_indirect_dma semaphore(%arg27 : memref<!tpu.dma_semaphore, #tpu.memory_space<semaphore_mem>>) src(%arg15 : memref<40x128xf32, #tpu.memory_space<vmem>>) dst(%dma_wait3A_46 : memref<10000x128xf32, #tpu.memory_space<vmem_shared>>)
    %dma_wait3A_47 = arith.constant 9880 : i32
    %dma_wait3A_48 = tpu.memref_slice %arg8[%dma_wait3A_47] : memref<10000xi32, #tpu.memory_space<vmem>> -> memref<40xi32, #tpu.memory_space<vmem>>
    %dma_wait3A_49 = arith.constant 0 : i32
    %dma_wait3A_50 = arith.constant 0 : i32
    %dma_wait3A_51 = tpu.memref_slice %arg2[%dma_wait3A_49, %dma_wait3A_50] : memref<10000x128xf32, #tpu.memory_space<hbm>> -> memref<10000x128xf32, #tpu.memory_space<hbm>>
    tpu.wait_indirect_dma semaphore(%arg17 : memref<!tpu.dma_semaphore, #tpu.memory_space<semaphore_mem>>) src(%dma_wait3A_51 : memref<10000x128xf32, #tpu.memory_space<hbm>>) dst(%arg11 : memref<40x128xf32, #tpu.memory_space<vmem>>)
    %dma_start3A_52 = arith.constant 9880 : i32
    %dma_start3A_53 = tpu.memref_slice %arg9[%dma_start3A_52] : memref<10000xi32, #tpu.memory_space<vmem>> -> memref<40xi32, #tpu.memory_space<vmem>>
    %dma_start3A_54 = arith.constant 0 : i32
    %dma_start3A_55 = arith.constant 0 : i32
    %dma_start3A_56 = tpu.memref_slice %arg7[%dma_start3A_54, %dma_start3A_55] : memref<10000x128xf32, #tpu.memory_space<vmem_shared>> -> memref<10000x128xf32, #tpu.memory_space<vmem_shared>>
    tpu.enqueue_indirect_dma source(%arg11 : memref<40x128xf32, #tpu.memory_space<vmem>>) target(%dma_start3A_56 : memref<10000x128xf32, #tpu.memory_space<vmem_shared>>) offsets(%dma_start3A_53 : memref<40xi32, #tpu.memory_space<vmem>>) semaphore(%arg23 : memref<!tpu.dma_semaphore, #tpu.memory_space<semaphore_mem>>) {add = true}
    %dma_wait3A_57 = arith.constant 9840 : i32
    %dma_wait3A_58 = tpu.memref_slice %arg9[%dma_wait3A_57] : memref<10000xi32, #tpu.memory_space<vmem>> -> memref<40xi32, #tpu.memory_space<vmem>>
    %dma_wait3A_59 = arith.constant 0 : i32
    %dma_wait3A_60 = arith.constant 0 : i32
    %dma_wait3A_61 = tpu.memref_slice %arg7[%dma_wait3A_59, %dma_wait3A_60] : memref<10000x128xf32, #tpu.memory_space<vmem_shared>> -> memref<10000x128xf32, #tpu.memory_space<vmem_shared>>
    tpu.wait_indirect_dma semaphore(%arg22 : memref<!tpu.dma_semaphore, #tpu.memory_space<semaphore_mem>>) src(%arg10 : memref<40x128xf32, #tpu.memory_space<vmem>>) dst(%dma_wait3A_61 : memref<10000x128xf32, #tpu.memory_space<vmem_shared>>)
    %dma_wait3A_62 = arith.constant 9920 : i32
    %dma_wait3A_63 = tpu.memref_slice %arg8[%dma_wait3A_62] : memref<10000xi32, #tpu.memory_space<vmem>> -> memref<40xi32, #tpu.memory_space<vmem>>
    %dma_wait3A_64 = arith.constant 0 : i32
    %dma_wait3A_65 = arith.constant 0 : i32
    %dma_wait3A_66 = tpu.memref_slice %arg2[%dma_wait3A_64, %dma_wait3A_65] : memref<10000x128xf32, #tpu.memory_space<hbm>> -> memref<10000x128xf32, #tpu.memory_space<hbm>>
    tpu.wait_indirect_dma semaphore(%arg18 : memref<!tpu.dma_semaphore, #tpu.memory_space<semaphore_mem>>) src(%dma_wait3A_66 : memref<10000x128xf32, #tpu.memory_space<hbm>>) dst(%arg12 : memref<40x128xf32, #tpu.memory_space<vmem>>)
    %dma_start3A_67 = arith.constant 9920 : i32
    %dma_start3A_68 = tpu.memref_slice %arg9[%dma_start3A_67] : memref<10000xi32, #tpu.memory_space<vmem>> -> memref<40xi32, #tpu.memory_space<vmem>>
    %dma_start3A_69 = arith.constant 0 : i32
    %dma_start3A_70 = arith.constant 0 : i32
    %dma_start3A_71 = tpu.memref_slice %arg7[%dma_start3A_69, %dma_start3A_70] : memref<10000x128xf32, #tpu.memory_space<vmem_shared>> -> memref<10000x128xf32, #tpu.memory_space<vmem_shared>>
    tpu.enqueue_indirect_dma source(%arg12 : memref<40x128xf32, #tpu.memory_space<vmem>>) target(%dma_start3A_71 : memref<10000x128xf32, #tpu.memory_space<vmem_shared>>) offsets(%dma_start3A_68 : memref<40xi32, #tpu.memory_space<vmem>>) semaphore(%arg24 : memref<!tpu.dma_semaphore, #tpu.memory_space<semaphore_mem>>) {add = true}
    %dma_wait3A_72 = arith.constant 9880 : i32
    %dma_wait3A_73 = tpu.memref_slice %arg9[%dma_wait3A_72] : memref<10000xi32, #tpu.memory_space<vmem>> -> memref<40xi32, #tpu.memory_space<vmem>>
    %dma_wait3A_74 = arith.constant 0 : i32
    %dma_wait3A_75 = arith.constant 0 : i32
    %dma_wait3A_76 = tpu.memref_slice %arg7[%dma_wait3A_74, %dma_wait3A_75] : memref<10000x128xf32, #tpu.memory_space<vmem_shared>> -> memref<10000x128xf32, #tpu.memory_space<vmem_shared>>
    tpu.wait_indirect_dma semaphore(%arg23 : memref<!tpu.dma_semaphore, #tpu.memory_space<semaphore_mem>>) src(%arg11 : memref<40x128xf32, #tpu.memory_space<vmem>>) dst(%dma_wait3A_76 : memref<10000x128xf32, #tpu.memory_space<vmem_shared>>)
    %dma_wait3A_77 = arith.constant 9960 : i32
    %dma_wait3A_78 = tpu.memref_slice %arg8[%dma_wait3A_77] : memref<10000xi32, #tpu.memory_space<vmem>> -> memref<40xi32, #tpu.memory_space<vmem>>
    %dma_wait3A_79 = arith.constant 0 : i32
    %dma_wait3A_80 = arith.constant 0 : i32
    %dma_wait3A_81 = tpu.memref_slice %arg2[%dma_wait3A_79, %dma_wait3A_80] : memref<10000x128xf32, #tpu.memory_space<hbm>> -> memref<10000x128xf32, #tpu.memory_space<hbm>>
    tpu.wait_indirect_dma semaphore(%arg19 : memref<!tpu.dma_semaphore, #tpu.memory_space<semaphore_mem>>) src(%dma_wait3A_81 : memref<10000x128xf32, #tpu.memory_space<hbm>>) dst(%arg13 : memref<40x128xf32, #tpu.memory_space<vmem>>)
    %dma_start3A_82 = arith.constant 9960 : i32
    %dma_start3A_83 = tpu.memref_slice %arg9[%dma_start3A_82] : memref<10000xi32, #tpu.memory_space<vmem>> -> memref<40xi32, #tpu.memory_space<vmem>>
    %dma_start3A_84 = arith.constant 0 : i32
    %dma_start3A_85 = arith.constant 0 : i32
    %dma_start3A_86 = tpu.memref_slice %arg7[%dma_start3A_84, %dma_start3A_85] : memref<10000x128xf32, #tpu.memory_space<vmem_shared>> -> memref<10000x128xf32, #tpu.memory_space<vmem_shared>>
    tpu.enqueue_indirect_dma source(%arg13 : memref<40x128xf32, #tpu.memory_space<vmem>>) target(%dma_start3A_86 : memref<10000x128xf32, #tpu.memory_space<vmem_shared>>) offsets(%dma_start3A_83 : memref<40xi32, #tpu.memory_space<vmem>>) semaphore(%arg25 : memref<!tpu.dma_semaphore, #tpu.memory_space<semaphore_mem>>) {add = true}
    %dma_wait3A_87 = arith.constant 9920 : i32
    %dma_wait3A_88 = tpu.memref_slice %arg9[%dma_wait3A_87] : memref<10000xi32, #tpu.memory_space<vmem>> -> memref<40xi32, #tpu.memory_space<vmem>>
    %dma_wait3A_89 = arith.constant 0 : i32
    %dma_wait3A_90 = arith.constant 0 : i32
    %dma_wait3A_91 = tpu.memref_slice %arg7[%dma_wait3A_89, %dma_wait3A_90] : memref<10000x128xf32, #tpu.memory_space<vmem_shared>> -> memref<10000x128xf32, #tpu.memory_space<vmem_shared>>
    tpu.wait_indirect_dma semaphore(%arg24 : memref<!tpu.dma_semaphore, #tpu.memory_space<semaphore_mem>>) src(%arg12 : memref<40x128xf32, #tpu.memory_space<vmem>>) dst(%dma_wait3A_91 : memref<10000x128xf32, #tpu.memory_space<vmem_shared>>)
    %dma_wait3A_92 = arith.constant 9960 : i32
    %dma_wait3A_93 = tpu.memref_slice %arg9[%dma_wait3A_92] : memref<10000xi32, #tpu.memory_space<vmem>> -> memref<40xi32, #tpu.memory_space<vmem>>
    %dma_wait3A_94 = arith.constant 0 : i32
    %dma_wait3A_95 = arith.constant 0 : i32
    %dma_wait3A_96 = tpu.memref_slice %arg7[%dma_wait3A_94, %dma_wait3A_95] : memref<10000x128xf32, #tpu.memory_space<vmem_shared>> -> memref<10000x128xf32, #tpu.memory_space<vmem_shared>>
    tpu.wait_indirect_dma semaphore(%arg25 : memref<!tpu.dma_semaphore, #tpu.memory_space<semaphore_mem>>) src(%arg13 : memref<40x128xf32, #tpu.memory_space<vmem>>) dst(%dma_wait3A_96 : memref<10000x128xf32, #tpu.memory_space<vmem_shared>>)
    %barrier3A_97 = arith.constant 0 : index
    tpu.barrier barrier_id(%barrier3A_97)
    "tpu.region"() ({
      %run_scoped3A = tpu.sem_alloc : memref<!tpu.dma_semaphore, #tpu.memory_space<semaphore_mem>>
      %dma_start3A_103 = arith.constant 0 : i32
      %dma_start3A_104 = arith.constant 0 : i32
      %dma_start3A_105 = tpu.memref_slice %arg6[%arg0, %dma_start3A_103, %dma_start3A_104] : memref<2x10000x128xf32, #tpu.memory_space<hbm>> -> memref<1x10000x128xf32, #tpu.memory_space<hbm>>
      %dma_start3A_106 = tpu.memref_squeeze %dma_start3A_105 : memref<1x10000x128xf32, #tpu.memory_space<hbm>> -> memref<10000x128xf32, #tpu.memory_space<hbm>>
      %dma_start3A_107 = arith.constant 0 : i32
      %dma_start3A_108 = tpu.memref_slice %dma_start3A_106[%mul3A_2, %dma_start3A_107] : memref<10000x128xf32, #tpu.memory_space<hbm>> -> memref<624x128xf32, #tpu.memory_space<hbm>>
      %dma_start3A_109 = arith.constant 0 : i32
      %dma_start3A_110 = tpu.memref_slice %arg7[%mul3A_2, %dma_start3A_109] : memref<10000x128xf32, #tpu.memory_space<vmem_shared>> -> memref<624x128xf32, #tpu.memory_space<vmem_shared>>
      tpu.enqueue_dma source(%dma_start3A_110 : memref<624x128xf32, #tpu.memory_space<vmem_shared>>) target(%dma_start3A_108 : memref<624x128xf32, #tpu.memory_space<hbm>>) target_semaphore(%run_scoped3A : memref<!tpu.dma_semaphore, #tpu.memory_space<semaphore_mem>>)
      %dma_wait3A_111 = arith.constant 0 : i32
      %dma_wait3A_112 = arith.constant 0 : i32
      %dma_wait3A_113 = tpu.memref_slice %arg6[%arg0, %dma_wait3A_111, %dma_wait3A_112] : memref<2x10000x128xf32, #tpu.memory_space<hbm>> -> memref<1x10000x128xf32, #tpu.memory_space<hbm>>
      %dma_wait3A_114 = tpu.memref_squeeze %dma_wait3A_113 : memref<1x10000x128xf32, #tpu.memory_space<hbm>> -> memref<10000x128xf32, #tpu.memory_space<hbm>>
      %dma_wait3A_115 = arith.constant 0 : i32
      %dma_wait3A_116 = tpu.memref_slice %dma_wait3A_114[%mul3A_2, %dma_wait3A_115] : memref<10000x128xf32, #tpu.memory_space<hbm>> -> memref<624x128xf32, #tpu.memory_space<hbm>>
      %dma_wait3A_117 = arith.constant 0 : i32
      %dma_wait3A_118 = tpu.memref_slice %arg7[%mul3A_2, %dma_wait3A_117] : memref<10000x128xf32, #tpu.memory_space<vmem_shared>> -> memref<624x128xf32, #tpu.memory_space<vmem_shared>>
      tpu.wait_dma2 semaphore(%run_scoped3A : memref<!tpu.dma_semaphore, #tpu.memory_space<semaphore_mem>>) src(%dma_wait3A_118 : memref<624x128xf32, #tpu.memory_space<vmem_shared>>) dst(%dma_wait3A_116 : memref<624x128xf32, #tpu.memory_space<hbm>>)
      tpu.yield
    }) : () -> ()
    %eq3A_98 = arith.constant 15 : i32
    %eq3A_99 = arith.cmpi eq, %arg1, %eq3A_98 : i32
    %convert_element_type3A_100 = arith.extui %eq3A_99 : i1 to i32
    %cond3A_101 = arith.constant 0 : i32
    %cond3A_102 = arith.cmpi ne, %convert_element_type3A_100, %cond3A_101 : i32
    scf.if %cond3A_102 {
      "tpu.region"() ({
        %run_scoped3A = tpu.sem_alloc : memref<!tpu.dma_semaphore, #tpu.memory_space<semaphore_mem>>
        %dma_start3A_103 = arith.constant 0 : i32
        %dma_start3A_104 = arith.constant 0 : i32
        %dma_start3A_105 = tpu.memref_slice %arg6[%arg0, %dma_start3A_103, %dma_start3A_104] : memref<2x10000x128xf32, #tpu.memory_space<hbm>> -> memref<1x10000x128xf32, #tpu.memory_space<hbm>>
        %dma_start3A_106 = tpu.memref_squeeze %dma_start3A_105 : memref<1x10000x128xf32, #tpu.memory_space<hbm>> -> memref<10000x128xf32, #tpu.memory_space<hbm>>
        %dma_start3A_107 = arith.constant 9984 : i32
        %dma_start3A_108 = arith.constant 0 : i32
        %dma_start3A_109 = tpu.memref_slice %dma_start3A_106[%dma_start3A_107, %dma_start3A_108] : memref<10000x128xf32, #tpu.memory_space<hbm>> -> memref<16x128xf32, #tpu.memory_space<hbm>>
        %dma_start3A_110 = arith.constant 9984 : i32
        %dma_start3A_111 = arith.constant 0 : i32
        %dma_start3A_112 = tpu.memref_slice %arg7[%dma_start3A_110, %dma_start3A_111] : memref<10000x128xf32, #tpu.memory_space<vmem_shared>> -> memref<16x128xf32, #tpu.memory_space<vmem_shared>>
        tpu.enqueue_dma source(%dma_start3A_112 : memref<16x128xf32, #tpu.memory_space<vmem_shared>>) target(%dma_start3A_109 : memref<16x128xf32, #tpu.memory_space<hbm>>) target_semaphore(%run_scoped3A : memref<!tpu.dma_semaphore, #tpu.memory_space<semaphore_mem>>)
        %dma_wait3A_113 = arith.constant 0 : i32
        %dma_wait3A_114 = arith.constant 0 : i32
        %dma_wait3A_115 = tpu.memref_slice %arg6[%arg0, %dma_wait3A_113, %dma_wait3A_114] : memref<2x10000x128xf32, #tpu.memory_space<hbm>> -> memref<1x10000x128xf32, #tpu.memory_space<hbm>>
        %dma_wait3A_116 = tpu.memref_squeeze %dma_wait3A_115 : memref<1x10000x128xf32, #tpu.memory_space<hbm>> -> memref<10000x128xf32, #tpu.memory_space<hbm>>
        %dma_wait3A_117 = arith.constant 9984 : i32
        %dma_wait3A_118 = arith.constant 0 : i32
        %dma_wait3A_119 = tpu.memref_slice %dma_wait3A_116[%dma_wait3A_117, %dma_wait3A_118] : memref<10000x128xf32, #tpu.memory_space<hbm>> -> memref<16x128xf32, #tpu.memory_space<hbm>>
        %dma_wait3A_120 = arith.constant 9984 : i32
        %dma_wait3A_121 = arith.constant 0 : i32
        %dma_wait3A_122 = tpu.memref_slice %arg7[%dma_wait3A_120, %dma_wait3A_121] : memref<10000x128xf32, #tpu.memory_space<vmem_shared>> -> memref<16x128xf32, #tpu.memory_space<vmem_shared>>
        tpu.wait_dma2 semaphore(%run_scoped3A : memref<!tpu.dma_semaphore, #tpu.memory_space<semaphore_mem>>) src(%dma_wait3A_122 : memref<16x128xf32, #tpu.memory_space<vmem_shared>>) dst(%dma_wait3A_119 : memref<16x128xf32, #tpu.memory_space<hbm>>)
        tpu.yield
      }) : () -> ()
    } else {
    }
    return
  }
}

module attributes {stable_mosaic.version = 14 : i64} {
  func.func @body(%arg0: i32, %arg1: memref<1000x128xf32, #tpu.memory_space<vmem>>, %arg2: memref<128x128xf32, #tpu.memory_space<vmem>>, %arg3: memref<1x128xf32, #tpu.memory_space<vmem>>, %arg4: memref<1000x128xf32, #tpu.memory_space<vmem>>) attributes {dimension_semantics = [#tpu.dimension_semantics<arbitrary>], iteration_bounds = array<i64: 10>, scalar_prefetch = 0 : i64, scratch_operands = 0 : i64, tpu.core_type = #tpu.core_type<tc>, window_params = [{transform_indices = @transform_0, window_bounds = array<i64: 1000, 128>}, {pipeline_mode = #tpu.pipeline_mode<synchronous>, transform_indices = @transform_1, window_bounds = array<i64: 128, 128>}, {pipeline_mode = #tpu.pipeline_mode<synchronous>, transform_indices = @transform_2, window_bounds = array<i64: 1, 128>}, {transform_indices = @transform_3, window_bounds = array<i64: 1000, 128>}]} {
    %get3A = arith.constant 0 : index
    %get3A_0 = arith.constant 0 : index
    %get3A_1 = vector.load %arg1[%get3A, %get3A_0] : memref<1000x128xf32, #tpu.memory_space<vmem>>, vector<1000x128xf32>
    %get3A_2 = arith.constant 0 : index
    %get3A_3 = arith.constant 0 : index
    %get3A_4 = vector.load %arg2[%get3A_2, %get3A_3] : memref<128x128xf32, #tpu.memory_space<vmem>>, vector<128x128xf32>
    %dot_general3A = arith.constant dense<0.000000e+00> : vector<1000x128xf32>
    %dot_general3A_5 = tpu.matmul %get3A_1, %get3A_4, %dot_general3A {dimension_numbers = #tpu.dot_dimension_numbers<[1], [1], [0], [0], [0, 0, 1, 0], [], []>, transpose_lhs_hint = false} : vector<1000x128xf32>, vector<128x128xf32>, vector<1000x128xf32> -> vector<1000x128xf32>
    %get3A_6 = arith.constant 0 : index
    %get3A_7 = arith.constant 0 : index
    %get3A_8 = vector.load %arg3[%get3A_6, %get3A_7] : memref<1x128xf32, #tpu.memory_space<vmem>>, vector<1x128xf32>
    %add3A = vector.broadcast %get3A_8 : vector<1x128xf32> to vector<1000x128xf32>
    %add3A_9 = arith.addf %dot_general3A_5, %add3A : vector<1000x128xf32>
    %swap3A = arith.constant 0 : index
    %swap3A_10 = arith.constant 0 : index
    %swap3A_11 = vector.load %arg4[%swap3A, %swap3A_10] : memref<1000x128xf32, #tpu.memory_space<vmem>>, vector<1000x128xf32>
    tpu.vector_store %arg4[%swap3A, %swap3A_10], %add3A_9 {strides = array<i32>} : memref<1000x128xf32, #tpu.memory_space<vmem>>, vector<1000x128xf32>,
    return
  }
  func.func @transform_0(%arg0: i32) -> (i32, i32) {
    %c0_i32 = arith.constant 0 : i32
    %c0_i32_0 = arith.constant 0 : i32
    return %arg0, %c0_i32 : i32, i32
  }
  func.func @transform_1(%arg0: i32) -> (i32, i32) {
    %c0_i32 = arith.constant 0 : i32
    %c0_i32_0 = arith.constant 0 : i32
    %c0_i32_1 = arith.constant 0 : i32
    return %c0_i32, %c0_i32_0 : i32, i32
  }
  func.func @transform_2(%arg0: i32) -> (i32, i32) {
    %c0_i32 = arith.constant 0 : i32
    %c0_i32_0 = arith.constant 0 : i32
    %c0_i32_1 = arith.constant 0 : i32
    return %c0_i32, %c0_i32_0 : i32, i32
  }
  func.func @transform_3(%arg0: i32) -> (i32, i32) {
    %c0_i32 = arith.constant 0 : i32
    %c0_i32_0 = arith.constant 0 : i32
    return %arg0, %c0_i32 : i32, i32
  }
}

module attributes {stable_mosaic.version = 14 : i64} {
  func.func @body(%arg0: i32, %arg1: memref<2x1000x128xf32, #tpu.memory_space<vmem>>, %arg2: memref<1000x32xf32, #tpu.memory_space<vmem>>, %arg3: memref<1000x128xf32, #tpu.memory_space<vmem>>, %arg4: memref<128x128xf32, #tpu.memory_space<vmem>>, %arg5: memref<1000x128xf32, #tpu.memory_space<vmem>>) attributes {dimension_semantics = [#tpu.dimension_semantics<arbitrary>], iteration_bounds = array<i64: 10>, scalar_prefetch = 0 : i64, scratch_operands = 0 : i64, tpu.core_type = #tpu.core_type<tc>, window_params = [{transform_indices = @transform_0, window_bounds = array<i64: 2, 1000, 128>}, {transform_indices = @transform_1, window_bounds = array<i64: 1000, 32>}, {transform_indices = @transform_2, window_bounds = array<i64: 1000, 128>}, {pipeline_mode = #tpu.pipeline_mode<synchronous>, transform_indices = @transform_3, window_bounds = array<i64: 128, 128>}, {transform_indices = @transform_4, window_bounds = array<i64: 1000, 128>}]} {
    %get3A = arith.constant 0 : index
    %get3A_0 = arith.constant 0 : index
    %get3A_1 = arith.constant 0 : index
    %get3A_2 = vector.load %arg1[%get3A, %get3A_0, %get3A_1] : memref<2x1000x128xf32, #tpu.memory_space<vmem>>, vector<1x1000x128xf32>
    %get3A_3 = vector.shape_cast %get3A_2 : vector<1x1000x128xf32> to vector<1000x128xf32>
    %get3A_4 = arith.constant 1 : index
    %get3A_5 = arith.constant 0 : index
    %get3A_6 = arith.constant 0 : index
    %get3A_7 = vector.load %arg1[%get3A_4, %get3A_5, %get3A_6] : memref<2x1000x128xf32, #tpu.memory_space<vmem>>, vector<1x1000x128xf32>
    %get3A_8 = vector.shape_cast %get3A_7 : vector<1x1000x128xf32> to vector<1000x128xf32>
    %add3A = arith.addf %get3A_3, %get3A_8 : vector<1000x128xf32>
    %get3A_9 = arith.constant 0 : index
    %get3A_10 = arith.constant 0 : index
    %get3A_11 = vector.load %arg2[%get3A_9, %get3A_10] : memref<1000x32xf32, #tpu.memory_space<vmem>>, vector<1000x32xf32>
    %reduce_sum3A = arith.constant dense<0.000000e+00> : vector<1000xf32>
    %reduce_sum3A_12 = vector.multi_reduction <add>, %get3A_11, %reduce_sum3A [1] : vector<1000x32xf32> to vector<1000xf32>
    %max3A = arith.constant 1.000000e+00 : f32
    %max3A_13 = vector.broadcast %max3A : f32 to vector<1000xf32>
    %max3A_14 = arith.maximumf %reduce_sum3A_12, %max3A_13 : vector<1000xf32>
    %div3A = arith.constant 1.000000e+00 : f32
    %div3A_15 = vector.broadcast %div3A : f32 to vector<1000xf32>
    %div3A_16 = arith.divf %div3A_15, %max3A_14 : vector<1000xf32>
    %broadcast_in_dim3A = vector.shape_cast %div3A_16 : vector<1000xf32> to vector<1000x1xf32>
    %mul3A = vector.broadcast %broadcast_in_dim3A : vector<1000x1xf32> to vector<1000x128xf32>
    %mul3A_17 = arith.mulf %add3A, %mul3A : vector<1000x128xf32>
    %get3A_18 = arith.constant 0 : index
    %get3A_19 = arith.constant 0 : index
    %get3A_20 = vector.load %arg4[%get3A_18, %get3A_19] : memref<128x128xf32, #tpu.memory_space<vmem>>, vector<128x128xf32>
    %dot_general3A = arith.constant dense<0.000000e+00> : vector<1000x128xf32>
    %dot_general3A_21 = tpu.matmul %mul3A_17, %get3A_20, %dot_general3A {dimension_numbers = #tpu.dot_dimension_numbers<[1], [1], [0], [0], [0, 0, 1, 0], [], []>, transpose_lhs_hint = false} : vector<1000x128xf32>, vector<128x128xf32>, vector<1000x128xf32> -> vector<1000x128xf32>
    %get3A_22 = arith.constant 0 : index
    %get3A_23 = arith.constant 0 : index
    %get3A_24 = vector.load %arg3[%get3A_22, %get3A_23] : memref<1000x128xf32, #tpu.memory_space<vmem>>, vector<1000x128xf32>
    %add3A_25 = arith.addf %dot_general3A_21, %get3A_24 : vector<1000x128xf32>
    %max3A_26 = arith.constant 0.000000e+00 : f32
    %max3A_27 = vector.broadcast %max3A_26 : f32 to vector<1000x128xf32>
    %max3A_28 = arith.maximumf %add3A_25, %max3A_27 : vector<1000x128xf32>
    %swap3A = arith.constant 0 : index
    %swap3A_29 = arith.constant 0 : index
    %swap3A_30 = vector.load %arg5[%swap3A, %swap3A_29] : memref<1000x128xf32, #tpu.memory_space<vmem>>, vector<1000x128xf32>
    tpu.vector_store %arg5[%swap3A, %swap3A_29], %max3A_28 {strides = array<i32>} : memref<1000x128xf32, #tpu.memory_space<vmem>>, vector<1000x128xf32>,
    return
  }
  func.func @transform_0(%arg0: i32) -> (i32, i32, i32) {
    %c0_i32 = arith.constant 0 : i32
    %c0_i32_0 = arith.constant 0 : i32
    %c0_i32_1 = arith.constant 0 : i32
    return %c0_i32, %arg0, %c0_i32_0 : i32, i32, i32
  }
  func.func @transform_1(%arg0: i32) -> (i32, i32) {
    %c0_i32 = arith.constant 0 : i32
    %c0_i32_0 = arith.constant 0 : i32
    return %arg0, %c0_i32 : i32, i32
  }
  func.func @transform_2(%arg0: i32) -> (i32, i32) {
    %c0_i32 = arith.constant 0 : i32
    %c0_i32_0 = arith.constant 0 : i32
    return %arg0, %c0_i32 : i32, i32
  }
  func.func @transform_3(%arg0: i32) -> (i32, i32) {
    %c0_i32 = arith.constant 0 : i32
    %c0_i32_0 = arith.constant 0 : i32
    %c0_i32_1 = arith.constant 0 : i32
    return %c0_i32, %c0_i32_0 : i32, i32
  }
  func.func @transform_4(%arg0: i32) -> (i32, i32) {
    %c0_i32 = arith.constant 0 : i32
    %c0_i32_0 = arith.constant 0 : i32
    return %arg0, %c0_i32 : i32, i32
  }
}

module attributes {stable_mosaic.version = 14 : i64} {
  func.func @body(%arg0: i32, %arg1: memref<2x1000x128xf32, #tpu.memory_space<vmem>>, %arg2: memref<1000x32xf32, #tpu.memory_space<vmem>>, %arg3: memref<1000x128xf32, #tpu.memory_space<vmem>>, %arg4: memref<128x128xf32, #tpu.memory_space<vmem>>, %arg5: memref<1000x128xf32, #tpu.memory_space<vmem>>) attributes {dimension_semantics = [#tpu.dimension_semantics<arbitrary>], iteration_bounds = array<i64: 10>, scalar_prefetch = 0 : i64, scratch_operands = 0 : i64, tpu.core_type = #tpu.core_type<tc>, window_params = [{transform_indices = @transform_0, window_bounds = array<i64: 2, 1000, 128>}, {transform_indices = @transform_1, window_bounds = array<i64: 1000, 32>}, {transform_indices = @transform_2, window_bounds = array<i64: 1000, 128>}, {pipeline_mode = #tpu.pipeline_mode<synchronous>, transform_indices = @transform_3, window_bounds = array<i64: 128, 128>}, {transform_indices = @transform_4, window_bounds = array<i64: 1000, 128>}]} {
    %get3A = arith.constant 0 : index
    %get3A_0 = arith.constant 0 : index
    %get3A_1 = arith.constant 0 : index
    %get3A_2 = vector.load %arg1[%get3A, %get3A_0, %get3A_1] : memref<2x1000x128xf32, #tpu.memory_space<vmem>>, vector<1x1000x128xf32>
    %get3A_3 = vector.shape_cast %get3A_2 : vector<1x1000x128xf32> to vector<1000x128xf32>
    %get3A_4 = arith.constant 1 : index
    %get3A_5 = arith.constant 0 : index
    %get3A_6 = arith.constant 0 : index
    %get3A_7 = vector.load %arg1[%get3A_4, %get3A_5, %get3A_6] : memref<2x1000x128xf32, #tpu.memory_space<vmem>>, vector<1x1000x128xf32>
    %get3A_8 = vector.shape_cast %get3A_7 : vector<1x1000x128xf32> to vector<1000x128xf32>
    %add3A = arith.addf %get3A_3, %get3A_8 : vector<1000x128xf32>
    %get3A_9 = arith.constant 0 : index
    %get3A_10 = arith.constant 0 : index
    %get3A_11 = vector.load %arg2[%get3A_9, %get3A_10] : memref<1000x32xf32, #tpu.memory_space<vmem>>, vector<1000x32xf32>
    %reduce_sum3A = arith.constant dense<0.000000e+00> : vector<1000xf32>
    %reduce_sum3A_12 = vector.multi_reduction <add>, %get3A_11, %reduce_sum3A [1] : vector<1000x32xf32> to vector<1000xf32>
    %max3A = arith.constant 1.000000e+00 : f32
    %max3A_13 = vector.broadcast %max3A : f32 to vector<1000xf32>
    %max3A_14 = arith.maximumf %reduce_sum3A_12, %max3A_13 : vector<1000xf32>
    %div3A = arith.constant 1.000000e+00 : f32
    %div3A_15 = vector.broadcast %div3A : f32 to vector<1000xf32>
    %div3A_16 = arith.divf %div3A_15, %max3A_14 : vector<1000xf32>
    %broadcast_in_dim3A = vector.shape_cast %div3A_16 : vector<1000xf32> to vector<1000x1xf32>
    %mul3A = vector.broadcast %broadcast_in_dim3A : vector<1000x1xf32> to vector<1000x128xf32>
    %mul3A_17 = arith.mulf %add3A, %mul3A : vector<1000x128xf32>
    %get3A_18 = arith.constant 0 : index
    %get3A_19 = arith.constant 0 : index
    %get3A_20 = vector.load %arg4[%get3A_18, %get3A_19] : memref<128x128xf32, #tpu.memory_space<vmem>>, vector<128x128xf32>
    %dot_general3A = arith.constant dense<0.000000e+00> : vector<1000x128xf32>
    %dot_general3A_21 = tpu.matmul %mul3A_17, %get3A_20, %dot_general3A {dimension_numbers = #tpu.dot_dimension_numbers<[1], [1], [0], [0], [0, 0, 1, 0], [], []>, transpose_lhs_hint = false} : vector<1000x128xf32>, vector<128x128xf32>, vector<1000x128xf32> -> vector<1000x128xf32>
    %get3A_22 = arith.constant 0 : index
    %get3A_23 = arith.constant 0 : index
    %get3A_24 = vector.load %arg3[%get3A_22, %get3A_23] : memref<1000x128xf32, #tpu.memory_space<vmem>>, vector<1000x128xf32>
    %add3A_25 = arith.addf %dot_general3A_21, %get3A_24 : vector<1000x128xf32>
    %swap3A = arith.constant 0 : index
    %swap3A_26 = arith.constant 0 : index
    %swap3A_27 = vector.load %arg5[%swap3A, %swap3A_26] : memref<1000x128xf32, #tpu.memory_space<vmem>>, vector<1000x128xf32>
    tpu.vector_store %arg5[%swap3A, %swap3A_26], %add3A_25 {strides = array<i32>} : memref<1000x128xf32, #tpu.memory_space<vmem>>, vector<1000x128xf32>,
    return
  }
  func.func @transform_0(%arg0: i32) -> (i32, i32, i32) {
    %c0_i32 = arith.constant 0 : i32
    %c0_i32_0 = arith.constant 0 : i32
    %c0_i32_1 = arith.constant 0 : i32
    return %c0_i32, %arg0, %c0_i32_0 : i32, i32, i32
  }
  func.func @transform_1(%arg0: i32) -> (i32, i32) {
    %c0_i32 = arith.constant 0 : i32
    %c0_i32_0 = arith.constant 0 : i32
    return %arg0, %c0_i32 : i32, i32
  }
  func.func @transform_2(%arg0: i32) -> (i32, i32) {
    %c0_i32 = arith.constant 0 : i32
    %c0_i32_0 = arith.constant 0 : i32
    return %arg0, %c0_i32 : i32, i32
  }
  func.func @transform_3(%arg0: i32) -> (i32, i32) {
    %c0_i32 = arith.constant 0 : i32
    %c0_i32_0 = arith.constant 0 : i32
    %c0_i32_1 = arith.constant 0 : i32
    return %c0_i32, %c0_i32_0 : i32, i32
  }
  func.func @transform_4(%arg0: i32) -> (i32, i32) {
    %c0_i32 = arith.constant 0 : i32
    %c0_i32_0 = arith.constant 0 : i32
    return %arg0, %c0_i32 : i32, i32
  }
}

</mosaic_0001>

<sc_bundles>
// kernel: kernel.12.cloned.1.call-start
scs
__scs_entry_jumppad:
0x0: {  	(pc) =	sbr.rel $0x88, $3  }
0x1: {  	(tag) =	ssettag $0x0;
	lr =	simm.s32 $0x1  }
0x2: {  	[smem:$0x3F99] =	sst lr;
	_ =	strace $0xD0000000  }
0x3: {  	_ = 	snop  }
0x4: {  	_ = 	snop  }
0x5: {  	_ = 	snop  }
0x6: {  	_ = 	snop  }
0x7: {  	_ = 	snop  }
__scs_overlays_trampoline_lowered:
0x8: {  	[smem:$0x3FA8] =	sst s0  }
0x9: {  	[smem:$0x3FA9] =	sst s1  }
0xa: {  	[smem:$0x3FAA] =	sst s2  }
0xb: {  	[smem:$0x3FAB] =	sst s3  }
0xc: {  	[smem:$0x3FAC] =	sst s4  }
0xd: {  	[smem:$0x3FAD] =	sst s5  }
0xe: {  	[smem:$0x3FAE] =	sst s6  }
0xf: {  	[smem:$0x3FAF] =	sst s7  }
0x10: {  	[smem:$0x3FB0] =	sst s8  }
0x11: {  	[smem:$0x3FB1] =	sst s9;
	s0 =	simm.s32 @!p0 $0x0  }
0x12: {  	s1 =	sld [smem:$0x3F97];
	s0 =	simm.s32 @p0 $0x1  }
0x13: {  	[smem:$0x3FB2] =	sst s0;
	s0 =	simm.s32 @!p1 $0x0  }
0x14: {  	s2 =	sld [smem:$0x3F96];
	s0 =	simm.s32 @p1 $0x1  }
0x15: {  	[smem:$0x3FB3] =	sst s0;
	s0 =	simm.s32 @!p2 $0x0  }
0x16: {  	s3 =	sld [smem:$0x3FDB];
	s0 =	simm.s32 @p2 $0x1  }
0x17: {  	s4 =	simm.s32 $0x1BF5;
	[smem:$0x3FB5] =	sst s0  }
0x18: {  	s0 =	sld [smem:$0x3F98];
	_ =	swait.ge [sflag:s4], $0x0  }
0x19: {  	s7 =	sld [smem:$0x3F99]  }
0x1a: {  	s8 =	sadd.s32 $0xFFFFE003, lr  }
0x1b: {  	s9 =	sadd.s32 $0xFFFFFEF7, lr;
	s5 =	simm.s32 $0xFFFFFFFF;
	p2 =	slt.u32 s8, $0xFFFFF086  }
0x1c: {  	p1 =	slt.u32 s9, $0xF7A;
	s5 =	simm.s32 @!p2 $0x0  }
0x1d: {  	s5 =	simm.s32 @p1 $0x1;
	p0 =	seq.s32 s7, s2  }
0x1e: {  	s7 =	smul.u32 @!p0 $0xF7A, s2;
	p2 =	seq.s32 @!p0 s5, $0x0  }
0x1f: {  	s9 =	smul.u32 $0xF7A, s1;
	s8 =	simm.s32 @!p0 $0x1BF5;
	p2 =	por !p2, p0  }
0x20: {  	[sflag:s8] =	ssyncset.s32 @!p0 $0xFFFFF086;
	s6 =	sadd.s32 @!p0 s3, s7;
	s7 =	simm.s32 @!p0 $0x108  }
0x21: {  	s3 =	sadd.s32 s3, s9;
	s6 =	sadd.s32 @!p0 $0x88, s6;
	s7 =	simm.s32 @p2 $0x1082  }
0x22: {  	[simem:s7], [sflag:s8] =	dma.local @!p0 [hbm:s6], $0xF7A  }
0x23: {  	s9 =	sor.u32 $0xD0000000, s2;
	s6 =	simm.s32 $0x108;
	_ =	swait.ge @!p0 [sflag:s8], $0x0  }
0x24: {  	s3 =	sadd.s32 $0x88, s3;
	s6 =	simm.s32 @!p1 $0x1082;
	[sflag:s4] =	ssyncset.s32 $0xFFFFF086  }
0x25: {  	[simem:s6], [sflag:s4] =	dma.local [hbm:s3], $0xF7A  }
0x26: {  	[smem:$0x3F99] =	sst s1;
	(tag) =	ssettag s2;
	_ =	strace s9  }
0x27: {  	s1 =	sld [smem:$0x3FA9]  }
0x28: {  	s2 =	sld [smem:$0x3FAA]  }
0x29: {  	s4 =	sld [smem:$0x3FAC]  }
0x2a: {  	p0 =	seq.s32 s5, $0x0;
	s5 =	sld [smem:$0x3FAD]  }
0x2b: {  	s6 =	sld [smem:$0x3FAE]  }
0x2c: {  	s7 =	sld [smem:$0x3FAF]  }
0x2d: {  	s3 =	simm.s32 $0x108;
	s8 =	sld [smem:$0x3FB0]  }
0x2e: {  	s3 =	simm.s32 @!p0 $0x1082;
	s9 =	sld [smem:$0x3FB1]  }
0x2f: {  	lr =	sadd.s32 s0, s3;
	s0 =	sld [smem:$0x3FA8]  }
0x30: {  	s3 =	sld [smem:$0x3FAB]  }
0x31: {  	[smem:$0x3FB4] =	sst s10  }
0x32: {  	s10 =	sld [smem:$0x3FB2];
	_ =	sdelay $0x3  }
0x33: {  	p0 =	seq.s32 s10, $0x1;
	s10 =	sld [smem:$0x3FB4];
	_ =	sdelay $0x3  }
0x34: {  	[smem:$0x3FB4] =	sst s10  }
0x35: {  	s10 =	sld [smem:$0x3FB3];
	_ =	sdelay $0x3  }
0x36: {  	p1 =	seq.s32 s10, $0x1;
	s10 =	sld [smem:$0x3FB4];
	_ =	sdelay $0x3  }
0x37: {  	[smem:$0x3FB4] =	sst s10  }
0x38: {  	s10 =	sld [smem:$0x3FB5]  }
0x39: {  	_ = 	snop;
	(pc) =	sbr.ind lr, $3  }
0x3a: {  	_ = 	snop  }
0x3b: {  	_ = 	snop  }
0x3c: {  	p2 =	seq.s32 s10, $0x1;
	s10 =	sld [smem:$0x3FB4]  }
0x3d: {  	_ =	shalt  }
0x3e: {  	_ =	shalt  }
0x3f: {  	_ =	shalt  }
0x40: {  	_ =	shalt  }
0x41: {  	_ =	shalt  }
0x42: {  	_ =	shalt  }
0x43: {  	_ =	shalt  }
0x44: {  	_ =	shalt  }
0x45: {  	_ =	shalt  }
0x46: {  	_ =	shalt  }
0x47: {  	_ =	shalt  }
0x48: {  	_ =	shalt  }
0x49: {  	_ =	shalt  }
0x4a: {  	_ =	shalt  }
0x4b: {  	_ =	shalt  }
0x4c: {  	_ =	shalt  }
0x4d: {  	_ =	shalt  }
0x4e: {  	_ =	shalt  }
0x4f: {  	_ =	shalt  }
0x50: {  	_ =	shalt  }
0x51: {  	_ =	shalt  }
0x52: {  	_ =	shalt  }
0x53: {  	_ =	shalt  }
0x54: {  	_ =	shalt  }
0x55: {  	_ =	shalt  }
0x56: {  	_ =	shalt  }
0x57: {  	_ =	shalt  }
0x58: {  	_ =	shalt  }
0x59: {  	_ =	shalt  }
0x5a: {  	_ =	shalt  }
0x5b: {  	_ =	shalt  }
0x5c: {  	_ =	shalt  }
0x5d: {  	_ =	shalt  }
0x5e: {  	_ =	shalt  }
0x5f: {  	_ =	shalt  }
0x60: {  	_ =	shalt  }
0x61: {  	_ =	shalt  }
0x62: {  	_ =	shalt  }
0x63: {  	_ =	shalt  }
0x64: {  	_ =	shalt  }
0x65: {  	_ =	shalt  }
0x66: {  	_ =	shalt  }
0x67: {  	_ =	shalt  }
0x68: {  	_ =	shalt  }
0x69: {  	_ =	shalt  }
0x6a: {  	_ =	shalt  }
0x6b: {  	_ =	shalt  }
0x6c: {  	_ =	shalt  }
0x6d: {  	_ =	shalt  }
0x6e: {  	_ =	shalt  }
0x6f: {  	_ =	shalt  }
0x70: {  	_ =	shalt  }
0x71: {  	_ =	shalt  }
0x72: {  	_ =	shalt  }
0x73: {  	_ =	shalt  }
0x74: {  	_ =	shalt  }
0x75: {  	_ =	shalt  }
0x76: {  	_ =	shalt  }
0x77: {  	_ =	shalt  }
0x78: {  	_ =	shalt  }
0x79: {  	_ =	shalt  }
0x7a: {  	_ =	shalt  }
0x7b: {  	_ =	shalt  }
0x7c: {  	_ =	shalt  }
0x7d: {  	_ =	shalt  }
0x7e: {  	_ =	shalt  }
0x7f: {  	_ =	shalt  }
0x80: {  	_ =	shalt  }
0x81: {  	_ =	shalt  }
0x82: {  	_ =	shalt  }
0x83: {  	_ =	shalt  }
0x84: {  	_ =	shalt  }
0x85: {  	_ =	shalt  }
0x86: {  	_ =	shalt  }
0x87: {  	_ =	shalt  }
.Lfunc_end0:
.L_simem_size_0:
called_computation.1_lowered:
.L_overlay_start_0:
0x88: {  	s2 =	sld [smem:$0x3FD9]  }
0x89: {  	s3 =	sld [smem:$0x3FFE];
	_ =	sdelay $0x1  }
0x8a: {  	s1 =	srdreg.scid  }
0x8b: {  	s0 =	sand.u32 $0x1, s1  }
0x8c: {  	s17 =	sshll.u32 s0, $0xA;
	s2 =	sadd.s32 s3, s2  }
0x8d: {  	s2 =	sadd.s32 s2, s17  }
0x8e: {  	[smem:$0x3FC0] =	sst s2  }
0x8f: {  	_ = 	snop  }
0x90: {  	s4 =	sld [smem:$0x3FC9]  }
0x91: {  	s18 =	sld [smem:$0x3FD0];
	(tm) =	ssettm $0x1  }
0x92: {  	s19 =	sld [smem:$0x3FFB];
	_ =	sdelay $0x3  }
0x93: {  	_ =	strace s19  }
0x94: {  	s2 =	sld [smem:$0x3FFC];
	_ =	sdelay $0x3  }
0x95: {  	_ =	strace s2  }
0x96: {  	s2 =	sld [smem:$0x3FFD];
	_ =	sdelay $0x3  }
0x97: {  	_ =	strace s2  }
0x98: {  	_ =	strace $0x8FFFFFFF  }
0x99: {  	s20 =	sld [smem:$0x3FDB];
	_ =	sdelay $0x1  }
0x9a: {  	s5 =	simm.s32 $_scs_section_size  }
0x9b: {  	s6 =	simm.s32 $_size__tile_overlayer_lowered;
	s7 =	simm.s32 $_tile_overlayer_lowered  }
0x9c: {  	s8 =	simm.s32 $0x1BFF;
	s21 =	sshll.u32 s7, $0x1;
	s5 =	sadd.s32 s5, s20  }
0x9d: {  	s22 =	simm.s32 $0x0;
	s6 =	sshll.u32 s6, $0x1;
	s7 =	sadd.s32 s21, s5  }
0x9e: {  	[timem:s22], [sflag:s8] =	dma.local [hbm:s7], s6  }
0x9f: {  	_ =	swait.ge [sflag:s8], s6  }
0xa0: {  	s6 =	ssub.s32 $0x0, s6;
	[sflag:s8] =	ssyncset.done $0x0  }
0xa1: {  	[sflag:s8] =	ssyncadd.s32 s6;
	_ =	sdelay $0x1  }
0xa2: {  	s23 =	simm.s32 $0x1B8B  }
0xa3: {  	_ =	swait.ge [sflag:s23], $0x1  }
0xa4: {  	[sflag:s23] =	ssyncset.done $0x0  }
0xa5: {  	[sflag:s23] =	ssyncadd.s32 $0xFFFFFFFF  }
0xa6: {  	s6 =	sld [smem:$0x0]  }
0xa7: {  	s7 =	sand.u32 $0xFFFFFFFE, s1  }
0xa8: {  	p0 =	sne.s32 s1, s7  }
0xa9: {  	s7 =	sshll.u32 @p0 s7, $0xE  }
0xaa: {  	s7 =	sadd.s32 @p0 $0x11B8D, s7;
	s8 =	sshll.u32 @p0 s6, $0x11  }
0xab: {  	s7 =	sor.u32 @p0 s8, s7  }
0xac: {  	[sflag:s7] =	ssyncadd.remote.s32 @p0 $0x1;
	_ =	sdelay $0x1  }
0xad: {  	s7 =	simm.s32 @p0 $0x1B8D  }
0xae: {  	_ =	swait.eq @p0 [sflag:s7], $0x1  }
0xaf: {  	[sflag:s7] =	ssyncadd.s32 @p0 $0xFFFFFFFF  }
0xb0: {  	s8 =	sshll.u32 @!p0 s1, $0xE  }
0xb1: {  	s8 =	sor.u32 @!p0 $0x4000, s8;
	s7 =	simm.s32 @!p0 $0x1B8D  }
0xb2: {  	s6 =	sshll.u32 @!p0 s6, $0x11;
	s8 =	sadd.s32 @!p0 $0x11B8D, s8;
	_ =	swait.eq @!p0 [sflag:s7], $0x1  }
0xb3: {  	s6 =	sor.u32 @!p0 s6, s8;
	[sflag:s7] =	ssyncadd.s32 @!p0 $0xFFFFFFFF  }
0xb4: {  	s25 =	simm.s32 $0x1B8E;
	s24 =	sld [smem:$0x3FFE];
	[sflag:s6] =	ssyncadd.remote.s32 @!p0 $0x1  }
0xb5: {  	s26 =	simm.s32 $execute0_lowered;
	[smem:$0x3FD2] =	sst s25  }
0xb6: {  	s7 =	sshll.u32 s26, $0x1;
	_ =	strace $0x80000049;
	[dreg:$0x1] =	wrdreg $0xFFFFFFFF  }
0xb7: {  	s28 =	simm.s32 $_size_execute0_lowered;
	s5 =	sadd.s32 s5, s7;
	[dreg:$0x0] =	wrdreg $0x0  }
0xb8: {  	s7 =	sshll.u32 s28, $0x1;
	[dreg:$0x2] =	wrdreg s5  }
0xb9: {  	[dreg:$0x3] =	wrdreg s7  }
0xba: {  	[dreg:$0x4] =	wrdreg $0xC0  }
0xbb: {  	_ =	task [dreg:s22], $0x5FFFF  }
0xbc: {  	[dreg:$0x1] =	wrdreg $0xFFFFFFFF  }
0xbd: {  	[dreg:$0x0] =	wrdreg $0x60  }
0xbe: {  	[dreg:$0x2] =	wrdreg s4  }
0xbf: {  	[dreg:$0x3] =	wrdreg s24  }
0xc0: {  	[dreg:$0x4] =	wrdreg s18  }
0xc1: {  	[dreg:$0x5] =	wrdreg $0x0  }
0xc2: {  	[dreg:$0x6] =	wrdreg $0xA  }
0xc3: {  	_ =	task.clear_ibuf [dreg:s22], $0x7FFFF;
	_ =	strace $0x90000049  }
0xc4: {  	s29 =	simm.s32 $0xA;
	_ =	strace $0x8000004B  }
0xc5: {  	_ =	swait.ge [sflag:s29], $0x1  }
0xc6: {  	[sflag:s29] =	ssyncadd.s32 $0xFFFFFFFF  }
0xc7: {  	_ =	strace $0x9000004B  }
0xc8: {  	_ =	sfence  }
0xc9: {  	s30 =	sld [smem:$0x0];
	_ =	sdelay $0x2  }
0xca: {  	s31 =	sshll.u32 s1, $0xD;
	s1 =	sshrl.u32 s1, $0x2  }
0xcb: {  	s4 =	sand.u32 $0x4000, s31;
	s1 =	sadd.s32 s1, s30  }
0xcc: {  	s0 =	sor.u32 s4, s0;
	s1 =	sshll.u32 s1, $0x11  }
0xcd: {  	s0 =	sor.u32 s1, s0  }
0xce: {  	s0 =	sadd.s32 $0x8F2B, s0  }
0xcf: {  	[sflag:s0] =	ssyncadd.remote.s32 $0x1  }
0xd0: {  	_ =	sfence.sel $0xFFFF  }
0xd1: {  	[dreg:$0x0] =	wrdreg $0xFFFFFFFF;
	(pc) =	sbr.abs _section_cstart, $3  }
0xd2: {  	[dreg:$0x1] =	wrdreg $0xFFFFFFFF  }
0xd3: {  	_ =	task.clear_ibuf [dreg:s22], $0x2FFFF;
	_ =	strace $0x9FFFFFFF  }
0xd4: {  	(tm) =	ssettm $0x7FFFFFFF  }
0xd5: {  	_ =	shalt  }
tec
execute0_lowered:
.L_overlay_start_1:
0x0: {  	(tag) =	ssettag $0x1  }
0x1: {  	s1 =	rddreg [dreg:$0x0]  }
0x2: {  	s5 =	rddreg [dreg:$0x1]  }
0x3: {  	s0 =	srdreg.scid;
	s6 =	rddreg [dreg:$0x2]  }
0x4: {  	s9 =	stileid.u32;
	s3 =	rddreg [dreg:$0x3]  }
0x5: {  	s4 =	simm.s32 $0x0;
	s17 =	simm.s32 $0xD;
	s18 =	simm.s32 $0x28  }
0x6: {  	s28 =	simm.s32 $0x1D780;
	s29 =	simm.s32 $0x16000;
	s30 =	simm.s32 $0x1  }
0x7: {  	s31 =	simm.s32 $0x4;
	s0 =	sand.u32 $0x1, s0;
	s8 =	smul.u32 $0x4E000, s9  }
0x8: {  	s7 =	sshll.u32 s9, $0x7;
	[smem:$0x7FF] =	sst s4;
	s10 =	smul.u32 $0x2700, s9  }
0x9: {  	s25 =	sadd.s32 $0x138000, s3;
	s26 =	sadd.s32 $0x27000, s6;
	p0 =	sne.s32 s9, $0xF  }
0xa: {  	s2 =	sshll.u32 s0, $0x4;
	s7 =	sand.u32 $0x380, s7;
	_ =	strace $0x8000004A  }
0xb: {  	s19 =	smul.u32 $0x27100, s0;
	s0 =	ssub.s32 $0x2, s0;
	[dreg:$0xa] =	wrdreg s25  }
0xc: {  	[dreg:$0xb] =	wrdreg s26;
	s25 =	simm.s32 $0x1C380;
	s26 =	simm.s32 $0x3  }
0xd: {  	s2 =	sor.u32 s9, s2;
	s20 =	sshrl.u32 s0, $0x1;
	s22 =	sshrl.u32 s8, $0x2  }
0xe: {  	[dreg:$0x5] =	wrdreg s10;
	s24 =	sadd.s32 s6, s10;
	s6 =	simm.s32 $0x5  }
0xf: {  	s8 =	simm.s32 $0x6;
	s9 =	simm.s32 $0xB;
	s10 =	simm.s32 $0xC  }
0x10: {  	s2 =	sshrl.u32 s2, $0x3;
	s0 =	ssub.s32 s0, s20;
	s23 =	sadd.s32 s22, s3  }
0x11: {  	[dreg:$0x9] =	wrdreg s24;
	s20 =	simm.s32 $0x2;
	s2 =	smul.u32 $0x13C00, s2  }
0x12: {  	s22 =	simm.s32 $0x7;
	s24 =	simm.s32 $0x9;
	[dreg:$0x8] =	wrdreg s23  }
0x13: {  	s0 =	smax.u32 s0, $0x1;
	s23 =	simm.s32 $0x1AF80;
	s2 =	sor.u32 s7, s2  }
.Ltmp0:
0x14: {  	[dreg:$0xc] =	wrdreg s0;
	s2 =	sshrl.u32 s2, $0x3;
	(pc) =	sbr.rel .LBB2_1-.Ltmp0, $4  }
0x15: {  	s0 =	simm.s32 $0x8;
	s7 =	simm.s32 $0xA;
	s2 =	sadd.s32 s2, s5  }
0x16: {  	s5 =	sadd.s32 s19, s5;
	s19 =	simm.s32 $0x18780;
	s21 =	sadd.s32 $0x15A00, s2  }
0x17: {  	s2 =	sadd.s32 $0x1E00, s2;
	s12 =	sadd.s32 $0x1F800, s5;
	[dreg:$0x6] =	wrdreg s21  }
0x18: {  	[dreg:$0x7] =	wrdreg s2;
	s21 =	simm.s32 $0x19B80;
	s2 =	simm.s32 $0x1EB80  }
.LBB2_4:
0x19: {  	_ =	swait.ge [sflag:s30], $0x1400  }
0x1a: {  	[sflag:s30] =	ssyncset.done $0x0  }
0x1b: {  	s13 =	simm.s32 $0x18670;
	[sflag:s30] =	ssyncadd.s32 $0xFFFFEC00  }
0x1c: {  	[spmem:s3] =	stream.indirect.scatter.add.f32 [tilespmem:s19], [sflag:$0x7], $0x80, s13, s18, $0xb8;
	[tilespmem:$0x1FF80] =	vst v63  }
0x1d: {  	_ =	swait.ge [sflag:s10], $0x1400  }
0x1e: {  	[sflag:s10] =	ssyncset.done $0x0  }
0x1f: {  	[sflag:s10] =	ssyncadd.s32 $0xFFFFEC00  }
0x20: {  	_ =	swait.ge [sflag:s20], $0x1400  }
0x21: {  	[sflag:s20] =	ssyncset.done $0x0  }
0x22: {  	s16 =	simm.s32 $0x18698;
	[sflag:s20] =	ssyncadd.s32 $0xFFFFEC00  }
0x23: {  	[spmem:s3] =	stream.indirect.scatter.add.f32 [tilespmem:s21], [sflag:$0x8], $0x80, s16, s18, $0xb8;
	[tilespmem:$0x1FF80] =	vst v63  }
0x24: {  	_ =	swait.ge [sflag:s22], $0x1400  }
0x25: {  	[sflag:s22] =	ssyncset.done $0x0  }
0x26: {  	[sflag:s22] =	ssyncadd.s32 $0xFFFFEC00  }
0x27: {  	_ =	swait.ge [sflag:s26], $0x1400  }
0x28: {  	[sflag:s26] =	ssyncset.done $0x0  }
0x29: {  	s15 =	simm.s32 $0x186C0;
	[sflag:s26] =	ssyncadd.s32 $0xFFFFEC00  }
0x2a: {  	[spmem:s3] =	stream.indirect.scatter.add.f32 [tilespmem:s23], [sflag:$0x9], $0x80, s15, s18, $0xb8;
	[tilespmem:$0x1FF80] =	vst v63  }
0x2b: {  	_ =	swait.ge [sflag:s0], $0x1400  }
0x2c: {  	[sflag:s0] =	ssyncset.done $0x0  }
0x2d: {  	[sflag:s0] =	ssyncadd.s32 $0xFFFFEC00  }
0x2e: {  	_ =	swait.ge [sflag:s31], $0x1400  }
0x2f: {  	[sflag:s31] =	ssyncset.done $0x0  }
0x30: {  	s16 =	simm.s32 $0x186E8;
	[sflag:s31] =	ssyncadd.s32 $0xFFFFEC00  }
0x31: {  	[spmem:s3] =	stream.indirect.scatter.add.f32 [tilespmem:s25], [sflag:$0xA], $0x80, s16, s18, $0xb8;
	[tilespmem:$0x1FF80] =	vst v63  }
0x32: {  	_ =	swait.ge [sflag:s24], $0x1400  }
0x33: {  	[sflag:s24] =	ssyncset.done $0x0  }
0x34: {  	[sflag:s24] =	ssyncadd.s32 $0xFFFFEC00  }
0x35: {  	_ =	swait.ge [sflag:s7], $0x1400  }
0x36: {  	[sflag:s7] =	ssyncset.done $0x0  }
0x37: {  	[sflag:s7] =	ssyncadd.s32 $0xFFFFEC00  }
0x38: {  	[bflag:$0x0] =	sbarrier.arrive $0xFFFF  }
0x39: {  	s15 =	rddreg [dreg:$0x5]  }
0x3a: {  	s13 =	sadd.s32 s15, s12  }
0x3b: {  	[hbm:s13], [sflag:s5] =	dma.local [spmem:s11], $0x2700  }
0x3c: {  	_ =	swait.ge [sflag:s17], $0x2700  }
0x3d: {  	[sflag:s17] =	ssyncset.done $0x0  }
0x3e: {  	s11 =	sadd.s32 @!p0 $0x27000, s12;
	[sflag:s17] =	ssyncadd.s32 $0xFFFFD900  }
0x3f: {  	[hbm:s11], [sflag:s5] =	dma.local @!p0 [spmem:s14], $0x100  }
0x40: {  	s5 =	simm.s32 @!p0 $0xD  }
0x41: {  	_ =	swait.ge @!p0 [sflag:s5], $0x100  }
0x42: {  	s4 =	sadd.s32 $0x1, s4;
	s16 =	rddreg [dreg:$0xc]  }
0x43: {  	p1 =	sne.s32 s4, s16  }
.Ltmp1:
0x44: {  	_ = 	snop;
	(pc) =	sbr.rel @!p1 .LBB2_5-.Ltmp1, $3  }
0x45: {  	_ =	sdelay $0x1  }
0x46: {  	[sflag:s5] =	ssyncset.done @!p0 $0x0  }
0x47: {  	[sflag:s5] =	ssyncadd.s32 @!p0 $0xFFFFFF00  }
.LBB2_1:
0x48: {  	s5 =	rddreg [dreg:$0x6]  }
0x49: {  	s11 =	simm.s32 $0x80;
	s13 =	simm.s32 $0x400;
	s14 =	simm.s32 $0x13880  }
0x4a: {  	[tilespmem:s14], [sflag:$0xD] =	stream.strided.gather [hbm4b:s5+s11], $0x2780, s13, s11, $0x38;
	[tilespmem:$0x1FF80] =	vst v63  }
0x4b: {  	_ =	swait.ge [sflag:s17], $0x2780  }
0x4c: {  	[sflag:s17] =	ssyncset.done $0x0  }
0x4d: {  	[sflag:s17] =	ssyncadd.s32 $0xFFFFD880  }
0x4e: {  	[tilespmem:s19], [sflag:$0x1] =	stream.indirect.gather [hbm4b:s1+s18], $0x80, s14, s18, $0xb8;
	[tilespmem:$0x1FF80] =	vst v63  }
0x4f: {  	s15 =	simm.s32 $0x138A8  }
0x50: {  	[tilespmem:s21], [sflag:$0x2] =	stream.indirect.gather [hbm4b:s1+s18], $0x80, s15, s18, $0xb8;
	[tilespmem:$0x1FF80] =	vst v63  }
0x51: {  	s16 =	simm.s32 $0x138D0  }
0x52: {  	[tilespmem:s23], [sflag:$0x3] =	stream.indirect.gather [hbm4b:s1+s18], $0x80, s16, s18, $0xb8;
	[tilespmem:$0x1FF80] =	vst v63  }
0x53: {  	s14 =	simm.s32 $0x138F8  }
0x54: {  	[tilespmem:s25], [sflag:$0x4] =	stream.indirect.gather [hbm4b:s1+s18], $0x80, s14, s18, $0xb8;
	[tilespmem:$0x1FF80] =	vst v63  }
0x55: {  	s15 =	simm.s32 $0x13920  }
0x56: {  	[tilespmem:s28], [sflag:$0x5] =	stream.indirect.gather [hbm4b:s1+s18], $0x80, s15, s18, $0xb8;
	[tilespmem:$0x1FF80] =	vst v63  }
0x57: {  	s16 =	rddreg [dreg:$0x7]  }
0x58: {  	[tilespmem:s29], [sflag:$0xD] =	stream.strided.gather [hbm4b:s16+s11], $0x2780, s13, s11, $0x38;
	[tilespmem:$0x1FF80] =	vst v63  }
0x59: {  	s13 =	stileid.u32  }
0x5a: {  	_ =	swait.ge [sflag:s17], $0x2780;
	s5 =	sshll.u32 s13, $0x6  }
0x5b: {  	[sflag:s17] =	ssyncset.done $0x0;
	s5 =	sor.u32 $0x1C0D, s5;
	s14 =	rddreg [dreg:$0x8]  }
0x5c: {  	s15 =	rddreg [dreg:$0x9];
	[sflag:s17] =	ssyncadd.s32 $0xFFFFD880;
	s11 =	sshrl.u32 s14, $0x3  }
0x5d: {  	[spmem:s11], [sflag:s5] =	dma.local [hbm:s15], $0x2700  }
0x5e: {  	_ =	swait.ge [sflag:s17], $0x2700  }
0x5f: {  	[sflag:s17] =	ssyncset.done $0x0;
	s13 =	rddreg [dreg:$0xa]  }
0x60: {  	[sflag:s17] =	ssyncadd.s32 $0xFFFFD900;
	s14 =	sshrl.u32 @!p0 s13, $0x3;
	s13 =	rddreg [dreg:$0xb]  }
0x61: {  	[spmem:s14], [sflag:s5] =	dma.local @!p0 [hbm:s13], $0x100  }
0x62: {  	s13 =	simm.s32 @!p0 $0xD  }
0x63: {  	_ =	swait.ge @!p0 [sflag:s13], $0x100  }
0x64: {  	[sflag:s13] =	ssyncset.done @!p0 $0x0  }
0x65: {  	[sflag:s13] =	ssyncadd.s32 @!p0 $0xFFFFFF00  }
0x66: {  	[bflag:$0x0] =	sbarrier.arrive $0xFFFF  }
0x67: {  	_ =	swait.ge [sflag:s30], $0x1400  }
0x68: {  	[sflag:s30] =	ssyncset.done $0x0  }
0x69: {  	[sflag:s30] =	ssyncadd.s32 $0xFFFFEC00  }
0x6a: {  	[spmem:s3] =	stream.indirect.scatter.add.f32 [tilespmem:s19], [sflag:$0x7], $0x80, s29, s18, $0xb8;
	[tilespmem:$0x1FF80] =	vst v63  }
0x6b: {  	s16 =	simm.s32 $0x13948  }
0x6c: {  	[tilespmem:s2], [sflag:$0x6] =	stream.indirect.gather [hbm4b:s1+s18], $0x80, s16, s18, $0xb8;
	[tilespmem:$0x1FF80] =	vst v63  }
0x6d: {  	_ =	swait.ge [sflag:s20], $0x1400  }
0x6e: {  	[sflag:s20] =	ssyncset.done $0x0  }
0x6f: {  	s15 =	simm.s32 $0x16028;
	[sflag:s20] =	ssyncadd.s32 $0xFFFFEC00  }
0x70: {  	[spmem:s3] =	stream.indirect.scatter.add.f32 [tilespmem:s21], [sflag:$0x8], $0x80, s15, s18, $0xb8;
	[tilespmem:$0x1FF80] =	vst v63  }
0x71: {  	_ =	swait.ge [sflag:s22], $0x1400  }
0x72: {  	[sflag:s22] =	ssyncset.done $0x0  }
0x73: {  	s16 =	simm.s32 $0x13970;
	[sflag:s22] =	ssyncadd.s32 $0xFFFFEC00  }
0x74: {  	[tilespmem:s19], [sflag:$0x1] =	stream.indirect.gather [hbm4b:s1+s18], $0x80, s16, s18, $0xb8;
	[tilespmem:$0x1FF80] =	vst v63  }
0x75: {  	_ =	swait.ge [sflag:s26], $0x1400  }
0x76: {  	[sflag:s26] =	ssyncset.done $0x0  }
0x77: {  	s15 =	simm.s32 $0x16050;
	[sflag:s26] =	ssyncadd.s32 $0xFFFFEC00  }
0x78: {  	[spmem:s3] =	stream.indirect.scatter.add.f32 [tilespmem:s23], [sflag:$0x9], $0x80, s15, s18, $0xb8;
	[tilespmem:$0x1FF80] =	vst v63  }
0x79: {  	_ =	swait.ge [sflag:s0], $0x1400  }
0x7a: {  	[sflag:s0] =	ssyncset.done $0x0  }
0x7b: {  	s16 =	simm.s32 $0x13998;
	[sflag:s0] =	ssyncadd.s32 $0xFFFFEC00  }
0x7c: {  	[tilespmem:s21], [sflag:$0x2] =	stream.indirect.gather [hbm4b:s1+s18], $0x80, s16, s18, $0xb8;
	[tilespmem:$0x1FF80] =	vst v63  }
0x7d: {  	_ =	swait.ge [sflag:s31], $0x1400  }
0x7e: {  	[sflag:s31] =	ssyncset.done $0x0  }
0x7f: {  	s15 =	simm.s32 $0x16078;
	[sflag:s31] =	ssyncadd.s32 $0xFFFFEC00  }
0x80: {  	[spmem:s3] =	stream.indirect.scatter.add.f32 [tilespmem:s25], [sflag:$0xA], $0x80, s15, s18, $0xb8;
	[tilespmem:$0x1FF80] =	vst v63  }
0x81: {  	_ =	swait.ge [sflag:s24], $0x1400  }
0x82: {  	[sflag:s24] =	ssyncset.done $0x0  }
0x83: {  	s16 =	simm.s32 $0x139C0;
	[sflag:s24] =	ssyncadd.s32 $0xFFFFEC00  }
0x84: {  	[tilespmem:s23], [sflag:$0x3] =	stream.indirect.gather [hbm4b:s1+s18], $0x80, s16, s18, $0xb8;
	[tilespmem:$0x1FF80] =	vst v63  }
0x85: {  	_ =	swait.ge [sflag:s6], $0x1400  }
0x86: {  	[sflag:s6] =	ssyncset.done $0x0  }
0x87: {  	s15 =	simm.s32 $0x160A0;
	[sflag:s6] =	ssyncadd.s32 $0xFFFFEC00  }
0x88: {  	[spmem:s3] =	stream.indirect.scatter.add.f32 [tilespmem:s28], [sflag:$0xB], $0x80, s15, s18, $0xb8;
	[tilespmem:$0x1FF80] =	vst v63  }
0x89: {  	_ =	swait.ge [sflag:s7], $0x1400  }
0x8a: {  	[sflag:s7] =	ssyncset.done $0x0  }
0x8b: {  	s16 =	simm.s32 $0x139E8;
	[sflag:s7] =	ssyncadd.s32 $0xFFFFEC00  }
0x8c: {  	[tilespmem:s25], [sflag:$0x4] =	stream.indirect.gather [hbm4b:s1+s18], $0x80, s16, s18, $0xb8;
	[tilespmem:$0x1FF80] =	vst v63  }
0x8d: {  	_ =	swait.ge [sflag:s8], $0x1400  }
0x8e: {  	[sflag:s8] =	ssyncset.done $0x0  }
0x8f: {  	s15 =	simm.s32 $0x160C8;
	[sflag:s8] =	ssyncadd.s32 $0xFFFFEC00  }
0x90: {  	[spmem:s3] =	stream.indirect.scatter.add.f32 [tilespmem:s2], [sflag:$0xC], $0x80, s15, s18, $0xb8;
	[tilespmem:$0x1FF80] =	vst v63  }
0x91: {  	_ =	swait.ge [sflag:s9], $0x1400  }
0x92: {  	[sflag:s9] =	ssyncset.done $0x0  }
0x93: {  	s16 =	simm.s32 $0x13A10;
	s15 =	simm.s32 $0x0;
	[sflag:s9] =	ssyncadd.s32 $0xFFFFEC00  }
0x94: {  	[tilespmem:s28], [sflag:$0x5] =	stream.indirect.gather [hbm4b:s1+s18], $0x80, s16, s18, $0xb8;
	[tilespmem:$0x1FF80] =	vst v63  }
.LBB2_2:
0x95: {  	_ =	swait.ge [sflag:s30], $0x1400  }
0x96: {  	s13 =	sshra.s32 s15, $0x2;
	[sflag:s30] =	ssyncset.done $0x0  }
0x97: {  	s16 =	sadd.s32 $0x160F0, s13;
	[sflag:s30] =	ssyncadd.s32 $0xFFFFEC00  }
0x98: {  	[spmem:s3] =	stream.indirect.scatter.add.f32 [tilespmem:s19], [sflag:$0x7], $0x80, s16, s18, $0xb8;
	[tilespmem:$0x1FF80] =	vst v63  }
0x99: {  	_ =	swait.ge [sflag:s10], $0x1400  }
0x9a: {  	[sflag:s10] =	ssyncset.done $0x0  }
0x9b: {  	s16 =	sadd.s32 $0x13A38, s13;
	[sflag:s10] =	ssyncadd.s32 $0xFFFFEC00  }
0x9c: {  	[tilespmem:s2], [sflag:$0x6] =	stream.indirect.gather [hbm4b:s1+s18], $0x80, s16, s18, $0xb8;
	[tilespmem:$0x1FF80] =	vst v63  }
0x9d: {  	_ =	swait.ge [sflag:s20], $0x1400  }
0x9e: {  	[sflag:s20] =	ssyncset.done $0x0  }
0x9f: {  	s16 =	sadd.s32 $0x16118, s13;
	[sflag:s20] =	ssyncadd.s32 $0xFFFFEC00  }
0xa0: {  	[spmem:s3] =	stream.indirect.scatter.add.f32 [tilespmem:s21], [sflag:$0x8], $0x80, s16, s18, $0xb8;
	[tilespmem:$0x1FF80] =	vst v63  }
0xa1: {  	_ =	swait.ge [sflag:s22], $0x1400  }
0xa2: {  	[sflag:s22] =	ssyncset.done $0x0  }
0xa3: {  	s16 =	sadd.s32 $0x13A60, s13;
	[sflag:s22] =	ssyncadd.s32 $0xFFFFEC00  }
0xa4: {  	[tilespmem:s19], [sflag:$0x1] =	stream.indirect.gather [hbm4b:s1+s18], $0x80, s16, s18, $0xb8;
	[tilespmem:$0x1FF80] =	vst v63  }
0xa5: {  	_ =	swait.ge [sflag:s26], $0x1400  }
0xa6: {  	[sflag:s26] =	ssyncset.done $0x0  }
0xa7: {  	s16 =	sadd.s32 $0x16140, s13;
	[sflag:s26] =	ssyncadd.s32 $0xFFFFEC00  }
0xa8: {  	[spmem:s3] =	stream.indirect.scatter.add.f32 [tilespmem:s23], [sflag:$0x9], $0x80, s16, s18, $0xb8;
	[tilespmem:$0x1FF80] =	vst v63  }
0xa9: {  	_ =	swait.ge [sflag:s0], $0x1400  }
0xaa: {  	[sflag:s0] =	ssyncset.done $0x0  }
0xab: {  	s16 =	sadd.s32 $0x13A88, s13;
	[sflag:s0] =	ssyncadd.s32 $0xFFFFEC00  }
0xac: {  	[tilespmem:s21], [sflag:$0x2] =	stream.indirect.gather [hbm4b:s1+s18], $0x80, s16, s18, $0xb8;
	[tilespmem:$0x1FF80] =	vst v63  }
0xad: {  	_ =	swait.ge [sflag:s31], $0x1400  }
0xae: {  	[sflag:s31] =	ssyncset.done $0x0  }
0xaf: {  	s16 =	sadd.s32 $0x16168, s13;
	[sflag:s31] =	ssyncadd.s32 $0xFFFFEC00  }
0xb0: {  	[spmem:s3] =	stream.indirect.scatter.add.f32 [tilespmem:s25], [sflag:$0xA], $0x80, s16, s18, $0xb8;
	[tilespmem:$0x1FF80] =	vst v63  }
0xb1: {  	_ =	swait.ge [sflag:s24], $0x1400  }
0xb2: {  	[sflag:s24] =	ssyncset.done $0x0  }
0xb3: {  	s16 =	sadd.s32 $0x13AB0, s13;
	[sflag:s24] =	ssyncadd.s32 $0xFFFFEC00  }
0xb4: {  	[tilespmem:s23], [sflag:$0x3] =	stream.indirect.gather [hbm4b:s1+s18], $0x80, s16, s18, $0xb8;
	[tilespmem:$0x1FF80] =	vst v63  }
0xb5: {  	_ =	swait.ge [sflag:s6], $0x1400  }
0xb6: {  	[sflag:s6] =	ssyncset.done $0x0  }
0xb7: {  	s16 =	sadd.s32 $0x16190, s13;
	[sflag:s6] =	ssyncadd.s32 $0xFFFFEC00  }
0xb8: {  	[spmem:s3] =	stream.indirect.scatter.add.f32 [tilespmem:s28], [sflag:$0xB], $0x80, s16, s18, $0xb8;
	[tilespmem:$0x1FF80] =	vst v63  }
0xb9: {  	_ =	swait.ge [sflag:s7], $0x1400  }
0xba: {  	[sflag:s7] =	ssyncset.done $0x0  }
0xbb: {  	s16 =	sadd.s32 $0x13AD8, s13;
	[sflag:s7] =	ssyncadd.s32 $0xFFFFEC00  }
0xbc: {  	[tilespmem:s25], [sflag:$0x4] =	stream.indirect.gather [hbm4b:s1+s18], $0x80, s16, s18, $0xb8;
	[tilespmem:$0x1FF80] =	vst v63  }
0xbd: {  	_ =	swait.ge [sflag:s8], $0x1400  }
0xbe: {  	p1 =	seq.s32 s15, $0x9240;
	[sflag:s8] =	ssyncset.done $0x0  }
.Ltmp2:
0xbf: {  	s16 =	sadd.s32 $0x161B8, s13;
	[sflag:s8] =	ssyncadd.s32 $0xFFFFEC00;
	(pc) =	sbr.rel @p1 .LBB2_4-.Ltmp2, $4  }
0xc0: {  	[spmem:s3] =	stream.indirect.scatter.add.f32 [tilespmem:s2], [sflag:$0xC], $0x80, s16, s18, $0xb8;
	[tilespmem:$0x1FF80] =	vst v63  }
0xc1: {  	_ =	swait.ge [sflag:s9], $0x1400  }
0xc2: {  	[sflag:s9] =	ssyncset.done $0x0  }
0xc3: {  	[sflag:s9] =	ssyncadd.s32 $0xFFFFEC00  }
.Ltmp3:
0xc4: {  	(pc) =	sbr.rel .LBB2_2-.Ltmp3, $3  }
0xc5: {  	_ =	sdelay $0x1  }
0xc6: {  	s13 =	sadd.s32 $0x13B00, s13;
	s15 =	sadd.s32 $0x3C0, s15  }
0xc7: {  	[tilespmem:s28], [sflag:$0x5] =	stream.indirect.gather [hbm4b:s1+s18], $0x80, s13, s18, $0xb8;
	[tilespmem:$0x1FF80] =	vst v63  }
.LBB2_5:
0xc8: {  	_ =	sfence.sel $0x180000  }
0xc9: {  	[bflag:$0x0] =	sbarrier.arrive $0xFFFF  }
0xca: {  	_ =	strace $0x9000004A  }
0xcb: {  	s0 =	stileid.u32;
	[bflag:$0x2] =	sbarrier.arrive $0xFFFF  }
0xcc: {  	p0 =	sne.s32 s0, $0x0;
	s0 =	rddreg [dreg:$0x4]  }
0xcd: {  	s0 =	sadd.s32 @!p0 $0x100000, s0  }
0xce: {  	[sflag:s0] =	ssyncadd.tile.s32 @!p0 $0x1;
	_ =	shalt  }
.Lfunc_end2:
_tile_overlayer_lowered:
.L_overlay_start_2:
0xcf: {  	(tag) =	ssettag $0x2  }
0xd0: {  	s0 =	rddreg [dreg:$0x0];
	s2 =	stileid.u32  }
0xd1: {  	s1 =	rddreg [dreg:$0x1];
	p0 =	sne.s32 s2, $0x0  }
0xd2: {  	s3 =	rddreg [dreg:$0x2];
	[bflag:$0x3] =	sbarrier.arrive $0xFFFF;
	s2 =	simm.s32 @!p0 $0x1C0D  }
0xd3: {  	[timem:s3], [sflag:s2] =	dma.local @!p0 [hbm:s0], s1  }
0xd4: {  	s0 =	simm.s32 @!p0 $0xD  }
0xd5: {  	_ =	swait.ge @!p0 [sflag:s0], s1  }
0xd6: {  	s1 =	ssub.s32 @!p0 $0x0, s1;
	[sflag:s0] =	ssyncset.done @!p0 $0x0  }
0xd7: {  	[sflag:s0] =	ssyncadd.s32 @!p0 s1  }
0xd8: {  	[bflag:$0x3] =	sbarrier.arrive $0xFFFF  }
0xd9: {  	_ =	shalt  }

// kernel: kernel.15.cloned.1.call-start
scs
__scs_entry_jumppad:
0x0: {  	(pc) =	sbr.rel $0x88, $3  }
0x1: {  	(tag) =	ssettag $0x0;
	lr =	simm.s32 $0x1  }
0x2: {  	[smem:$0x3F99] =	sst lr;
	_ =	strace $0xD0000000  }
0x3: {  	_ = 	snop  }
0x4: {  	_ = 	snop  }
0x5: {  	_ = 	snop  }
0x6: {  	_ = 	snop  }
0x7: {  	_ = 	snop  }
__scs_overlays_trampoline_lowered:
0x8: {  	[smem:$0x3FA8] =	sst s0  }
0x9: {  	[smem:$0x3FA9] =	sst s1  }
0xa: {  	[smem:$0x3FAA] =	sst s2  }
0xb: {  	[smem:$0x3FAB] =	sst s3  }
0xc: {  	[smem:$0x3FAC] =	sst s4  }
0xd: {  	[smem:$0x3FAD] =	sst s5  }
0xe: {  	[smem:$0x3FAE] =	sst s6  }
0xf: {  	[smem:$0x3FAF] =	sst s7  }
0x10: {  	[smem:$0x3FB0] =	sst s8  }
0x11: {  	[smem:$0x3FB1] =	sst s9;
	s0 =	simm.s32 @!p0 $0x0  }
0x12: {  	s1 =	sld [smem:$0x3F97];
	s0 =	simm.s32 @p0 $0x1  }
0x13: {  	[smem:$0x3FB2] =	sst s0;
	s0 =	simm.s32 @!p1 $0x0  }
0x14: {  	s2 =	sld [smem:$0x3F96];
	s0 =	simm.s32 @p1 $0x1  }
0x15: {  	[smem:$0x3FB3] =	sst s0;
	s0 =	simm.s32 @!p2 $0x0  }
0x16: {  	s3 =	sld [smem:$0x3FDB];
	s0 =	simm.s32 @p2 $0x1  }
0x17: {  	s4 =	simm.s32 $0x1BF5;
	[smem:$0x3FB5] =	sst s0  }
0x18: {  	s0 =	sld [smem:$0x3F98];
	_ =	swait.ge [sflag:s4], $0x0  }
0x19: {  	s7 =	sld [smem:$0x3F99]  }
0x1a: {  	s8 =	sadd.s32 $0xFFFFE003, lr  }
0x1b: {  	s9 =	sadd.s32 $0xFFFFFEF7, lr;
	s5 =	simm.s32 $0xFFFFFFFF;
	p2 =	slt.u32 s8, $0xFFFFF086  }
0x1c: {  	p1 =	slt.u32 s9, $0xF7A;
	s5 =	simm.s32 @!p2 $0x0  }
0x1d: {  	s5 =	simm.s32 @p1 $0x1;
	p0 =	seq.s32 s7, s2  }
0x1e: {  	s7 =	smul.u32 @!p0 $0xF7A, s2;
	p2 =	seq.s32 @!p0 s5, $0x0  }
0x1f: {  	s9 =	smul.u32 $0xF7A, s1;
	s8 =	simm.s32 @!p0 $0x1BF5;
	p2 =	por !p2, p0  }
0x20: {  	[sflag:s8] =	ssyncset.s32 @!p0 $0xFFFFF086;
	s6 =	sadd.s32 @!p0 s3, s7;
	s7 =	simm.s32 @!p0 $0x108  }
0x21: {  	s3 =	sadd.s32 s3, s9;
	s6 =	sadd.s32 @!p0 $0x88, s6;
	s7 =	simm.s32 @p2 $0x1082  }
0x22: {  	[simem:s7], [sflag:s8] =	dma.local @!p0 [hbm:s6], $0xF7A  }
0x23: {  	s9 =	sor.u32 $0xD0000000, s2;
	s6 =	simm.s32 $0x108;
	_ =	swait.ge @!p0 [sflag:s8], $0x0  }
0x24: {  	s3 =	sadd.s32 $0x88, s3;
	s6 =	simm.s32 @!p1 $0x1082;
	[sflag:s4] =	ssyncset.s32 $0xFFFFF086  }
0x25: {  	[simem:s6], [sflag:s4] =	dma.local [hbm:s3], $0xF7A  }
0x26: {  	[smem:$0x3F99] =	sst s1;
	(tag) =	ssettag s2;
	_ =	strace s9  }
0x27: {  	s1 =	sld [smem:$0x3FA9]  }
0x28: {  	s2 =	sld [smem:$0x3FAA]  }
0x29: {  	s4 =	sld [smem:$0x3FAC]  }
0x2a: {  	p0 =	seq.s32 s5, $0x0;
	s5 =	sld [smem:$0x3FAD]  }
0x2b: {  	s6 =	sld [smem:$0x3FAE]  }
0x2c: {  	s7 =	sld [smem:$0x3FAF]  }
0x2d: {  	s3 =	simm.s32 $0x108;
	s8 =	sld [smem:$0x3FB0]  }
0x2e: {  	s3 =	simm.s32 @!p0 $0x1082;
	s9 =	sld [smem:$0x3FB1]  }
0x2f: {  	lr =	sadd.s32 s0, s3;
	s0 =	sld [smem:$0x3FA8]  }
0x30: {  	s3 =	sld [smem:$0x3FAB]  }
0x31: {  	[smem:$0x3FB4] =	sst s10  }
0x32: {  	s10 =	sld [smem:$0x3FB2];
	_ =	sdelay $0x3  }
0x33: {  	p0 =	seq.s32 s10, $0x1;
	s10 =	sld [smem:$0x3FB4];
	_ =	sdelay $0x3  }
0x34: {  	[smem:$0x3FB4] =	sst s10  }
0x35: {  	s10 =	sld [smem:$0x3FB3];
	_ =	sdelay $0x3  }
0x36: {  	p1 =	seq.s32 s10, $0x1;
	s10 =	sld [smem:$0x3FB4];
	_ =	sdelay $0x3  }
0x37: {  	[smem:$0x3FB4] =	sst s10  }
0x38: {  	s10 =	sld [smem:$0x3FB5]  }
0x39: {  	_ = 	snop;
	(pc) =	sbr.ind lr, $3  }
0x3a: {  	_ = 	snop  }
0x3b: {  	_ = 	snop  }
0x3c: {  	p2 =	seq.s32 s10, $0x1;
	s10 =	sld [smem:$0x3FB4]  }
0x3d: {  	_ =	shalt  }
0x3e: {  	_ =	shalt  }
0x3f: {  	_ =	shalt  }
0x40: {  	_ =	shalt  }
0x41: {  	_ =	shalt  }
0x42: {  	_ =	shalt  }
0x43: {  	_ =	shalt  }
0x44: {  	_ =	shalt  }
0x45: {  	_ =	shalt  }
0x46: {  	_ =	shalt  }
0x47: {  	_ =	shalt  }
0x48: {  	_ =	shalt  }
0x49: {  	_ =	shalt  }
0x4a: {  	_ =	shalt  }
0x4b: {  	_ =	shalt  }
0x4c: {  	_ =	shalt  }
0x4d: {  	_ =	shalt  }
0x4e: {  	_ =	shalt  }
0x4f: {  	_ =	shalt  }
0x50: {  	_ =	shalt  }
0x51: {  	_ =	shalt  }
0x52: {  	_ =	shalt  }
0x53: {  	_ =	shalt  }
0x54: {  	_ =	shalt  }
0x55: {  	_ =	shalt  }
0x56: {  	_ =	shalt  }
0x57: {  	_ =	shalt  }
0x58: {  	_ =	shalt  }
0x59: {  	_ =	shalt  }
0x5a: {  	_ =	shalt  }
0x5b: {  	_ =	shalt  }
0x5c: {  	_ =	shalt  }
0x5d: {  	_ =	shalt  }
0x5e: {  	_ =	shalt  }
0x5f: {  	_ =	shalt  }
0x60: {  	_ =	shalt  }
0x61: {  	_ =	shalt  }
0x62: {  	_ =	shalt  }
0x63: {  	_ =	shalt  }
0x64: {  	_ =	shalt  }
0x65: {  	_ =	shalt  }
0x66: {  	_ =	shalt  }
0x67: {  	_ =	shalt  }
0x68: {  	_ =	shalt  }
0x69: {  	_ =	shalt  }
0x6a: {  	_ =	shalt  }
0x6b: {  	_ =	shalt  }
0x6c: {  	_ =	shalt  }
0x6d: {  	_ =	shalt  }
0x6e: {  	_ =	shalt  }
0x6f: {  	_ =	shalt  }
0x70: {  	_ =	shalt  }
0x71: {  	_ =	shalt  }
0x72: {  	_ =	shalt  }
0x73: {  	_ =	shalt  }
0x74: {  	_ =	shalt  }
0x75: {  	_ =	shalt  }
0x76: {  	_ =	shalt  }
0x77: {  	_ =	shalt  }
0x78: {  	_ =	shalt  }
0x79: {  	_ =	shalt  }
0x7a: {  	_ =	shalt  }
0x7b: {  	_ =	shalt  }
0x7c: {  	_ =	shalt  }
0x7d: {  	_ =	shalt  }
0x7e: {  	_ =	shalt  }
0x7f: {  	_ =	shalt  }
0x80: {  	_ =	shalt  }
0x81: {  	_ =	shalt  }
0x82: {  	_ =	shalt  }
0x83: {  	_ =	shalt  }
0x84: {  	_ =	shalt  }
0x85: {  	_ =	shalt  }
0x86: {  	_ =	shalt  }
0x87: {  	_ =	shalt  }
.Lfunc_end0:
.L_simem_size_0:
called_computation.2_lowered:
.L_overlay_start_0:
0x88: {  	s2 =	sld [smem:$0x3FD9]  }
0x89: {  	s3 =	sld [smem:$0x3FFE];
	_ =	sdelay $0x1  }
0x8a: {  	s1 =	srdreg.scid  }
0x8b: {  	s0 =	sand.u32 $0x1, s1  }
0x8c: {  	s17 =	sshll.u32 s0, $0xA;
	s2 =	sadd.s32 s3, s2  }
0x8d: {  	s2 =	sadd.s32 s2, s17  }
0x8e: {  	[smem:$0x3FC0] =	sst s2  }
0x8f: {  	_ = 	snop  }
0x90: {  	s2 =	sld [smem:$0x3FD0];
	(tm) =	ssettm $0x1  }
0x91: {  	s18 =	sld [smem:$0x3FFB];
	_ =	sdelay $0x3  }
0x92: {  	_ =	strace s18  }
0x93: {  	s3 =	sld [smem:$0x3FFC];
	_ =	sdelay $0x3  }
0x94: {  	_ =	strace s3  }
0x95: {  	s3 =	sld [smem:$0x3FFD];
	_ =	sdelay $0x3  }
0x96: {  	_ =	strace s3  }
0x97: {  	_ =	strace $0x8FFFFFFF  }
0x98: {  	s19 =	sld [smem:$0x3FDB];
	_ =	sdelay $0x1  }
0x99: {  	s4 =	simm.s32 $_scs_section_size  }
0x9a: {  	s5 =	simm.s32 $_size__tile_overlayer_lowered;
	s6 =	simm.s32 $_tile_overlayer_lowered  }
0x9b: {  	s22 =	simm.s32 $0x1BFF;
	s21 =	sshll.u32 s6, $0x1;
	s3 =	sadd.s32 s4, s19  }
0x9c: {  	s7 =	simm.s32 $0x0;
	s20 =	sshll.u32 s5, $0x1;
	s5 =	sadd.s32 s21, s3  }
0x9d: {  	[timem:s7], [sflag:s22] =	dma.local [hbm:s5], s20  }
0x9e: {  	_ =	swait.ge [sflag:s22], s20  }
0x9f: {  	s4 =	ssub.s32 $0x0, s20;
	[sflag:s22] =	ssyncset.done $0x0  }
0xa0: {  	[sflag:s22] =	ssyncadd.s32 s4;
	_ =	sdelay $0x1  }
0xa1: {  	s23 =	simm.s32 $0x1B8B  }
0xa2: {  	_ =	swait.ge [sflag:s23], $0x1  }
0xa3: {  	[sflag:s23] =	ssyncset.done $0x0  }
0xa4: {  	s25 =	simm.s32 $0x1B8E;
	s24 =	sld [smem:$0x3FFE];
	[sflag:s23] =	ssyncadd.s32 $0xFFFFFFFF  }
0xa5: {  	s26 =	simm.s32 $execute0_lowered;
	[smem:$0x3FD2] =	sst s25  }
0xa6: {  	s5 =	sshll.u32 s26, $0x1;
	_ =	strace $0x8000004C;
	[dreg:$0x1] =	wrdreg $0xFFFFFFFF  }
0xa7: {  	s28 =	simm.s32 $_size_execute0_lowered;
	s3 =	sadd.s32 s3, s5;
	[dreg:$0x0] =	wrdreg $0x0  }
0xa8: {  	s5 =	sshll.u32 s28, $0x1;
	[dreg:$0x2] =	wrdreg s3  }
0xa9: {  	[dreg:$0x3] =	wrdreg s5  }
0xaa: {  	[dreg:$0x4] =	wrdreg $0xC0  }
0xab: {  	_ =	task [dreg:s7], $0x5FFFF  }
0xac: {  	[dreg:$0x1] =	wrdreg $0xFFFFFFFF  }
0xad: {  	[dreg:$0x0] =	wrdreg $0x60  }
0xae: {  	[dreg:$0x2] =	wrdreg s24  }
0xaf: {  	[dreg:$0x3] =	wrdreg s2  }
0xb0: {  	[dreg:$0x4] =	wrdreg $0x0  }
0xb1: {  	[dreg:$0x5] =	wrdreg $0x9  }
0xb2: {  	_ =	task.clear_ibuf [dreg:s7], $0x6FFFF;
	_ =	strace $0x9000004C  }
0xb3: {  	s29 =	simm.s32 $0x9;
	_ =	strace $0x8000004E  }
0xb4: {  	_ =	swait.ge [sflag:s29], $0x1  }
0xb5: {  	[sflag:s29] =	ssyncadd.s32 $0xFFFFFFFF  }
0xb6: {  	_ =	strace $0x9000004E  }
0xb7: {  	_ =	sfence  }
0xb8: {  	s30 =	sld [smem:$0x0];
	_ =	sdelay $0x2  }
0xb9: {  	s31 =	sshll.u32 s1, $0xD;
	s1 =	sshrl.u32 s1, $0x2  }
0xba: {  	s3 =	sand.u32 $0x4000, s31;
	s1 =	sadd.s32 s1, s30  }
0xbb: {  	s0 =	sor.u32 s3, s0;
	s1 =	sshll.u32 s1, $0x11  }
0xbc: {  	s0 =	sor.u32 s1, s0  }
0xbd: {  	s0 =	sadd.s32 $0x8F2B, s0  }
0xbe: {  	[sflag:s0] =	ssyncadd.remote.s32 $0x1  }
0xbf: {  	_ =	sfence.sel $0xFFFF  }
0xc0: {  	[dreg:$0x0] =	wrdreg $0xFFFFFFFF;
	(pc) =	sbr.abs _section_cstart, $3  }
0xc1: {  	[dreg:$0x1] =	wrdreg $0xFFFFFFFF  }
0xc2: {  	_ =	task.clear_ibuf [dreg:s7], $0x2FFFF;
	_ =	strace $0x9FFFFFFF  }
0xc3: {  	(tm) =	ssettm $0x7FFFFFFF  }
tec
execute0_lowered:
.L_overlay_start_1:
0x0: {  	(tag) =	ssettag $0x1  }
0x1: {  	s1 =	rddreg [dreg:$0x0]  }
0x2: {  	s0 =	srdreg.scid;
	s5 =	rddreg [dreg:$0x1]  }
0x3: {  	s9 =	stileid.u32;
	s2 =	rddreg [dreg:$0x2];
	s17 =	simm.s32 $0xD  }
0x4: {  	s18 =	simm.s32 $0x28;
	s19 =	simm.s32 $0x18780;
	s28 =	simm.s32 $0x1D780  }
0x5: {  	s29 =	simm.s32 $0x16000;
	s30 =	simm.s32 $0x1;
	s20 =	simm.s32 $0x2  }
0x6: {  	s31 =	simm.s32 $0x4;
	s0 =	sand.u32 $0x1, s0;
	s8 =	smul.u32 $0x4E000, s9  }
0x7: {  	s6 =	sshll.u32 s9, $0x7;
	s10 =	smul.u32 $0x2700, s9;
	s26 =	sadd.s32 $0x138000, s2  }
0x8: {  	p0 =	sne.s32 s9, $0xF;
	s3 =	sshll.u32 s0, $0x4;
	s6 =	sand.u32 $0x380, s6  }
0x9: {  	s7 =	smul.u32 $0x27100, s0;
	s0 =	ssub.s32 $0x2, s0;
	s3 =	sor.u32 s9, s3  }
0xa: {  	s23 =	sshrl.u32 s8, $0x2;
	s4 =	sshrl.u32 s3, $0x3;
	s3 =	simm.s32 $0x0  }
0xb: {  	s21 =	sshrl.u32 s0, $0x1;
	s24 =	sadd.s32 s23, s2;
	[smem:$0x7FF] =	sst s3  }
0xc: {  	s25 =	sadd.s32 s5, s10;
	_ =	strace $0x8000004D;
	[dreg:$0x7] =	wrdreg s24  }
0xd: {  	s5 =	sadd.s32 $0x27000, s5;
	s8 =	simm.s32 $0x6;
	[dreg:$0x4] =	wrdreg s10  }
0xe: {  	s9 =	simm.s32 $0xB;
	s0 =	ssub.s32 s0, s21;
	[dreg:$0x8] =	wrdreg s25  }
0xf: {  	s21 =	simm.s32 $0x19B80;
	s23 =	simm.s32 $0x1AF80;
	[dreg:$0x9] =	wrdreg s26  }
0x10: {  	s4 =	smul.u32 $0x13C00, s4;
	s0 =	smax.u32 s0, $0x1;
	[dreg:$0xa] =	wrdreg s5  }
0x11: {  	[dreg:$0xb] =	wrdreg s0;
	s25 =	simm.s32 $0x1C380;
	s0 =	simm.s32 $0x7  }
0x12: {  	s26 =	simm.s32 $0x3;
	s24 =	simm.s32 $0x9;
	s6 =	sor.u32 s6, s4  }
.Ltmp0:
0x13: {  	s10 =	simm.s32 $0xC;
	s6 =	sshrl.u32 s6, $0x3;
	(pc) =	sbr.rel .LBB2_1-.Ltmp0, $4  }
0x14: {  	s4 =	sadd.s32 $0x1F800, s1;
	s6 =	sadd.s32 s6, s1;
	s1 =	sadd.s32 s7, s1  }
0x15: {  	s7 =	simm.s32 $0xA;
	s22 =	sadd.s32 $0x15A00, s6;
	s6 =	sadd.s32 $0x1E00, s6  }
0x16: {  	s12 =	sadd.s32 $0x46A00, s1;
	s1 =	simm.s32 $0x1EB80;
	[dreg:$0x5] =	wrdreg s22  }
0x17: {  	[dreg:$0x6] =	wrdreg s6;
	s22 =	simm.s32 $0x8;
	s6 =	simm.s32 $0x5  }
.LBB2_4:
0x18: {  	_ =	swait.ge [sflag:s30], $0x1400  }
0x19: {  	[sflag:s30] =	ssyncset.done $0x0  }
0x1a: {  	s13 =	simm.s32 $0x18670;
	[sflag:s30] =	ssyncadd.s32 $0xFFFFEC00  }
0x1b: {  	[spmem:s2] =	stream.indirect.scatter.add.f32 [tilespmem:s19], [sflag:$0x7], $0x80, s13, s18, $0xb8;
	[tilespmem:$0x1FF80] =	vst v63  }
0x1c: {  	_ =	swait.ge [sflag:s10], $0x1400  }
0x1d: {  	[sflag:s10] =	ssyncset.done $0x0  }
0x1e: {  	[sflag:s10] =	ssyncadd.s32 $0xFFFFEC00  }
0x1f: {  	_ =	swait.ge [sflag:s20], $0x1400  }
0x20: {  	[sflag:s20] =	ssyncset.done $0x0  }
0x21: {  	s16 =	simm.s32 $0x18698;
	[sflag:s20] =	ssyncadd.s32 $0xFFFFEC00  }
0x22: {  	[spmem:s2] =	stream.indirect.scatter.add.f32 [tilespmem:s21], [sflag:$0x8], $0x80, s16, s18, $0xb8;
	[tilespmem:$0x1FF80] =	vst v63  }
0x23: {  	_ =	swait.ge [sflag:s0], $0x1400  }
0x24: {  	[sflag:s0] =	ssyncset.done $0x0  }
0x25: {  	[sflag:s0] =	ssyncadd.s32 $0xFFFFEC00  }
0x26: {  	_ =	swait.ge [sflag:s26], $0x1400  }
0x27: {  	[sflag:s26] =	ssyncset.done $0x0  }
0x28: {  	s15 =	simm.s32 $0x186C0;
	[sflag:s26] =	ssyncadd.s32 $0xFFFFEC00  }
0x29: {  	[spmem:s2] =	stream.indirect.scatter.add.f32 [tilespmem:s23], [sflag:$0x9], $0x80, s15, s18, $0xb8;
	[tilespmem:$0x1FF80] =	vst v63  }
0x2a: {  	_ =	swait.ge [sflag:s22], $0x1400  }
0x2b: {  	[sflag:s22] =	ssyncset.done $0x0  }
0x2c: {  	[sflag:s22] =	ssyncadd.s32 $0xFFFFEC00  }
0x2d: {  	_ =	swait.ge [sflag:s31], $0x1400  }
0x2e: {  	[sflag:s31] =	ssyncset.done $0x0  }
0x2f: {  	s16 =	simm.s32 $0x186E8;
	[sflag:s31] =	ssyncadd.s32 $0xFFFFEC00  }
0x30: {  	[spmem:s2] =	stream.indirect.scatter.add.f32 [tilespmem:s25], [sflag:$0xA], $0x80, s16, s18, $0xb8;
	[tilespmem:$0x1FF80] =	vst v63  }
0x31: {  	_ =	swait.ge [sflag:s24], $0x1400  }
0x32: {  	[sflag:s24] =	ssyncset.done $0x0  }
0x33: {  	[sflag:s24] =	ssyncadd.s32 $0xFFFFEC00  }
0x34: {  	_ =	swait.ge [sflag:s7], $0x1400  }
0x35: {  	[sflag:s7] =	ssyncset.done $0x0  }
0x36: {  	[sflag:s7] =	ssyncadd.s32 $0xFFFFEC00  }
0x37: {  	[bflag:$0x0] =	sbarrier.arrive $0xFFFF  }
0x38: {  	s15 =	rddreg [dreg:$0x4]  }
0x39: {  	s13 =	sadd.s32 s15, s12  }
0x3a: {  	[hbm:s13], [sflag:s5] =	dma.local [spmem:s11], $0x2700  }
0x3b: {  	_ =	swait.ge [sflag:s17], $0x2700  }
0x3c: {  	[sflag:s17] =	ssyncset.done $0x0  }
0x3d: {  	s11 =	sadd.s32 @!p0 $0x27000, s12;
	[sflag:s17] =	ssyncadd.s32 $0xFFFFD900  }
0x3e: {  	[hbm:s11], [sflag:s5] =	dma.local @!p0 [spmem:s14], $0x100  }
0x3f: {  	s5 =	simm.s32 @!p0 $0xD  }
0x40: {  	_ =	swait.ge @!p0 [sflag:s5], $0x100  }
0x41: {  	s3 =	sadd.s32 $0x1, s3;
	s16 =	rddreg [dreg:$0xb]  }
0x42: {  	p1 =	sne.s32 s3, s16  }
.Ltmp1:
0x43: {  	_ = 	snop;
	(pc) =	sbr.rel @!p1 .LBB2_5-.Ltmp1, $3  }
0x44: {  	_ =	sdelay $0x1  }
0x45: {  	[sflag:s5] =	ssyncset.done @!p0 $0x0  }
0x46: {  	[sflag:s5] =	ssyncadd.s32 @!p0 $0xFFFFFF00  }
.LBB2_1:
0x47: {  	s5 =	rddreg [dreg:$0x5]  }
0x48: {  	s11 =	simm.s32 $0x80;
	s13 =	simm.s32 $0x400;
	s14 =	simm.s32 $0x13880  }
0x49: {  	[tilespmem:s14], [sflag:$0xD] =	stream.strided.gather [hbm4b:s5+s11], $0x2780, s13, s11, $0x38;
	[tilespmem:$0x1FF80] =	vst v63  }
0x4a: {  	_ =	swait.ge [sflag:s17], $0x2780  }
0x4b: {  	[sflag:s17] =	ssyncset.done $0x0  }
0x4c: {  	[sflag:s17] =	ssyncadd.s32 $0xFFFFD880  }
0x4d: {  	[tilespmem:s19], [sflag:$0x1] =	stream.indirect.gather [hbm4b:s4+s18], $0x80, s14, s18, $0xb8;
	[tilespmem:$0x1FF80] =	vst v63  }
0x4e: {  	s15 =	simm.s32 $0x138A8  }
0x4f: {  	[tilespmem:s21], [sflag:$0x2] =	stream.indirect.gather [hbm4b:s4+s18], $0x80, s15, s18, $0xb8;
	[tilespmem:$0x1FF80] =	vst v63  }
0x50: {  	s16 =	simm.s32 $0x138D0  }
0x51: {  	[tilespmem:s23], [sflag:$0x3] =	stream.indirect.gather [hbm4b:s4+s18], $0x80, s16, s18, $0xb8;
	[tilespmem:$0x1FF80] =	vst v63  }
0x52: {  	s14 =	simm.s32 $0x138F8  }
0x53: {  	[tilespmem:s25], [sflag:$0x4] =	stream.indirect.gather [hbm4b:s4+s18], $0x80, s14, s18, $0xb8;
	[tilespmem:$0x1FF80] =	vst v63  }
0x54: {  	s15 =	simm.s32 $0x13920  }
0x55: {  	[tilespmem:s28], [sflag:$0x5] =	stream.indirect.gather [hbm4b:s4+s18], $0x80, s15, s18, $0xb8;
	[tilespmem:$0x1FF80] =	vst v63  }
0x56: {  	s16 =	rddreg [dreg:$0x6]  }
0x57: {  	[tilespmem:s29], [sflag:$0xD] =	stream.strided.gather [hbm4b:s16+s11], $0x2780, s13, s11, $0x38;
	[tilespmem:$0x1FF80] =	vst v63  }
0x58: {  	s13 =	stileid.u32  }
0x59: {  	_ =	swait.ge [sflag:s17], $0x2780;
	s5 =	sshll.u32 s13, $0x6  }
0x5a: {  	[sflag:s17] =	ssyncset.done $0x0;
	s5 =	sor.u32 $0x1C0D, s5;
	s14 =	rddreg [dreg:$0x7]  }
0x5b: {  	s15 =	rddreg [dreg:$0x8];
	[sflag:s17] =	ssyncadd.s32 $0xFFFFD880;
	s11 =	sshrl.u32 s14, $0x3  }
0x5c: {  	[spmem:s11], [sflag:s5] =	dma.local [hbm:s15], $0x2700  }
0x5d: {  	_ =	swait.ge [sflag:s17], $0x2700  }
0x5e: {  	[sflag:s17] =	ssyncset.done $0x0;
	s13 =	rddreg [dreg:$0x9]  }
0x5f: {  	[sflag:s17] =	ssyncadd.s32 $0xFFFFD900;
	s14 =	sshrl.u32 @!p0 s13, $0x3;
	s13 =	rddreg [dreg:$0xa]  }
0x60: {  	[spmem:s14], [sflag:s5] =	dma.local @!p0 [hbm:s13], $0x100  }
0x61: {  	s13 =	simm.s32 @!p0 $0xD  }
0x62: {  	_ =	swait.ge @!p0 [sflag:s13], $0x100  }
0x63: {  	[sflag:s13] =	ssyncset.done @!p0 $0x0  }
0x64: {  	[sflag:s13] =	ssyncadd.s32 @!p0 $0xFFFFFF00  }
0x65: {  	[bflag:$0x0] =	sbarrier.arrive $0xFFFF  }
0x66: {  	_ =	swait.ge [sflag:s30], $0x1400  }
0x67: {  	[sflag:s30] =	ssyncset.done $0x0  }
0x68: {  	[sflag:s30] =	ssyncadd.s32 $0xFFFFEC00  }
0x69: {  	[spmem:s2] =	stream.indirect.scatter.add.f32 [tilespmem:s19], [sflag:$0x7], $0x80, s29, s18, $0xb8;
	[tilespmem:$0x1FF80] =	vst v63  }
0x6a: {  	s16 =	simm.s32 $0x13948  }
0x6b: {  	[tilespmem:s1], [sflag:$0x6] =	stream.indirect.gather [hbm4b:s4+s18], $0x80, s16, s18, $0xb8;
	[tilespmem:$0x1FF80] =	vst v63  }
0x6c: {  	_ =	swait.ge [sflag:s20], $0x1400  }
0x6d: {  	[sflag:s20] =	ssyncset.done $0x0  }
0x6e: {  	s15 =	simm.s32 $0x16028;
	[sflag:s20] =	ssyncadd.s32 $0xFFFFEC00  }
0x6f: {  	[spmem:s2] =	stream.indirect.scatter.add.f32 [tilespmem:s21], [sflag:$0x8], $0x80, s15, s18, $0xb8;
	[tilespmem:$0x1FF80] =	vst v63  }
0x70: {  	_ =	swait.ge [sflag:s0], $0x1400  }
0x71: {  	[sflag:s0] =	ssyncset.done $0x0  }
0x72: {  	s16 =	simm.s32 $0x13970;
	[sflag:s0] =	ssyncadd.s32 $0xFFFFEC00  }
0x73: {  	[tilespmem:s19], [sflag:$0x1] =	stream.indirect.gather [hbm4b:s4+s18], $0x80, s16, s18, $0xb8;
	[tilespmem:$0x1FF80] =	vst v63  }
0x74: {  	_ =	swait.ge [sflag:s26], $0x1400  }
0x75: {  	[sflag:s26] =	ssyncset.done $0x0  }
0x76: {  	s15 =	simm.s32 $0x16050;
	[sflag:s26] =	ssyncadd.s32 $0xFFFFEC00  }
0x77: {  	[spmem:s2] =	stream.indirect.scatter.add.f32 [tilespmem:s23], [sflag:$0x9], $0x80, s15, s18, $0xb8;
	[tilespmem:$0x1FF80] =	vst v63  }
0x78: {  	_ =	swait.ge [sflag:s22], $0x1400  }
0x79: {  	[sflag:s22] =	ssyncset.done $0x0  }
0x7a: {  	s16 =	simm.s32 $0x13998;
	[sflag:s22] =	ssyncadd.s32 $0xFFFFEC00  }
0x7b: {  	[tilespmem:s21], [sflag:$0x2] =	stream.indirect.gather [hbm4b:s4+s18], $0x80, s16, s18, $0xb8;
	[tilespmem:$0x1FF80] =	vst v63  }
0x7c: {  	_ =	swait.ge [sflag:s31], $0x1400  }
0x7d: {  	[sflag:s31] =	ssyncset.done $0x0  }
0x7e: {  	s15 =	simm.s32 $0x16078;
	[sflag:s31] =	ssyncadd.s32 $0xFFFFEC00  }
0x7f: {  	[spmem:s2] =	stream.indirect.scatter.add.f32 [tilespmem:s25], [sflag:$0xA], $0x80, s15, s18, $0xb8;
	[tilespmem:$0x1FF80] =	vst v63  }
0x80: {  	_ =	swait.ge [sflag:s24], $0x1400  }
0x81: {  	[sflag:s24] =	ssyncset.done $0x0  }
0x82: {  	s16 =	simm.s32 $0x139C0;
	[sflag:s24] =	ssyncadd.s32 $0xFFFFEC00  }
0x83: {  	[tilespmem:s23], [sflag:$0x3] =	stream.indirect.gather [hbm4b:s4+s18], $0x80, s16, s18, $0xb8;
	[tilespmem:$0x1FF80] =	vst v63  }
0x84: {  	_ =	swait.ge [sflag:s6], $0x1400  }
0x85: {  	[sflag:s6] =	ssyncset.done $0x0  }
0x86: {  	s15 =	simm.s32 $0x160A0;
	[sflag:s6] =	ssyncadd.s32 $0xFFFFEC00  }
0x87: {  	[spmem:s2] =	stream.indirect.scatter.add.f32 [tilespmem:s28], [sflag:$0xB], $0x80, s15, s18, $0xb8;
	[tilespmem:$0x1FF80] =	vst v63  }
0x88: {  	_ =	swait.ge [sflag:s7], $0x1400  }
0x89: {  	[sflag:s7] =	ssyncset.done $0x0  }
0x8a: {  	s16 =	simm.s32 $0x139E8;
	[sflag:s7] =	ssyncadd.s32 $0xFFFFEC00  }
0x8b: {  	[tilespmem:s25], [sflag:$0x4] =	stream.indirect.gather [hbm4b:s4+s18], $0x80, s16, s18, $0xb8;
	[tilespmem:$0x1FF80] =	vst v63  }
0x8c: {  	_ =	swait.ge [sflag:s8], $0x1400  }
0x8d: {  	[sflag:s8] =	ssyncset.done $0x0  }
0x8e: {  	s15 =	simm.s32 $0x160C8;
	[sflag:s8] =	ssyncadd.s32 $0xFFFFEC00  }
0x8f: {  	[spmem:s2] =	stream.indirect.scatter.add.f32 [tilespmem:s1], [sflag:$0xC], $0x80, s15, s18, $0xb8;
	[tilespmem:$0x1FF80] =	vst v63  }
0x90: {  	_ =	swait.ge [sflag:s9], $0x1400  }
0x91: {  	[sflag:s9] =	ssyncset.done $0x0  }
0x92: {  	s16 =	simm.s32 $0x13A10;
	s15 =	simm.s32 $0x0;
	[sflag:s9] =	ssyncadd.s32 $0xFFFFEC00  }
0x93: {  	[tilespmem:s28], [sflag:$0x5] =	stream.indirect.gather [hbm4b:s4+s18], $0x80, s16, s18, $0xb8;
	[tilespmem:$0x1FF80] =	vst v63  }
.LBB2_2:
0x94: {  	_ =	swait.ge [sflag:s30], $0x1400  }
0x95: {  	s13 =	sshra.s32 s15, $0x2;
	[sflag:s30] =	ssyncset.done $0x0  }
0x96: {  	s16 =	sadd.s32 $0x160F0, s13;
	[sflag:s30] =	ssyncadd.s32 $0xFFFFEC00  }
0x97: {  	[spmem:s2] =	stream.indirect.scatter.add.f32 [tilespmem:s19], [sflag:$0x7], $0x80, s16, s18, $0xb8;
	[tilespmem:$0x1FF80] =	vst v63  }
0x98: {  	_ =	swait.ge [sflag:s10], $0x1400  }
0x99: {  	[sflag:s10] =	ssyncset.done $0x0  }
0x9a: {  	s16 =	sadd.s32 $0x13A38, s13;
	[sflag:s10] =	ssyncadd.s32 $0xFFFFEC00  }
0x9b: {  	[tilespmem:s1], [sflag:$0x6] =	stream.indirect.gather [hbm4b:s4+s18], $0x80, s16, s18, $0xb8;
	[tilespmem:$0x1FF80] =	vst v63  }
0x9c: {  	_ =	swait.ge [sflag:s20], $0x1400  }
0x9d: {  	[sflag:s20] =	ssyncset.done $0x0  }
0x9e: {  	s16 =	sadd.s32 $0x16118, s13;
	[sflag:s20] =	ssyncadd.s32 $0xFFFFEC00  }
0x9f: {  	[spmem:s2] =	stream.indirect.scatter.add.f32 [tilespmem:s21], [sflag:$0x8], $0x80, s16, s18, $0xb8;
	[tilespmem:$0x1FF80] =	vst v63  }
0xa0: {  	_ =	swait.ge [sflag:s0], $0x1400  }
0xa1: {  	[sflag:s0] =	ssyncset.done $0x0  }
0xa2: {  	s16 =	sadd.s32 $0x13A60, s13;
	[sflag:s0] =	ssyncadd.s32 $0xFFFFEC00  }
0xa3: {  	[tilespmem:s19], [sflag:$0x1] =	stream.indirect.gather [hbm4b:s4+s18], $0x80, s16, s18, $0xb8;
	[tilespmem:$0x1FF80] =	vst v63  }
0xa4: {  	_ =	swait.ge [sflag:s26], $0x1400  }
0xa5: {  	[sflag:s26] =	ssyncset.done $0x0  }
0xa6: {  	s16 =	sadd.s32 $0x16140, s13;
	[sflag:s26] =	ssyncadd.s32 $0xFFFFEC00  }
0xa7: {  	[spmem:s2] =	stream.indirect.scatter.add.f32 [tilespmem:s23], [sflag:$0x9], $0x80, s16, s18, $0xb8;
	[tilespmem:$0x1FF80] =	vst v63  }
0xa8: {  	_ =	swait.ge [sflag:s22], $0x1400  }
0xa9: {  	[sflag:s22] =	ssyncset.done $0x0  }
0xaa: {  	s16 =	sadd.s32 $0x13A88, s13;
	[sflag:s22] =	ssyncadd.s32 $0xFFFFEC00  }
0xab: {  	[tilespmem:s21], [sflag:$0x2] =	stream.indirect.gather [hbm4b:s4+s18], $0x80, s16, s18, $0xb8;
	[tilespmem:$0x1FF80] =	vst v63  }
0xac: {  	_ =	swait.ge [sflag:s31], $0x1400  }
0xad: {  	[sflag:s31] =	ssyncset.done $0x0  }
0xae: {  	s16 =	sadd.s32 $0x16168, s13;
	[sflag:s31] =	ssyncadd.s32 $0xFFFFEC00  }
0xaf: {  	[spmem:s2] =	stream.indirect.scatter.add.f32 [tilespmem:s25], [sflag:$0xA], $0x80, s16, s18, $0xb8;
	[tilespmem:$0x1FF80] =	vst v63  }
0xb0: {  	_ =	swait.ge [sflag:s24], $0x1400  }
0xb1: {  	[sflag:s24] =	ssyncset.done $0x0  }
0xb2: {  	s16 =	sadd.s32 $0x13AB0, s13;
	[sflag:s24] =	ssyncadd.s32 $0xFFFFEC00  }
0xb3: {  	[tilespmem:s23], [sflag:$0x3] =	stream.indirect.gather [hbm4b:s4+s18], $0x80, s16, s18, $0xb8;
	[tilespmem:$0x1FF80] =	vst v63  }
0xb4: {  	_ =	swait.ge [sflag:s6], $0x1400  }
0xb5: {  	[sflag:s6] =	ssyncset.done $0x0  }
0xb6: {  	s16 =	sadd.s32 $0x16190, s13;
	[sflag:s6] =	ssyncadd.s32 $0xFFFFEC00  }
0xb7: {  	[spmem:s2] =	stream.indirect.scatter.add.f32 [tilespmem:s28], [sflag:$0xB], $0x80, s16, s18, $0xb8;
	[tilespmem:$0x1FF80] =	vst v63  }
0xb8: {  	_ =	swait.ge [sflag:s7], $0x1400  }
0xb9: {  	[sflag:s7] =	ssyncset.done $0x0  }
0xba: {  	s16 =	sadd.s32 $0x13AD8, s13;
	[sflag:s7] =	ssyncadd.s32 $0xFFFFEC00  }
0xbb: {  	[tilespmem:s25], [sflag:$0x4] =	stream.indirect.gather [hbm4b:s4+s18], $0x80, s16, s18, $0xb8;
	[tilespmem:$0x1FF80] =	vst v63  }
0xbc: {  	_ =	swait.ge [sflag:s8], $0x1400  }
0xbd: {  	p1 =	seq.s32 s15, $0x9240;
	[sflag:s8] =	ssyncset.done $0x0  }
.Ltmp2:
0xbe: {  	s16 =	sadd.s32 $0x161B8, s13;
	[sflag:s8] =	ssyncadd.s32 $0xFFFFEC00;
	(pc) =	sbr.rel @p1 .LBB2_4-.Ltmp2, $4  }
0xbf: {  	[spmem:s2] =	stream.indirect.scatter.add.f32 [tilespmem:s1], [sflag:$0xC], $0x80, s16, s18, $0xb8;
	[tilespmem:$0x1FF80] =	vst v63  }
0xc0: {  	_ =	swait.ge [sflag:s9], $0x1400  }
0xc1: {  	[sflag:s9] =	ssyncset.done $0x0  }
0xc2: {  	[sflag:s9] =	ssyncadd.s32 $0xFFFFEC00  }
.Ltmp3:
0xc3: {  	(pc) =	sbr.rel .LBB2_2-.Ltmp3, $3  }
0xc4: {  	_ =	sdelay $0x1  }
0xc5: {  	s13 =	sadd.s32 $0x13B00, s13;
	s15 =	sadd.s32 $0x3C0, s15  }
0xc6: {  	[tilespmem:s28], [sflag:$0x5] =	stream.indirect.gather [hbm4b:s4+s18], $0x80, s13, s18, $0xb8;
	[tilespmem:$0x1FF80] =	vst v63  }
.LBB2_5:
0xc7: {  	_ =	sfence.sel $0x180000  }
0xc8: {  	[bflag:$0x0] =	sbarrier.arrive $0xFFFF  }
0xc9: {  	_ =	strace $0x9000004D  }
0xca: {  	s0 =	stileid.u32;
	[bflag:$0x2] =	sbarrier.arrive $0xFFFF  }
0xcb: {  	p0 =	sne.s32 s0, $0x0;
	s0 =	rddreg [dreg:$0x3]  }
0xcc: {  	s0 =	sadd.s32 @!p0 $0x100000, s0  }
0xcd: {  	[sflag:s0] =	ssyncadd.tile.s32 @!p0 $0x1;
	_ =	shalt  }
.Lfunc_end2:
_tile_overlayer_lowered:
.L_overlay_start_2:
0xce: {  	(tag) =	ssettag $0x2  }
0xcf: {  	s0 =	rddreg [dreg:$0x0];
	s2 =	stileid.u32  }
0xd0: {  	s1 =	rddreg [dreg:$0x1];
	p0 =	sne.s32 s2, $0x0  }
0xd1: {  	s3 =	rddreg [dreg:$0x2];
	[bflag:$0x3] =	sbarrier.arrive $0xFFFF;
	s2 =	simm.s32 @!p0 $0x1C0D  }
0xd2: {  	[timem:s3], [sflag:s2] =	dma.local @!p0 [hbm:s0], s1  }
0xd3: {  	s0 =	simm.s32 @!p0 $0xD  }
0xd4: {  	_ =	swait.ge @!p0 [sflag:s0], s1  }
0xd5: {  	s1 =	ssub.s32 @!p0 $0x0, s1;
	[sflag:s0] =	ssyncset.done @!p0 $0x0  }
0xd6: {  	[sflag:s0] =	ssyncadd.s32 @!p0 s1  }
0xd7: {  	[bflag:$0x3] =	sbarrier.arrive $0xFFFF  }
0xd8: {  	_ =	shalt  }

// kernel: kernel.9.cloned.1.call-start
scs
__scs_entry_jumppad:
0x0: {  	(pc) =	sbr.rel $0x88, $3  }
0x1: {  	(tag) =	ssettag $0x0;
	lr =	simm.s32 $0x1  }
0x2: {  	[smem:$0x3F99] =	sst lr;
	_ =	strace $0xD0000000  }
0x3: {  	_ = 	snop  }
0x4: {  	_ = 	snop  }
0x5: {  	_ = 	snop  }
0x6: {  	_ = 	snop  }
0x7: {  	_ = 	snop  }
__scs_overlays_trampoline_lowered:
0x8: {  	[smem:$0x3FA8] =	sst s0  }
0x9: {  	[smem:$0x3FA9] =	sst s1  }
0xa: {  	[smem:$0x3FAA] =	sst s2  }
0xb: {  	[smem:$0x3FAB] =	sst s3  }
0xc: {  	[smem:$0x3FAC] =	sst s4  }
0xd: {  	[smem:$0x3FAD] =	sst s5  }
0xe: {  	[smem:$0x3FAE] =	sst s6  }
0xf: {  	[smem:$0x3FAF] =	sst s7  }
0x10: {  	[smem:$0x3FB0] =	sst s8  }
0x11: {  	[smem:$0x3FB1] =	sst s9;
	s0 =	simm.s32 @!p0 $0x0  }
0x12: {  	s1 =	sld [smem:$0x3F97];
	s0 =	simm.s32 @p0 $0x1  }
0x13: {  	[smem:$0x3FB2] =	sst s0;
	s0 =	simm.s32 @!p1 $0x0  }
0x14: {  	s2 =	sld [smem:$0x3F96];
	s0 =	simm.s32 @p1 $0x1  }
0x15: {  	[smem:$0x3FB3] =	sst s0;
	s0 =	simm.s32 @!p2 $0x0  }
0x16: {  	s3 =	sld [smem:$0x3FDB];
	s0 =	simm.s32 @p2 $0x1  }
0x17: {  	s4 =	simm.s32 $0x1BF5;
	[smem:$0x3FB5] =	sst s0  }
0x18: {  	s0 =	sld [smem:$0x3F98];
	_ =	swait.ge [sflag:s4], $0x0  }
0x19: {  	s7 =	sld [smem:$0x3F99]  }
0x1a: {  	s8 =	sadd.s32 $0xFFFFE003, lr  }
0x1b: {  	s9 =	sadd.s32 $0xFFFFFEF7, lr;
	s5 =	simm.s32 $0xFFFFFFFF;
	p2 =	slt.u32 s8, $0xFFFFF086  }
0x1c: {  	p1 =	slt.u32 s9, $0xF7A;
	s5 =	simm.s32 @!p2 $0x0  }
0x1d: {  	s5 =	simm.s32 @p1 $0x1;
	p0 =	seq.s32 s7, s2  }
0x1e: {  	s7 =	smul.u32 @!p0 $0xF7A, s2;
	p2 =	seq.s32 @!p0 s5, $0x0  }
0x1f: {  	s9 =	smul.u32 $0xF7A, s1;
	s8 =	simm.s32 @!p0 $0x1BF5;
	p2 =	por !p2, p0  }
0x20: {  	[sflag:s8] =	ssyncset.s32 @!p0 $0xFFFFF086;
	s6 =	sadd.s32 @!p0 s3, s7;
	s7 =	simm.s32 @!p0 $0x108  }
0x21: {  	s3 =	sadd.s32 s3, s9;
	s6 =	sadd.s32 @!p0 $0x88, s6;
	s7 =	simm.s32 @p2 $0x1082  }
0x22: {  	[simem:s7], [sflag:s8] =	dma.local @!p0 [hbm:s6], $0xF7A  }
0x23: {  	s9 =	sor.u32 $0xD0000000, s2;
	s6 =	simm.s32 $0x108;
	_ =	swait.ge @!p0 [sflag:s8], $0x0  }
0x24: {  	s3 =	sadd.s32 $0x88, s3;
	s6 =	simm.s32 @!p1 $0x1082;
	[sflag:s4] =	ssyncset.s32 $0xFFFFF086  }
0x25: {  	[simem:s6], [sflag:s4] =	dma.local [hbm:s3], $0xF7A  }
0x26: {  	[smem:$0x3F99] =	sst s1;
	(tag) =	ssettag s2;
	_ =	strace s9  }
0x27: {  	s1 =	sld [smem:$0x3FA9]  }
0x28: {  	s2 =	sld [smem:$0x3FAA]  }
0x29: {  	s4 =	sld [smem:$0x3FAC]  }
0x2a: {  	p0 =	seq.s32 s5, $0x0;
	s5 =	sld [smem:$0x3FAD]  }
0x2b: {  	s6 =	sld [smem:$0x3FAE]  }
0x2c: {  	s7 =	sld [smem:$0x3FAF]  }
0x2d: {  	s3 =	simm.s32 $0x108;
	s8 =	sld [smem:$0x3FB0]  }
0x2e: {  	s3 =	simm.s32 @!p0 $0x1082;
	s9 =	sld [smem:$0x3FB1]  }
0x2f: {  	lr =	sadd.s32 s0, s3;
	s0 =	sld [smem:$0x3FA8]  }
0x30: {  	s3 =	sld [smem:$0x3FAB]  }
0x31: {  	[smem:$0x3FB4] =	sst s10  }
0x32: {  	s10 =	sld [smem:$0x3FB2];
	_ =	sdelay $0x3  }
0x33: {  	p0 =	seq.s32 s10, $0x1;
	s10 =	sld [smem:$0x3FB4];
	_ =	sdelay $0x3  }
0x34: {  	[smem:$0x3FB4] =	sst s10  }
0x35: {  	s10 =	sld [smem:$0x3FB3];
	_ =	sdelay $0x3  }
0x36: {  	p1 =	seq.s32 s10, $0x1;
	s10 =	sld [smem:$0x3FB4];
	_ =	sdelay $0x3  }
0x37: {  	[smem:$0x3FB4] =	sst s10  }
0x38: {  	s10 =	sld [smem:$0x3FB5]  }
0x39: {  	_ = 	snop;
	(pc) =	sbr.ind lr, $3  }
0x3a: {  	_ = 	snop  }
0x3b: {  	_ = 	snop  }
0x3c: {  	p2 =	seq.s32 s10, $0x1;
	s10 =	sld [smem:$0x3FB4]  }
0x3d: {  	_ =	shalt  }
0x3e: {  	_ =	shalt  }
0x3f: {  	_ =	shalt  }
0x40: {  	_ =	shalt  }
0x41: {  	_ =	shalt  }
0x42: {  	_ =	shalt  }
0x43: {  	_ =	shalt  }
0x44: {  	_ =	shalt  }
0x45: {  	_ =	shalt  }
0x46: {  	_ =	shalt  }
0x47: {  	_ =	shalt  }
0x48: {  	_ =	shalt  }
0x49: {  	_ =	shalt  }
0x4a: {  	_ =	shalt  }
0x4b: {  	_ =	shalt  }
0x4c: {  	_ =	shalt  }
0x4d: {  	_ =	shalt  }
0x4e: {  	_ =	shalt  }
0x4f: {  	_ =	shalt  }
0x50: {  	_ =	shalt  }
0x51: {  	_ =	shalt  }
0x52: {  	_ =	shalt  }
0x53: {  	_ =	shalt  }
0x54: {  	_ =	shalt  }
0x55: {  	_ =	shalt  }
0x56: {  	_ =	shalt  }
0x57: {  	_ =	shalt  }
0x58: {  	_ =	shalt  }
0x59: {  	_ =	shalt  }
0x5a: {  	_ =	shalt  }
0x5b: {  	_ =	shalt  }
0x5c: {  	_ =	shalt  }
0x5d: {  	_ =	shalt  }
0x5e: {  	_ =	shalt  }
0x5f: {  	_ =	shalt  }
0x60: {  	_ =	shalt  }
0x61: {  	_ =	shalt  }
0x62: {  	_ =	shalt  }
0x63: {  	_ =	shalt  }
0x64: {  	_ =	shalt  }
0x65: {  	_ =	shalt  }
0x66: {  	_ =	shalt  }
0x67: {  	_ =	shalt  }
0x68: {  	_ =	shalt  }
0x69: {  	_ =	shalt  }
0x6a: {  	_ =	shalt  }
0x6b: {  	_ =	shalt  }
0x6c: {  	_ =	shalt  }
0x6d: {  	_ =	shalt  }
0x6e: {  	_ =	shalt  }
0x6f: {  	_ =	shalt  }
0x70: {  	_ =	shalt  }
0x71: {  	_ =	shalt  }
0x72: {  	_ =	shalt  }
0x73: {  	_ =	shalt  }
0x74: {  	_ =	shalt  }
0x75: {  	_ =	shalt  }
0x76: {  	_ =	shalt  }
0x77: {  	_ =	shalt  }
0x78: {  	_ =	shalt  }
0x79: {  	_ =	shalt  }
0x7a: {  	_ =	shalt  }
0x7b: {  	_ =	shalt  }
0x7c: {  	_ =	shalt  }
0x7d: {  	_ =	shalt  }
0x7e: {  	_ =	shalt  }
0x7f: {  	_ =	shalt  }
0x80: {  	_ =	shalt  }
0x81: {  	_ =	shalt  }
0x82: {  	_ =	shalt  }
0x83: {  	_ =	shalt  }
0x84: {  	_ =	shalt  }
0x85: {  	_ =	shalt  }
0x86: {  	_ =	shalt  }
0x87: {  	_ =	shalt  }
.Lfunc_end0:
.L_simem_size_0:
called_computation_lowered:
.L_overlay_start_0:
0x88: {  	s2 =	sld [smem:$0x3FD9]  }
0x89: {  	s3 =	sld [smem:$0x3FFE];
	_ =	sdelay $0x1  }
0x8a: {  	s1 =	srdreg.scid  }
0x8b: {  	s0 =	sand.u32 $0x1, s1  }
0x8c: {  	s16 =	sshll.u32 s0, $0xA;
	s2 =	sadd.s32 s3, s2  }
0x8d: {  	s2 =	sadd.s32 s2, s16  }
0x8e: {  	[smem:$0x3FC0] =	sst s2  }
0x8f: {  	_ = 	snop  }
0x90: {  	(tm) =	ssettm $0x1  }
0x91: {  	s17 =	sld [smem:$0x3FFB];
	_ =	sdelay $0x3  }
0x92: {  	_ =	strace s17  }
0x93: {  	s2 =	sld [smem:$0x3FFC];
	_ =	sdelay $0x3  }
0x94: {  	_ =	strace s2  }
0x95: {  	s2 =	sld [smem:$0x3FFD];
	_ =	sdelay $0x3  }
0x96: {  	_ =	strace s2  }
0x97: {  	_ =	strace $0x8FFFFFFF  }
0x98: {  	s18 =	sld [smem:$0x3FDB];
	_ =	sdelay $0x1  }
0x99: {  	s19 =	simm.s32 $_scs_section_size  }
0x9a: {  	s4 =	simm.s32 $_size__tile_overlayer_lowered;
	s5 =	simm.s32 $_tile_overlayer_lowered  }
0x9b: {  	s22 =	simm.s32 $0x1BFF;
	s21 =	sshll.u32 s5, $0x1;
	s2 =	sadd.s32 s19, s18  }
0x9c: {  	s6 =	simm.s32 $0x0;
	s20 =	sshll.u32 s4, $0x1;
	s4 =	sadd.s32 s21, s2  }
0x9d: {  	[timem:s6], [sflag:s22] =	dma.local [hbm:s4], s20  }
0x9e: {  	_ =	swait.ge [sflag:s22], s20  }
0x9f: {  	s3 =	ssub.s32 $0x0, s20;
	[sflag:s22] =	ssyncset.done $0x0  }
0xa0: {  	[sflag:s22] =	ssyncadd.s32 s3;
	_ =	sdelay $0x1  }
0xa1: {  	s23 =	simm.s32 $0x1B8B  }
0xa2: {  	_ =	swait.ge [sflag:s23], $0x1  }
0xa3: {  	[sflag:s23] =	ssyncset.done $0x0  }
0xa4: {  	s25 =	simm.s32 $0x1B8E;
	s24 =	sld [smem:$0x3FFE];
	[sflag:s23] =	ssyncadd.s32 $0xFFFFFFFF  }
0xa5: {  	s26 =	simm.s32 $execute0_lowered;
	[smem:$0x3FD2] =	sst s25  }
0xa6: {  	s4 =	sshll.u32 s26, $0x1;
	_ =	strace $0x80000046;
	[dreg:$0x1] =	wrdreg $0xFFFFFFFF  }
0xa7: {  	s28 =	simm.s32 $_size_execute0_lowered;
	s2 =	sadd.s32 s2, s4;
	[dreg:$0x0] =	wrdreg $0x0  }
0xa8: {  	s4 =	sshll.u32 s28, $0x1;
	[dreg:$0x2] =	wrdreg s2  }
0xa9: {  	[dreg:$0x3] =	wrdreg s4  }
0xaa: {  	[dreg:$0x4] =	wrdreg $0xC0  }
0xab: {  	_ =	task [dreg:s6], $0x5FFFF  }
0xac: {  	[dreg:$0x1] =	wrdreg $0xFFFFFFFF  }
0xad: {  	[dreg:$0x0] =	wrdreg $0x60  }
0xae: {  	[dreg:$0x2] =	wrdreg s24  }
0xaf: {  	[dreg:$0x3] =	wrdreg $0x9  }
0xb0: {  	_ =	task.clear_ibuf [dreg:s6], $0x4FFFF;
	_ =	strace $0x90000046  }
0xb1: {  	s29 =	simm.s32 $0x9;
	_ =	strace $0x80000048  }
0xb2: {  	_ =	swait.ge [sflag:s29], $0x1  }
0xb3: {  	[sflag:s29] =	ssyncadd.s32 $0xFFFFFFFF  }
0xb4: {  	_ =	strace $0x90000048  }
0xb5: {  	_ =	sfence  }
0xb6: {  	s30 =	sld [smem:$0x0];
	_ =	sdelay $0x2  }
0xb7: {  	s31 =	sshll.u32 s1, $0xD;
	s1 =	sshrl.u32 s1, $0x2  }
0xb8: {  	s3 =	sand.u32 $0x4000, s31;
	s1 =	sadd.s32 s1, s30  }
0xb9: {  	s0 =	sor.u32 s3, s0;
	s1 =	sshll.u32 s1, $0x11  }
0xba: {  	s0 =	sor.u32 s1, s0  }
0xbb: {  	s0 =	sadd.s32 $0x8F2B, s0  }
0xbc: {  	[sflag:s0] =	ssyncadd.remote.s32 $0x1  }
0xbd: {  	_ =	sfence.sel $0xFFFF  }
0xbe: {  	[dreg:$0x0] =	wrdreg $0xFFFFFFFF;
	(pc) =	sbr.abs _section_cstart, $3  }
0xbf: {  	[dreg:$0x1] =	wrdreg $0xFFFFFFFF  }
0xc0: {  	_ =	task.clear_ibuf [dreg:s6], $0x2FFFF;
	_ =	strace $0x9FFFFFFF  }
0xc1: {  	(tm) =	ssettm $0x7FFFFFFF  }
tec
execute0_lowered:
.L_overlay_start_1:
0x0: {  	(tag) =	ssettag $0x1  }
0x1: {  	s0 =	srdreg.scid  }
0x2: {  	s3 =	sand.u32 $0x1, s0  }
0x3: {  	s0 =	stileid.u32;
	s1 =	sshll.u32 s3, $0x4  }
0x4: {  	s5 =	rddreg [dreg:$0x0];
	s2 =	simm.s32 $0x0;
	s1 =	sor.u32 s0, s1  }
0x5: {  	s7 =	simm.s32 $0x400;
	s8 =	simm.s32 $0x1;
	s1 =	sshrl.u32 s1, $0x3  }
0x6: {  	s9 =	simm.s32 $0x2780;
	s30 =	sshll.u32 s0, $0x7;
	s4 =	smul.u32 $0x13C00, s1  }
0x7: {  	s10 =	simm.s32 $0x0;
	s3 =	ssub.s32 $0x2, s3;
	s6 =	sand.u32 $0x380, s30  }
0x8: {  	[smem:$0x7FF] =	sst s2;
	s31 =	sshrl.u32 s3, $0x1;
	s4 =	sor.u32 s6, s4  }
0x9: {  	s1 =	rddreg [dreg:$0x1];
	_ =	strace $0x80000047;
	s4 =	sshrl.u32 s4, $0x3  }
0xa: {  	s6 =	simm.s32 $0x80;
	s4 =	sadd.s32 s4, s5;
	s5 =	ssub.s32 s3, s31  }
0xb: {  	v0 =	vimm.f32 $0.0e+00;
	v1 =	vimm.f32 $1.000000000e+00;
	s3 =	sadd.s32 $0x1E00, s4;
	s4 =	sadd.s32 $0xBC00, s4;
	s5 =	smax.u32 s5, $0x1  }
.LBB2_1:
0xc: {  	[tilespmem:s2], [sflag:$0x1] =	stream.strided.gather [hbm4b:s3+s6], $0x2780, s7, s6, $0x38;
	[tilespmem:$0x4F00] =	vst v63  }
0xd: {  	_ =	swait.ge [sflag:s8], $0x2780  }
0xe: {  	[sflag:s8] =	ssyncset.done $0x0  }
0xf: {  	s11 =	simm.s32 $0x0;
	[sflag:s8] =	ssyncadd.s32 $0xFFFFD880  }
.LBB2_2:
0x10: {  	p0 =	sne.s32 s11, $0x9C00  }
.Ltmp0:
0x11: {  	_ = 	snop;
	(pc) =	sbr.rel @p0 .LBB2_2-.Ltmp0, $3  }
0x12: {  	_ =	sdelay $0x1  }
0x13: {  	s12 =	sshra.s32 s11, $0x2  }
0x14: {  	s11 =	sadd.s32 $0x40, s11;
	[tilespmem:s12+$0x2780] =	vst v0  }
0x15: {  	s12 =	simm.s32 $0x0;
	s11 =	simm.s32 $0x40  }
.LBB2_4:
0x16: {  	p0 =	sne.s32 s11, $0x9C00;
	v2 =	vld [tilespmem:s12+$0x0];
	_ =	sdelay $0x3  }
.Ltmp1:
0x17: {  	(pc) =	sbr.rel @p0 .LBB2_4-.Ltmp1, $2  }
0x18: {  	_ =	sdelay $0x2  }
0x19: {  	s12 =	sshra.s32 s11, $0x2;
	s11 =	sadd.s32 $0x40, s11;
	[tilespmem:v2+s9+$0x0] =	vst.idx.add.f32.msk $0xffff, v1  }
0x1a: {  	v2 =	vld [tilespmem:s12+$0x0];
	_ =	sdelay $0x5  }
0x1b: {  	s10 =	sadd.s32 $0x1, s10  }
0x1c: {  	p0 =	sne.s32 s10, s5  }
.Ltmp2:
0x1d: {  	[tilespmem:v2+s9+$0x0] =	vst.idx.add.f32.msk $0xffff, v1;
	(pc) =	sbr.rel @p0 .LBB2_1-.Ltmp2, $4  }
0x1e: {  	[hbm4b:s4+s6] =	stream.strided.scatter [tilespmem:s9], [sflag:$0x1], $0x2780, s7, s6, $0x38;
	[tilespmem:$0x4F00] =	vst v63  }
0x1f: {  	_ =	swait.ge [sflag:s8], $0x2780  }
0x20: {  	[sflag:s8] =	ssyncset.done $0x0  }
0x21: {  	[sflag:s8] =	ssyncadd.s32 $0xFFFFD880  }
0x22: {  	_ =	sfence.sel $0x180000  }
0x23: {  	[bflag:$0x0] =	sbarrier.arrive $0xFFFF  }
0x24: {  	p0 =	sne.s32 s0, $0x0;
	_ =	strace $0x90000047  }
0x25: {  	s0 =	sadd.s32 @!p0 $0x100000, s1;
	[bflag:$0x2] =	sbarrier.arrive $0xFFFF  }
0x26: {  	[sflag:s0] =	ssyncadd.tile.s32 @!p0 $0x1;
	_ =	shalt  }
.Lfunc_end2:
_tile_overlayer_lowered:
.L_overlay_start_2:
0x27: {  	(tag) =	ssettag $0x2  }
0x28: {  	s0 =	rddreg [dreg:$0x0];
	s2 =	stileid.u32  }
0x29: {  	s1 =	rddreg [dreg:$0x1];
	p0 =	sne.s32 s2, $0x0  }
0x2a: {  	s3 =	rddreg [dreg:$0x2];
	[bflag:$0x3] =	sbarrier.arrive $0xFFFF;
	s2 =	simm.s32 @!p0 $0x1C01  }
0x2b: {  	[timem:s3], [sflag:s2] =	dma.local @!p0 [hbm:s0], s1  }
0x2c: {  	s0 =	simm.s32 @!p0 $0x1  }
0x2d: {  	_ =	swait.ge @!p0 [sflag:s0], s1  }
0x2e: {  	s1 =	ssub.s32 @!p0 $0x0, s1;
	[sflag:s0] =	ssyncset.done @!p0 $0x0  }
0x2f: {  	[sflag:s0] =	ssyncadd.s32 @!p0 s1  }
0x30: {  	[bflag:$0x3] =	sbarrier.arrive $0xFFFF  }
0x31: {  	_ =	shalt  }

</sc_bundles>
